<compile_context>
chip_gen: v7x
topology: tpu7x:2x2x1
jax: 0.10.2.dev20260603
libtpu: 0.0.44.dev20260713+nightly
codegen_flags: <defaults>
</compile_context>

<pallas_src>
import functools

import jax
import jax.numpy as jnp
from jax import lax
from jax.experimental import pallas as pl
from jax.experimental.pallas import tpu as pltpu
from jax.experimental.pallas import tpu_sc as plsc

N_NODES = 10000
N_EDGES = 320000
D = 128

NC = 2
NS = 16
NW = NC * NS
EPW = N_EDGES // NW
CHUNK = 80
NCHUNK = EPW // CHUNK
A_ROWS = 10112
ARPT = A_ROWS // NS

_MESH = plsc.VectorSubcoreMesh(
    core_axis_name="c", subcore_axis_name="s", num_cores=NC)


@functools.partial(
    pl.kernel,
    out_type=jax.ShapeDtypeStruct((NC, A_ROWS, D), jnp.float32),
    mesh=_MESH,
    scratch_types=[
        pltpu.VMEM((EPW,), jnp.int32),
        pltpu.VMEM((NCHUNK, CHUNK), jnp.int32),
        pltpu.VMEM((2, CHUNK, D), jnp.float32),
        pltpu.VMEM_SHARED((A_ROWS, D), jnp.float32),
        pltpu.SemaphoreType.DMA,
        pltpu.SemaphoreType.DMA,
    ],
)
def _agg(x_hbm, src_hbm, dst_hbm, zeros_hbm, out_hbm, sidx_v, didx_v, rows_v,
         acc_sh, gsem0, gsem1):
  cid = lax.axis_index("c")
  sid = lax.axis_index("s")
  wid = sid * NC + cid

  pltpu.sync_copy(zeros_hbm, acc_sh.at[pl.ds(sid * ARPT, ARPT)])
  pltpu.sync_copy(src_hbm.at[wid], sidx_v)
  pltpu.sync_copy(dst_hbm.at[wid], didx_v)
  plsc.subcore_barrier()

  gsems = (gsem0, gsem1)

  def fire(j, buf):
    pltpu.async_copy(
        x_hbm.at[sidx_v.at[pl.ds(j * CHUNK, CHUNK)]], rows_v.at[buf],
        gsems[buf])

  fire(0, 0)
  fire(1, 1)

  def step(j, buf):
    pltpu.make_async_copy(
        x_hbm.at[sidx_v.at[pl.ds(j * CHUNK, CHUNK)]], rows_v.at[buf],
        gsems[buf]).wait()
    pltpu.sync_copy(rows_v.at[buf], acc_sh.at[didx_v.at[j]], add=True)

    @pl.when(j + 2 < NCHUNK)
    def _():
      fire(j + 2, buf)

  def loop_body(jj, _):
    step(2 * jj, 0)
    step(2 * jj + 1, 1)
    return 0

  lax.fori_loop(0, NCHUNK // 2, loop_body, 0)
  if NCHUNK % 2:
    step(NCHUNK - 1, 0)

  plsc.subcore_barrier()
  pltpu.sync_copy(
      acc_sh.at[pl.ds(sid * ARPT, ARPT)],
      out_hbm.at[cid, pl.ds(sid * ARPT, ARPT)])


@functools.partial(
    pl.kernel,
    out_type=jax.ShapeDtypeStruct((NC, A_ROWS, D), jnp.float32),
    mesh=_MESH,
    scratch_types=[
        pltpu.VMEM((NCHUNK, CHUNK), jnp.int32),
        pltpu.VMEM((CHUNK, D), jnp.float32),
        pltpu.VMEM_SHARED((A_ROWS, D), jnp.float32),
        pltpu.SemaphoreType.DMA,
    ],
)
def _deg(ei_hbm, ones_hbm, zeros_hbm, out_hbm, idx_v, ones_v, acc_sh, sem):
  cid = lax.axis_index("c")
  sid = lax.axis_index("s")
  wid = sid * NC + cid

  pltpu.sync_copy(zeros_hbm, acc_sh.at[pl.ds(sid * ARPT, ARPT)])
  pltpu.sync_copy(ei_hbm.at[1, wid], idx_v)
  pltpu.sync_copy(ones_hbm, ones_v)
  plsc.subcore_barrier()

  G = 25

  def loop_body(g, _):
    for b in range(G):
      pltpu.async_copy(ones_v, acc_sh.at[idx_v.at[G * g + b]], sem, add=True)
    for b in range(G):
      pltpu.make_async_copy(ones_v, acc_sh.at[idx_v.at[G * g + b]], sem).wait()
    return 0

  lax.fori_loop(0, NCHUNK // G, loop_body, 0)

  plsc.subcore_barrier()
  pltpu.sync_copy(
      acc_sh.at[pl.ds(sid * ARPT, ARPT)],
      out_hbm.at[cid, pl.ds(sid * ARPT, ARPT)])


_BLK = 1000


def _tc_body(parts_ref, deg_ref, w_ref, b_ref, h_ref):
  s = parts_ref[0] + parts_ref[1]
  h = lax.dot_general(s, w_ref[...], (((1,), (1,)), ((), ())),
                      preferred_element_type=jnp.float32)
  deg = deg_ref[0, :, :1] + deg_ref[1, :, :1]
  h_ref[...] = h + deg * b_ref[...]


def _tc_layer(parts, deg, W, b):
  return pl.pallas_call(
      _tc_body,
      grid=(N_NODES // _BLK,),
      in_specs=[
          pl.BlockSpec((NC, _BLK, D), lambda i: (0, i, 0)),
          pl.BlockSpec((NC, _BLK, D), lambda i: (0, i, 0)),
          pl.BlockSpec((D, D), lambda i: (0, 0)),
          pl.BlockSpec((D,), lambda i: (0,)),
      ],
      out_specs=pl.BlockSpec((_BLK, D), lambda i: (i, 0)),
      out_shape=jax.ShapeDtypeStruct((N_NODES, D), jnp.float32),
  )(parts, deg, W, b)


def kernel(x, edge_index, W0, b0, W1, b1):
  ei = edge_index.astype(jnp.int32)
  ei80 = ei.reshape(2, NW, NCHUNK, CHUNK)
  src2 = ei[0].reshape(NW, EPW)
  dst3 = ei[1].reshape(NW, NCHUNK, CHUNK)
  z = jnp.zeros((ARPT, D), jnp.float32)
  ones = jnp.ones((CHUNK, D), jnp.float32)

  deg = _deg(ei80, ones, z)
  parts1 = _agg(x, src2, dst3, z)
  h1 = _tc_layer(parts1, deg, W0, b0)
  parts2 = _agg(h1, src2, dst3, z)
  h2 = _tc_layer(parts2, deg, W1, b1)
  return h2

# --- scband reference (transcript-rebuilt; emitter-appended) ---
"""Pipeline reference for scband-gnn-31860067402050 (READ-ONLY COPY).

The authoritative reference and input builder live on the scoring server;
editing this copy changes nothing except your own understanding.
"""

import jax, jax.numpy as jnp
import numpy as np

N_NODES = 10000
N_EDGES = 320000
D_IN = 128
D_OUT = 128


def setup_inputs(seed: int = 0) -> dict:
    key = jax.random.key(seed)
    k_x, k_e, k_w0, k_b0, k_w1, k_b1 = jax.random.split(key, 6)
    x = jax.random.normal(k_x, (N_NODES, D_IN), dtype=jnp.float32)
    edge_index = jax.random.randint(k_e, (2, N_EDGES), 0, N_NODES, dtype=jnp.int64)
    # Linear layer params per nn.Linear convention: y = x @ W.T + b
    W0 = jax.random.normal(k_w0, (D_OUT, D_IN), dtype=jnp.float32) * (1.0 / np.sqrt(D_IN))
    b0 = jax.random.normal(k_b0, (D_OUT,), dtype=jnp.float32) * 0.01
    W1 = jax.random.normal(k_w1, (D_OUT, D_OUT), dtype=jnp.float32) * (1.0 / np.sqrt(D_OUT))
    b1 = jax.random.normal(k_b1, (D_OUT,), dtype=jnp.float32) * 0.01
    return {"x": x, "edge_index": edge_index, "W0": W0, "b0": b0, "W1": W1, "b1": b1}


def reference(x, edge_index, W0, b0, W1, b1):
    # GNN with 2 GNNLayers. Each layer:
    #   message m_e = Linear(h[src_e])  (GNNTransformer)
    #   reduce: h[v] = sum over incoming messages (torch.sum over mailbox dim)
    src = edge_index[0]
    dst = edge_index[1]
    h = x
    for (W, b) in ((W0, b0), (W1, b1)):
        m = h[src] @ W.T + b  # per-edge transformed source features
        h = jax.ops.segment_sum(m, dst, num_segments=N_NODES)
    return h

if __name__ == "__main__":
    import jax
    _d = setup_inputs()
    print(jax.jit(kernel)(*tuple(_d.values())))

</pallas_src>

<mosaic_0001>
#map = affine_map<(d0, d1) -> (0, 0)>
#map1 = affine_map<(d0, d1) -> (0, 0, 0)>
module attributes {stable_mosaic.version = 14 : i64} {
  func.func @_agg(%arg0: i32, %arg1: i32, %arg2: memref<10000x128xf32, #tpu.memory_space<hbm>>, %arg3: memref<32x10000xi32, #tpu.memory_space<hbm>>, %arg4: memref<32x125x80xi32, #tpu.memory_space<hbm>>, %arg5: memref<632x128xf32, #tpu.memory_space<hbm>>, %arg6: memref<2x10112x128xf32, #tpu.memory_space<hbm>>, %arg7: memref<10000xi32, #tpu.memory_space<vmem>>, %arg8: memref<125x80xi32, #tpu.memory_space<vmem>>, %arg9: memref<2x80x128xf32, #tpu.memory_space<vmem>>, %arg10: memref<10112x128xf32, #tpu.memory_space<vmem_shared>>, %arg11: memref<!tpu.dma_semaphore, #tpu.memory_space<semaphore_mem>>, %arg12: memref<!tpu.dma_semaphore, #tpu.memory_space<semaphore_mem>>) attributes {dimension_semantics = [#tpu.dimension_semantics<core_parallel>, #tpu.dimension_semantics<subcore_parallel>], iteration_bounds = array<i64: 2, 16>, scalar_prefetch = 0 : i64, scratch_operands = 6 : i64, tpu.core_type = #tpu.core_type<sc_vector_subcore>, window_params = [{transform_indices = #map}, {transform_indices = #map}, {transform_indices = #map1}, {transform_indices = #map}, {transform_indices = #map1}]} {
    %mul3A = arith.constant 2 : i32
    %mul3A_0 = arith.muli %arg1, %mul3A : i32
    %add3A = arith.addi %mul3A_0, %arg0 : i32
    %mul3A_1 = arith.constant 632 : i32
    %mul3A_2 = arith.muli %arg1, %mul3A_1 : i32
    "tpu.region"() ({
      %run_scoped3A_43 = tpu.sem_alloc : memref<!tpu.dma_semaphore, #tpu.memory_space<semaphore_mem>>
      %dma_start3A_44 = arith.constant 0 : i32
      %dma_start3A_45 = tpu.memref_slice %arg10[%mul3A_2, %dma_start3A_44] : memref<10112x128xf32, #tpu.memory_space<vmem_shared>> -> memref<632x128xf32, #tpu.memory_space<vmem_shared>>
      tpu.enqueue_dma source(%arg5 : memref<632x128xf32, #tpu.memory_space<hbm>>) target(%dma_start3A_45 : memref<632x128xf32, #tpu.memory_space<vmem_shared>>) target_semaphore(%run_scoped3A_43 : memref<!tpu.dma_semaphore, #tpu.memory_space<semaphore_mem>>)
      %dma_wait3A_46 = arith.constant 0 : i32
      %dma_wait3A_47 = tpu.memref_slice %arg10[%mul3A_2, %dma_wait3A_46] : memref<10112x128xf32, #tpu.memory_space<vmem_shared>> -> memref<632x128xf32, #tpu.memory_space<vmem_shared>>
      tpu.wait_dma2 semaphore(%run_scoped3A_43 : memref<!tpu.dma_semaphore, #tpu.memory_space<semaphore_mem>>) src(%arg5 : memref<632x128xf32, #tpu.memory_space<hbm>>) dst(%dma_wait3A_47 : memref<632x128xf32, #tpu.memory_space<vmem_shared>>)
      tpu.yield
    }) : () -> ()
    "tpu.region"() ({
      %run_scoped3A_43 = tpu.sem_alloc : memref<!tpu.dma_semaphore, #tpu.memory_space<semaphore_mem>>
      %dma_start3A_44 = arith.constant 0 : i32
      %dma_start3A_45 = tpu.memref_slice %arg3[%add3A, %dma_start3A_44] : memref<32x10000xi32, #tpu.memory_space<hbm>> -> memref<1x10000xi32, #tpu.memory_space<hbm>>
      %dma_start3A_46 = tpu.memref_squeeze %dma_start3A_45 : memref<1x10000xi32, #tpu.memory_space<hbm>> -> memref<10000xi32, #tpu.memory_space<hbm>>
      %dma_start3A_47 = arith.constant 0 : i32
      %dma_start3A_48 = tpu.memref_slice %arg3[%add3A, %dma_start3A_47] : memref<32x10000xi32, #tpu.memory_space<hbm>> -> memref<1x10000xi32, #tpu.memory_space<hbm>>
      %dma_start3A_49 = tpu.memref_squeeze %dma_start3A_48 : memref<1x10000xi32, #tpu.memory_space<hbm>> -> memref<10000xi32, #tpu.memory_space<hbm>>
      tpu.enqueue_dma source(%dma_start3A_49 : memref<10000xi32, #tpu.memory_space<hbm>>) target(%arg7 : memref<10000xi32, #tpu.memory_space<vmem>>) target_semaphore(%run_scoped3A_43 : memref<!tpu.dma_semaphore, #tpu.memory_space<semaphore_mem>>)
      %dma_wait3A_50 = arith.constant 0 : i32
      %dma_wait3A_51 = tpu.memref_slice %arg3[%add3A, %dma_wait3A_50] : memref<32x10000xi32, #tpu.memory_space<hbm>> -> memref<1x10000xi32, #tpu.memory_space<hbm>>
      %dma_wait3A_52 = tpu.memref_squeeze %dma_wait3A_51 : memref<1x10000xi32, #tpu.memory_space<hbm>> -> memref<10000xi32, #tpu.memory_space<hbm>>
      %dma_wait3A_53 = arith.constant 0 : i32
      %dma_wait3A_54 = tpu.memref_slice %arg3[%add3A, %dma_wait3A_53] : memref<32x10000xi32, #tpu.memory_space<hbm>> -> memref<1x10000xi32, #tpu.memory_space<hbm>>
      %dma_wait3A_55 = tpu.memref_squeeze %dma_wait3A_54 : memref<1x10000xi32, #tpu.memory_space<hbm>> -> memref<10000xi32, #tpu.memory_space<hbm>>
      tpu.wait_dma2 semaphore(%run_scoped3A_43 : memref<!tpu.dma_semaphore, #tpu.memory_space<semaphore_mem>>) src(%dma_wait3A_55 : memref<10000xi32, #tpu.memory_space<hbm>>) dst(%arg7 : memref<10000xi32, #tpu.memory_space<vmem>>)
      tpu.yield
    }) : () -> ()
    "tpu.region"() ({
      %run_scoped3A_43 = tpu.sem_alloc : memref<!tpu.dma_semaphore, #tpu.memory_space<semaphore_mem>>
      %dma_start3A_44 = arith.constant 0 : i32
      %dma_start3A_45 = arith.constant 0 : i32
      %dma_start3A_46 = tpu.memref_slice %arg4[%add3A, %dma_start3A_44, %dma_start3A_45] : memref<32x125x80xi32, #tpu.memory_space<hbm>> -> memref<1x125x80xi32, #tpu.memory_space<hbm>>
      %dma_start3A_47 = tpu.memref_squeeze %dma_start3A_46 : memref<1x125x80xi32, #tpu.memory_space<hbm>> -> memref<125x80xi32, #tpu.memory_space<hbm>>
      %dma_start3A_48 = arith.constant 0 : i32
      %dma_start3A_49 = arith.constant 0 : i32
      %dma_start3A_50 = tpu.memref_slice %arg4[%add3A, %dma_start3A_48, %dma_start3A_49] : memref<32x125x80xi32, #tpu.memory_space<hbm>> -> memref<1x125x80xi32, #tpu.memory_space<hbm>>
      %dma_start3A_51 = tpu.memref_squeeze %dma_start3A_50 : memref<1x125x80xi32, #tpu.memory_space<hbm>> -> memref<125x80xi32, #tpu.memory_space<hbm>>
      tpu.enqueue_dma source(%dma_start3A_51 : memref<125x80xi32, #tpu.memory_space<hbm>>) target(%arg8 : memref<125x80xi32, #tpu.memory_space<vmem>>) target_semaphore(%run_scoped3A_43 : memref<!tpu.dma_semaphore, #tpu.memory_space<semaphore_mem>>)
      %dma_wait3A_52 = arith.constant 0 : i32
      %dma_wait3A_53 = arith.constant 0 : i32
      %dma_wait3A_54 = tpu.memref_slice %arg4[%add3A, %dma_wait3A_52, %dma_wait3A_53] : memref<32x125x80xi32, #tpu.memory_space<hbm>> -> memref<1x125x80xi32, #tpu.memory_space<hbm>>
      %dma_wait3A_55 = tpu.memref_squeeze %dma_wait3A_54 : memref<1x125x80xi32, #tpu.memory_space<hbm>> -> memref<125x80xi32, #tpu.memory_space<hbm>>
      %dma_wait3A_56 = arith.constant 0 : i32
      %dma_wait3A_57 = arith.constant 0 : i32
      %dma_wait3A_58 = tpu.memref_slice %arg4[%add3A, %dma_wait3A_56, %dma_wait3A_57] : memref<32x125x80xi32, #tpu.memory_space<hbm>> -> memref<1x125x80xi32, #tpu.memory_space<hbm>>
      %dma_wait3A_59 = tpu.memref_squeeze %dma_wait3A_58 : memref<1x125x80xi32, #tpu.memory_space<hbm>> -> memref<125x80xi32, #tpu.memory_space<hbm>>
      tpu.wait_dma2 semaphore(%run_scoped3A_43 : memref<!tpu.dma_semaphore, #tpu.memory_space<semaphore_mem>>) src(%dma_wait3A_59 : memref<125x80xi32, #tpu.memory_space<hbm>>) dst(%arg8 : memref<125x80xi32, #tpu.memory_space<vmem>>)
      tpu.yield
    }) : () -> ()
    %barrier3A = arith.constant 0 : index
    tpu.barrier barrier_id(%barrier3A)
    %dma_start3A = arith.constant 0 : i32
    %dma_start3A_3 = arith.constant 0 : i32
    %dma_start3A_4 = arith.constant 0 : i32
    %dma_start3A_5 = tpu.memref_slice %arg9[%dma_start3A, %dma_start3A_3, %dma_start3A_4] : memref<2x80x128xf32, #tpu.memory_space<vmem>> -> memref<1x80x128xf32, #tpu.memory_space<vmem>>
    %dma_start3A_6 = tpu.memref_squeeze %dma_start3A_5 : memref<1x80x128xf32, #tpu.memory_space<vmem>> -> memref<80x128xf32, #tpu.memory_space<vmem>>
    %dma_start3A_7 = arith.constant 0 : i32
    %dma_start3A_8 = tpu.memref_slice %arg7[%dma_start3A_7] : memref<10000xi32, #tpu.memory_space<vmem>> -> memref<80xi32, #tpu.memory_space<vmem>>
    %dma_start3A_9 = arith.constant 0 : i32
    %dma_start3A_10 = arith.constant 0 : i32
    %dma_start3A_11 = tpu.memref_slice %arg2[%dma_start3A_9, %dma_start3A_10] : memref<10000x128xf32, #tpu.memory_space<hbm>> -> memref<10000x128xf32, #tpu.memory_space<hbm>>
    tpu.enqueue_indirect_dma source(%dma_start3A_11 : memref<10000x128xf32, #tpu.memory_space<hbm>>) target(%dma_start3A_6 : memref<80x128xf32, #tpu.memory_space<vmem>>) offsets(%dma_start3A_8 : memref<80xi32, #tpu.memory_space<vmem>>) semaphore(%arg11 : memref<!tpu.dma_semaphore, #tpu.memory_space<semaphore_mem>>)
    %dma_start3A_12 = arith.constant 1 : i32
    %dma_start3A_13 = arith.constant 0 : i32
    %dma_start3A_14 = arith.constant 0 : i32
    %dma_start3A_15 = tpu.memref_slice %arg9[%dma_start3A_12, %dma_start3A_13, %dma_start3A_14] : memref<2x80x128xf32, #tpu.memory_space<vmem>> -> memref<1x80x128xf32, #tpu.memory_space<vmem>>
    %dma_start3A_16 = tpu.memref_squeeze %dma_start3A_15 : memref<1x80x128xf32, #tpu.memory_space<vmem>> -> memref<80x128xf32, #tpu.memory_space<vmem>>
    %dma_start3A_17 = arith.constant 80 : i32
    %dma_start3A_18 = tpu.memref_slice %arg7[%dma_start3A_17] : memref<10000xi32, #tpu.memory_space<vmem>> -> memref<80xi32, #tpu.memory_space<vmem>>
    %dma_start3A_19 = arith.constant 0 : i32
    %dma_start3A_20 = arith.constant 0 : i32
    %dma_start3A_21 = tpu.memref_slice %arg2[%dma_start3A_19, %dma_start3A_20] : memref<10000x128xf32, #tpu.memory_space<hbm>> -> memref<10000x128xf32, #tpu.memory_space<hbm>>
    tpu.enqueue_indirect_dma source(%dma_start3A_21 : memref<10000x128xf32, #tpu.memory_space<hbm>>) target(%dma_start3A_16 : memref<80x128xf32, #tpu.memory_space<vmem>>) offsets(%dma_start3A_18 : memref<80xi32, #tpu.memory_space<vmem>>) semaphore(%arg12 : memref<!tpu.dma_semaphore, #tpu.memory_space<semaphore_mem>>)
    %scan3A = arith.constant 0 : i32
    %scan3A_22 = arith.constant 0 : i32
    %scan3A_23 = arith.constant 62 : i32
    %scan3A_24 = arith.addi %scan3A_22, %scan3A_23 : i32
    %scan3A_25 = arith.constant 1 : i32
    %scan3A_26 = scf.for %scan3A_43 = %scan3A_22 to %scan3A_24 step %scan3A_25 iter_args(%scan3A_44 = %scan3A) -> (i32)  : i32 {
      %mul3A_45 = arith.constant 2 : i32
      %mul3A_46 = arith.muli %mul3A_45, %scan3A_43 : i32
      %mul3A_47 = arith.constant 80 : i32
      %mul3A_48 = arith.muli %mul3A_46, %mul3A_47 : i32
      %dma_wait3A_49 = arith.constant 0 : i32
      %dma_wait3A_50 = arith.constant 0 : i32
      %dma_wait3A_51 = arith.constant 0 : i32
      %dma_wait3A_52 = tpu.memref_slice %arg9[%dma_wait3A_49, %dma_wait3A_50, %dma_wait3A_51] : memref<2x80x128xf32, #tpu.memory_space<vmem>> -> memref<1x80x128xf32, #tpu.memory_space<vmem>>
      %dma_wait3A_53 = tpu.memref_squeeze %dma_wait3A_52 : memref<1x80x128xf32, #tpu.memory_space<vmem>> -> memref<80x128xf32, #tpu.memory_space<vmem>>
      %dma_wait3A_54 = tpu.memref_slice %arg7[%mul3A_48] : memref<10000xi32, #tpu.memory_space<vmem>> -> memref<80xi32, #tpu.memory_space<vmem>>
      %dma_wait3A_55 = arith.constant 0 : i32
      %dma_wait3A_56 = arith.constant 0 : i32
      %dma_wait3A_57 = tpu.memref_slice %arg2[%dma_wait3A_55, %dma_wait3A_56] : memref<10000x128xf32, #tpu.memory_space<hbm>> -> memref<10000x128xf32, #tpu.memory_space<hbm>>
      tpu.wait_indirect_dma semaphore(%arg11 : memref<!tpu.dma_semaphore, #tpu.memory_space<semaphore_mem>>) src(%dma_wait3A_57 : memref<10000x128xf32, #tpu.memory_space<hbm>>) dst(%dma_wait3A_53 : memref<80x128xf32, #tpu.memory_space<vmem>>)
      %run_scoped3A_58 = arith.constant 0 : i32
      "tpu.region"() ({
        %run_scoped3A_87 = tpu.sem_alloc : memref<!tpu.dma_semaphore, #tpu.memory_space<semaphore_mem>>
        %dma_start3A_88 = arith.constant 0 : i32
        %dma_start3A_89 = arith.constant 0 : i32
        %dma_start3A_90 = tpu.memref_slice %arg9[%run_scoped3A_58, %dma_start3A_88, %dma_start3A_89] : memref<2x80x128xf32, #tpu.memory_space<vmem>> -> memref<1x80x128xf32, #tpu.memory_space<vmem>>
        %dma_start3A_91 = tpu.memref_squeeze %dma_start3A_90 : memref<1x80x128xf32, #tpu.memory_space<vmem>> -> memref<80x128xf32, #tpu.memory_space<vmem>>
        %dma_start3A_92 = arith.constant 0 : i32
        %dma_start3A_93 = tpu.memref_slice %arg8[%mul3A_46, %dma_start3A_92] : memref<125x80xi32, #tpu.memory_space<vmem>> -> memref<1x80xi32, #tpu.memory_space<vmem>>
        %dma_start3A_94 = tpu.memref_squeeze %dma_start3A_93 : memref<1x80xi32, #tpu.memory_space<vmem>> -> memref<80xi32, #tpu.memory_space<vmem>>
        %dma_start3A_95 = arith.constant 0 : i32
        %dma_start3A_96 = arith.constant 0 : i32
        %dma_start3A_97 = tpu.memref_slice %arg10[%dma_start3A_95, %dma_start3A_96] : memref<10112x128xf32, #tpu.memory_space<vmem_shared>> -> memref<10112x128xf32, #tpu.memory_space<vmem_shared>>
        tpu.enqueue_indirect_dma source(%dma_start3A_91 : memref<80x128xf32, #tpu.memory_space<vmem>>) target(%dma_start3A_97 : memref<10112x128xf32, #tpu.memory_space<vmem_shared>>) offsets(%dma_start3A_94 : memref<80xi32, #tpu.memory_space<vmem>>) semaphore(%run_scoped3A_87 : memref<!tpu.dma_semaphore, #tpu.memory_space<semaphore_mem>>) {add = true}
        %dma_wait3A_98 = arith.constant 0 : i32
        %dma_wait3A_99 = arith.constant 0 : i32
        %dma_wait3A_100 = tpu.memref_slice %arg9[%run_scoped3A_58, %dma_wait3A_98, %dma_wait3A_99] : memref<2x80x128xf32, #tpu.memory_space<vmem>> -> memref<1x80x128xf32, #tpu.memory_space<vmem>>
        %dma_wait3A_101 = tpu.memref_squeeze %dma_wait3A_100 : memref<1x80x128xf32, #tpu.memory_space<vmem>> -> memref<80x128xf32, #tpu.memory_space<vmem>>
        %dma_wait3A_102 = arith.constant 0 : i32
        %dma_wait3A_103 = tpu.memref_slice %arg8[%mul3A_46, %dma_wait3A_102] : memref<125x80xi32, #tpu.memory_space<vmem>> -> memref<1x80xi32, #tpu.memory_space<vmem>>
        %dma_wait3A_104 = tpu.memref_squeeze %dma_wait3A_103 : memref<1x80xi32, #tpu.memory_space<vmem>> -> memref<80xi32, #tpu.memory_space<vmem>>
        %dma_wait3A_105 = arith.constant 0 : i32
        %dma_wait3A_106 = arith.constant 0 : i32
        %dma_wait3A_107 = tpu.memref_slice %arg10[%dma_wait3A_105, %dma_wait3A_106] : memref<10112x128xf32, #tpu.memory_space<vmem_shared>> -> memref<10112x128xf32, #tpu.memory_space<vmem_shared>>
        tpu.wait_indirect_dma semaphore(%run_scoped3A_87 : memref<!tpu.dma_semaphore, #tpu.memory_space<semaphore_mem>>) src(%dma_wait3A_101 : memref<80x128xf32, #tpu.memory_space<vmem>>) dst(%dma_wait3A_107 : memref<10112x128xf32, #tpu.memory_space<vmem_shared>>)
        tpu.yield
      }) : () -> ()
      %add3A_59 = arith.constant 2 : i32
      %add3A_60 = arith.addi %mul3A_46, %add3A_59 : i32
      %lt3A = arith.constant 125 : i32
      %lt3A_61 = arith.cmpi slt, %add3A_60, %lt3A : i32
      %convert_element_type3A = arith.extui %lt3A_61 : i1 to i32
      %cond3A = arith.constant 0 : i32
      %cond3A_62 = arith.cmpi ne, %convert_element_type3A, %cond3A : i32
      scf.if %cond3A_62 {
        %add3A_87 = arith.constant 2 : i32
        %add3A_88 = arith.addi %mul3A_46, %add3A_87 : i32
        %mul3A_89 = arith.constant 80 : i32
        %mul3A_90 = arith.muli %add3A_88, %mul3A_89 : i32
        %dma_start3A_91 = arith.constant 0 : i32
        %dma_start3A_92 = arith.constant 0 : i32
        %dma_start3A_93 = arith.constant 0 : i32
        %dma_start3A_94 = tpu.memref_slice %arg9[%dma_start3A_91, %dma_start3A_92, %dma_start3A_93] : memref<2x80x128xf32, #tpu.memory_space<vmem>> -> memref<1x80x128xf32, #tpu.memory_space<vmem>>
        %dma_start3A_95 = tpu.memref_squeeze %dma_start3A_94 : memref<1x80x128xf32, #tpu.memory_space<vmem>> -> memref<80x128xf32, #tpu.memory_space<vmem>>
        %dma_start3A_96 = tpu.memref_slice %arg7[%mul3A_90] : memref<10000xi32, #tpu.memory_space<vmem>> -> memref<80xi32, #tpu.memory_space<vmem>>
        %dma_start3A_97 = arith.constant 0 : i32
        %dma_start3A_98 = arith.constant 0 : i32
        %dma_start3A_99 = tpu.memref_slice %arg2[%dma_start3A_97, %dma_start3A_98] : memref<10000x128xf32, #tpu.memory_space<hbm>> -> memref<10000x128xf32, #tpu.memory_space<hbm>>
        tpu.enqueue_indirect_dma source(%dma_start3A_99 : memref<10000x128xf32, #tpu.memory_space<hbm>>) target(%dma_start3A_95 : memref<80x128xf32, #tpu.memory_space<vmem>>) offsets(%dma_start3A_96 : memref<80xi32, #tpu.memory_space<vmem>>) semaphore(%arg11 : memref<!tpu.dma_semaphore, #tpu.memory_space<semaphore_mem>>)
      } else {
      }
      %mul3A_63 = arith.constant 2 : i32
      %mul3A_64 = arith.muli %mul3A_63, %scan3A_43 : i32
      %add3A_65 = arith.constant 1 : i32
      %add3A_66 = arith.addi %mul3A_64, %add3A_65 : i32
      %mul3A_67 = arith.constant 80 : i32
      %mul3A_68 = arith.muli %add3A_66, %mul3A_67 : i32
      %dma_wait3A_69 = arith.constant 1 : i32
      %dma_wait3A_70 = arith.constant 0 : i32
      %dma_wait3A_71 = arith.constant 0 : i32
      %dma_wait3A_72 = tpu.memref_slice %arg9[%dma_wait3A_69, %dma_wait3A_70, %dma_wait3A_71] : memref<2x80x128xf32, #tpu.memory_space<vmem>> -> memref<1x80x128xf32, #tpu.memory_space<vmem>>
      %dma_wait3A_73 = tpu.memref_squeeze %dma_wait3A_72 : memref<1x80x128xf32, #tpu.memory_space<vmem>> -> memref<80x128xf32, #tpu.memory_space<vmem>>
      %dma_wait3A_74 = tpu.memref_slice %arg7[%mul3A_68] : memref<10000xi32, #tpu.memory_space<vmem>> -> memref<80xi32, #tpu.memory_space<vmem>>
      %dma_wait3A_75 = arith.constant 0 : i32
      %dma_wait3A_76 = arith.constant 0 : i32
      %dma_wait3A_77 = tpu.memref_slice %arg2[%dma_wait3A_75, %dma_wait3A_76] : memref<10000x128xf32, #tpu.memory_space<hbm>> -> memref<10000x128xf32, #tpu.memory_space<hbm>>
      tpu.wait_indirect_dma semaphore(%arg12 : memref<!tpu.dma_semaphore, #tpu.memory_space<semaphore_mem>>) src(%dma_wait3A_77 : memref<10000x128xf32, #tpu.memory_space<hbm>>) dst(%dma_wait3A_73 : memref<80x128xf32, #tpu.memory_space<vmem>>)
      %run_scoped3A_78 = arith.constant 1 : i32
      "tpu.region"() ({
        %run_scoped3A_87 = tpu.sem_alloc : memref<!tpu.dma_semaphore, #tpu.memory_space<semaphore_mem>>
        %dma_start3A_88 = arith.constant 0 : i32
        %dma_start3A_89 = arith.constant 0 : i32
        %dma_start3A_90 = tpu.memref_slice %arg9[%run_scoped3A_78, %dma_start3A_88, %dma_start3A_89] : memref<2x80x128xf32, #tpu.memory_space<vmem>> -> memref<1x80x128xf32, #tpu.memory_space<vmem>>
        %dma_start3A_91 = tpu.memref_squeeze %dma_start3A_90 : memref<1x80x128xf32, #tpu.memory_space<vmem>> -> memref<80x128xf32, #tpu.memory_space<vmem>>
        %dma_start3A_92 = arith.constant 0 : i32
        %dma_start3A_93 = tpu.memref_slice %arg8[%add3A_66, %dma_start3A_92] : memref<125x80xi32, #tpu.memory_space<vmem>> -> memref<1x80xi32, #tpu.memory_space<vmem>>
        %dma_start3A_94 = tpu.memref_squeeze %dma_start3A_93 : memref<1x80xi32, #tpu.memory_space<vmem>> -> memref<80xi32, #tpu.memory_space<vmem>>
        %dma_start3A_95 = arith.constant 0 : i32
        %dma_start3A_96 = arith.constant 0 : i32
        %dma_start3A_97 = tpu.memref_slice %arg10[%dma_start3A_95, %dma_start3A_96] : memref<10112x128xf32, #tpu.memory_space<vmem_shared>> -> memref<10112x128xf32, #tpu.memory_space<vmem_shared>>
        tpu.enqueue_indirect_dma source(%dma_start3A_91 : memref<80x128xf32, #tpu.memory_space<vmem>>) target(%dma_start3A_97 : memref<10112x128xf32, #tpu.memory_space<vmem_shared>>) offsets(%dma_start3A_94 : memref<80xi32, #tpu.memory_space<vmem>>) semaphore(%run_scoped3A_87 : memref<!tpu.dma_semaphore, #tpu.memory_space<semaphore_mem>>) {add = true}
        %dma_wait3A_98 = arith.constant 0 : i32
        %dma_wait3A_99 = arith.constant 0 : i32
        %dma_wait3A_100 = tpu.memref_slice %arg9[%run_scoped3A_78, %dma_wait3A_98, %dma_wait3A_99] : memref<2x80x128xf32, #tpu.memory_space<vmem>> -> memref<1x80x128xf32, #tpu.memory_space<vmem>>
        %dma_wait3A_101 = tpu.memref_squeeze %dma_wait3A_100 : memref<1x80x128xf32, #tpu.memory_space<vmem>> -> memref<80x128xf32, #tpu.memory_space<vmem>>
        %dma_wait3A_102 = arith.constant 0 : i32
        %dma_wait3A_103 = tpu.memref_slice %arg8[%add3A_66, %dma_wait3A_102] : memref<125x80xi32, #tpu.memory_space<vmem>> -> memref<1x80xi32, #tpu.memory_space<vmem>>
        %dma_wait3A_104 = tpu.memref_squeeze %dma_wait3A_103 : memref<1x80xi32, #tpu.memory_space<vmem>> -> memref<80xi32, #tpu.memory_space<vmem>>
        %dma_wait3A_105 = arith.constant 0 : i32
        %dma_wait3A_106 = arith.constant 0 : i32
        %dma_wait3A_107 = tpu.memref_slice %arg10[%dma_wait3A_105, %dma_wait3A_106] : memref<10112x128xf32, #tpu.memory_space<vmem_shared>> -> memref<10112x128xf32, #tpu.memory_space<vmem_shared>>
        tpu.wait_indirect_dma semaphore(%run_scoped3A_87 : memref<!tpu.dma_semaphore, #tpu.memory_space<semaphore_mem>>) src(%dma_wait3A_101 : memref<80x128xf32, #tpu.memory_space<vmem>>) dst(%dma_wait3A_107 : memref<10112x128xf32, #tpu.memory_space<vmem_shared>>)
        tpu.yield
      }) : () -> ()
      %add3A_79 = arith.constant 2 : i32
      %add3A_80 = arith.addi %add3A_66, %add3A_79 : i32
      %lt3A_81 = arith.constant 125 : i32
      %lt3A_82 = arith.cmpi slt, %add3A_80, %lt3A_81 : i32
      %convert_element_type3A_83 = arith.extui %lt3A_82 : i1 to i32
      %cond3A_84 = arith.constant 0 : i32
      %cond3A_85 = arith.cmpi ne, %convert_element_type3A_83, %cond3A_84 : i32
      scf.if %cond3A_85 {
        %add3A_87 = arith.constant 2 : i32
        %add3A_88 = arith.addi %add3A_66, %add3A_87 : i32
        %mul3A_89 = arith.constant 80 : i32
        %mul3A_90 = arith.muli %add3A_88, %mul3A_89 : i32
        %dma_start3A_91 = arith.constant 1 : i32
        %dma_start3A_92 = arith.constant 0 : i32
        %dma_start3A_93 = arith.constant 0 : i32
        %dma_start3A_94 = tpu.memref_slice %arg9[%dma_start3A_91, %dma_start3A_92, %dma_start3A_93] : memref<2x80x128xf32, #tpu.memory_space<vmem>> -> memref<1x80x128xf32, #tpu.memory_space<vmem>>
        %dma_start3A_95 = tpu.memref_squeeze %dma_start3A_94 : memref<1x80x128xf32, #tpu.memory_space<vmem>> -> memref<80x128xf32, #tpu.memory_space<vmem>>
        %dma_start3A_96 = tpu.memref_slice %arg7[%mul3A_90] : memref<10000xi32, #tpu.memory_space<vmem>> -> memref<80xi32, #tpu.memory_space<vmem>>
        %dma_start3A_97 = arith.constant 0 : i32
        %dma_start3A_98 = arith.constant 0 : i32
        %dma_start3A_99 = tpu.memref_slice %arg2[%dma_start3A_97, %dma_start3A_98] : memref<10000x128xf32, #tpu.memory_space<hbm>> -> memref<10000x128xf32, #tpu.memory_space<hbm>>
        tpu.enqueue_indirect_dma source(%dma_start3A_99 : memref<10000x128xf32, #tpu.memory_space<hbm>>) target(%dma_start3A_95 : memref<80x128xf32, #tpu.memory_space<vmem>>) offsets(%dma_start3A_96 : memref<80xi32, #tpu.memory_space<vmem>>) semaphore(%arg12 : memref<!tpu.dma_semaphore, #tpu.memory_space<semaphore_mem>>)
      } else {
      }
      %scan3A_86 = arith.constant 0 : i32
      scf.yield %scan3A_86 : i32
    }
    %scan3A_27 = arith.constant 62 : i32
    %dma_wait3A = arith.constant 0 : i32
    %dma_wait3A_28 = arith.constant 0 : i32
    %dma_wait3A_29 = arith.constant 0 : i32
    %dma_wait3A_30 = tpu.memref_slice %arg9[%dma_wait3A, %dma_wait3A_28, %dma_wait3A_29] : memref<2x80x128xf32, #tpu.memory_space<vmem>> -> memref<1x80x128xf32, #tpu.memory_space<vmem>>
    %dma_wait3A_31 = tpu.memref_squeeze %dma_wait3A_30 : memref<1x80x128xf32, #tpu.memory_space<vmem>> -> memref<80x128xf32, #tpu.memory_space<vmem>>
    %dma_wait3A_32 = arith.constant 9920 : i32
    %dma_wait3A_33 = tpu.memref_slice %arg7[%dma_wait3A_32] : memref<10000xi32, #tpu.memory_space<vmem>> -> memref<80xi32, #tpu.memory_space<vmem>>
    %dma_wait3A_34 = arith.constant 0 : i32
    %dma_wait3A_35 = arith.constant 0 : i32
    %dma_wait3A_36 = tpu.memref_slice %arg2[%dma_wait3A_34, %dma_wait3A_35] : memref<10000x128xf32, #tpu.memory_space<hbm>> -> memref<10000x128xf32, #tpu.memory_space<hbm>>
    tpu.wait_indirect_dma semaphore(%arg11 : memref<!tpu.dma_semaphore, #tpu.memory_space<semaphore_mem>>) src(%dma_wait3A_36 : memref<10000x128xf32, #tpu.memory_space<hbm>>) dst(%dma_wait3A_31 : memref<80x128xf32, #tpu.memory_space<vmem>>)
    %run_scoped3A = arith.constant 0 : i32
    %run_scoped3A_37 = arith.constant 124 : i32
    "tpu.region"() ({
      %run_scoped3A_43 = tpu.sem_alloc : memref<!tpu.dma_semaphore, #tpu.memory_space<semaphore_mem>>
      %dma_start3A_44 = arith.constant 0 : i32
      %dma_start3A_45 = arith.constant 0 : i32
      %dma_start3A_46 = tpu.memref_slice %arg9[%run_scoped3A, %dma_start3A_44, %dma_start3A_45] : memref<2x80x128xf32, #tpu.memory_space<vmem>> -> memref<1x80x128xf32, #tpu.memory_space<vmem>>
      %dma_start3A_47 = tpu.memref_squeeze %dma_start3A_46 : memref<1x80x128xf32, #tpu.memory_space<vmem>> -> memref<80x128xf32, #tpu.memory_space<vmem>>
      %dma_start3A_48 = arith.constant 0 : i32
      %dma_start3A_49 = tpu.memref_slice %arg8[%run_scoped3A_37, %dma_start3A_48] : memref<125x80xi32, #tpu.memory_space<vmem>> -> memref<1x80xi32, #tpu.memory_space<vmem>>
      %dma_start3A_50 = tpu.memref_squeeze %dma_start3A_49 : memref<1x80xi32, #tpu.memory_space<vmem>> -> memref<80xi32, #tpu.memory_space<vmem>>
      %dma_start3A_51 = arith.constant 0 : i32
      %dma_start3A_52 = arith.constant 0 : i32
      %dma_start3A_53 = tpu.memref_slice %arg10[%dma_start3A_51, %dma_start3A_52] : memref<10112x128xf32, #tpu.memory_space<vmem_shared>> -> memref<10112x128xf32, #tpu.memory_space<vmem_shared>>
      tpu.enqueue_indirect_dma source(%dma_start3A_47 : memref<80x128xf32, #tpu.memory_space<vmem>>) target(%dma_start3A_53 : memref<10112x128xf32, #tpu.memory_space<vmem_shared>>) offsets(%dma_start3A_50 : memref<80xi32, #tpu.memory_space<vmem>>) semaphore(%run_scoped3A_43 : memref<!tpu.dma_semaphore, #tpu.memory_space<semaphore_mem>>) {add = true}
      %dma_wait3A_54 = arith.constant 0 : i32
      %dma_wait3A_55 = arith.constant 0 : i32
      %dma_wait3A_56 = tpu.memref_slice %arg9[%run_scoped3A, %dma_wait3A_54, %dma_wait3A_55] : memref<2x80x128xf32, #tpu.memory_space<vmem>> -> memref<1x80x128xf32, #tpu.memory_space<vmem>>
      %dma_wait3A_57 = tpu.memref_squeeze %dma_wait3A_56 : memref<1x80x128xf32, #tpu.memory_space<vmem>> -> memref<80x128xf32, #tpu.memory_space<vmem>>
      %dma_wait3A_58 = arith.constant 0 : i32
      %dma_wait3A_59 = tpu.memref_slice %arg8[%run_scoped3A_37, %dma_wait3A_58] : memref<125x80xi32, #tpu.memory_space<vmem>> -> memref<1x80xi32, #tpu.memory_space<vmem>>
      %dma_wait3A_60 = tpu.memref_squeeze %dma_wait3A_59 : memref<1x80xi32, #tpu.memory_space<vmem>> -> memref<80xi32, #tpu.memory_space<vmem>>
      %dma_wait3A_61 = arith.constant 0 : i32
      %dma_wait3A_62 = arith.constant 0 : i32
      %dma_wait3A_63 = tpu.memref_slice %arg10[%dma_wait3A_61, %dma_wait3A_62] : memref<10112x128xf32, #tpu.memory_space<vmem_shared>> -> memref<10112x128xf32, #tpu.memory_space<vmem_shared>>
      tpu.wait_indirect_dma semaphore(%run_scoped3A_43 : memref<!tpu.dma_semaphore, #tpu.memory_space<semaphore_mem>>) src(%dma_wait3A_57 : memref<80x128xf32, #tpu.memory_space<vmem>>) dst(%dma_wait3A_63 : memref<10112x128xf32, #tpu.memory_space<vmem_shared>>)
      tpu.yield
    }) : () -> ()
    %barrier3A_38 = arith.constant 0 : index
    tpu.barrier barrier_id(%barrier3A_38)
    %mul3A_39 = arith.constant 632 : i32
    %mul3A_40 = arith.muli %arg1, %mul3A_39 : i32
    %mul3A_41 = arith.constant 632 : i32
    %mul3A_42 = arith.muli %arg1, %mul3A_41 : i32
    "tpu.region"() ({
      %run_scoped3A_43 = tpu.sem_alloc : memref<!tpu.dma_semaphore, #tpu.memory_space<semaphore_mem>>
      %dma_start3A_44 = arith.constant 0 : i32
      %dma_start3A_45 = tpu.memref_slice %arg6[%arg0, %mul3A_42, %dma_start3A_44] : memref<2x10112x128xf32, #tpu.memory_space<hbm>> -> memref<1x632x128xf32, #tpu.memory_space<hbm>>
      %dma_start3A_46 = tpu.memref_squeeze %dma_start3A_45 : memref<1x632x128xf32, #tpu.memory_space<hbm>> -> memref<632x128xf32, #tpu.memory_space<hbm>>
      %dma_start3A_47 = arith.constant 0 : i32
      %dma_start3A_48 = tpu.memref_slice %arg10[%mul3A_40, %dma_start3A_47] : memref<10112x128xf32, #tpu.memory_space<vmem_shared>> -> memref<632x128xf32, #tpu.memory_space<vmem_shared>>
      tpu.enqueue_dma source(%dma_start3A_48 : memref<632x128xf32, #tpu.memory_space<vmem_shared>>) target(%dma_start3A_46 : memref<632x128xf32, #tpu.memory_space<hbm>>) target_semaphore(%run_scoped3A_43 : memref<!tpu.dma_semaphore, #tpu.memory_space<semaphore_mem>>)
      %dma_wait3A_49 = arith.constant 0 : i32
      %dma_wait3A_50 = tpu.memref_slice %arg6[%arg0, %mul3A_42, %dma_wait3A_49] : memref<2x10112x128xf32, #tpu.memory_space<hbm>> -> memref<1x632x128xf32, #tpu.memory_space<hbm>>
      %dma_wait3A_51 = tpu.memref_squeeze %dma_wait3A_50 : memref<1x632x128xf32, #tpu.memory_space<hbm>> -> memref<632x128xf32, #tpu.memory_space<hbm>>
      %dma_wait3A_52 = arith.constant 0 : i32
      %dma_wait3A_53 = tpu.memref_slice %arg10[%mul3A_40, %dma_wait3A_52] : memref<10112x128xf32, #tpu.memory_space<vmem_shared>> -> memref<632x128xf32, #tpu.memory_space<vmem_shared>>
      tpu.wait_dma2 semaphore(%run_scoped3A_43 : memref<!tpu.dma_semaphore, #tpu.memory_space<semaphore_mem>>) src(%dma_wait3A_53 : memref<632x128xf32, #tpu.memory_space<vmem_shared>>) dst(%dma_wait3A_51 : memref<632x128xf32, #tpu.memory_space<hbm>>)
      tpu.yield
    }) : () -> ()
    return
  }
}

#map = affine_map<(d0, d1) -> (0, 0, 0, 0)>
#map1 = affine_map<(d0, d1) -> (0, 0)>
#map2 = affine_map<(d0, d1) -> (0, 0, 0)>
module attributes {stable_mosaic.version = 14 : i64} {
  func.func @_deg(%arg0: i32, %arg1: i32, %arg2: memref<2x32x125x80xi32, #tpu.memory_space<hbm>>, %arg3: memref<80x128xf32, #tpu.memory_space<hbm>>, %arg4: memref<632x128xf32, #tpu.memory_space<hbm>>, %arg5: memref<2x10112x128xf32, #tpu.memory_space<hbm>>, %arg6: memref<125x80xi32, #tpu.memory_space<vmem>>, %arg7: memref<80x128xf32, #tpu.memory_space<vmem>>, %arg8: memref<10112x128xf32, #tpu.memory_space<vmem_shared>>, %arg9: memref<!tpu.dma_semaphore, #tpu.memory_space<semaphore_mem>>) attributes {dimension_semantics = [#tpu.dimension_semantics<core_parallel>, #tpu.dimension_semantics<subcore_parallel>], iteration_bounds = array<i64: 2, 16>, scalar_prefetch = 0 : i64, scratch_operands = 4 : i64, tpu.core_type = #tpu.core_type<sc_vector_subcore>, window_params = [{transform_indices = #map}, {transform_indices = #map1}, {transform_indices = #map1}, {transform_indices = #map2}]} {
    %mul3A = arith.constant 2 : i32
    %mul3A_0 = arith.muli %arg1, %mul3A : i32
    %add3A = arith.addi %mul3A_0, %arg0 : i32
    %mul3A_1 = arith.constant 632 : i32
    %mul3A_2 = arith.muli %arg1, %mul3A_1 : i32
    "tpu.region"() ({
      %run_scoped3A_14 = tpu.sem_alloc : memref<!tpu.dma_semaphore, #tpu.memory_space<semaphore_mem>>
      %dma_start3A = arith.constant 0 : i32
      %dma_start3A_15 = tpu.memref_slice %arg8[%mul3A_2, %dma_start3A] : memref<10112x128xf32, #tpu.memory_space<vmem_shared>> -> memref<632x128xf32, #tpu.memory_space<vmem_shared>>
      tpu.enqueue_dma source(%arg4 : memref<632x128xf32, #tpu.memory_space<hbm>>) target(%dma_start3A_15 : memref<632x128xf32, #tpu.memory_space<vmem_shared>>) target_semaphore(%run_scoped3A_14 : memref<!tpu.dma_semaphore, #tpu.memory_space<semaphore_mem>>)
      %dma_wait3A = arith.constant 0 : i32
      %dma_wait3A_16 = tpu.memref_slice %arg8[%mul3A_2, %dma_wait3A] : memref<10112x128xf32, #tpu.memory_space<vmem_shared>> -> memref<632x128xf32, #tpu.memory_space<vmem_shared>>
      tpu.wait_dma2 semaphore(%run_scoped3A_14 : memref<!tpu.dma_semaphore, #tpu.memory_space<semaphore_mem>>) src(%arg4 : memref<632x128xf32, #tpu.memory_space<hbm>>) dst(%dma_wait3A_16 : memref<632x128xf32, #tpu.memory_space<vmem_shared>>)
      tpu.yield
    }) : () -> ()
    %run_scoped3A = arith.constant 1 : i32
    "tpu.region"() ({
      %run_scoped3A_14 = tpu.sem_alloc : memref<!tpu.dma_semaphore, #tpu.memory_space<semaphore_mem>>
      %dma_start3A = arith.constant 0 : i32
      %dma_start3A_15 = arith.constant 0 : i32
      %dma_start3A_16 = tpu.memref_slice %arg2[%run_scoped3A, %add3A, %dma_start3A, %dma_start3A_15] : memref<2x32x125x80xi32, #tpu.memory_space<hbm>> -> memref<1x1x125x80xi32, #tpu.memory_space<hbm>>
      %dma_start3A_17 = tpu.memref_squeeze %dma_start3A_16 : memref<1x1x125x80xi32, #tpu.memory_space<hbm>> -> memref<125x80xi32, #tpu.memory_space<hbm>>
      %dma_start3A_18 = arith.constant 0 : i32
      %dma_start3A_19 = arith.constant 0 : i32
      %dma_start3A_20 = tpu.memref_slice %arg2[%run_scoped3A, %add3A, %dma_start3A_18, %dma_start3A_19] : memref<2x32x125x80xi32, #tpu.memory_space<hbm>> -> memref<1x1x125x80xi32, #tpu.memory_space<hbm>>
      %dma_start3A_21 = tpu.memref_squeeze %dma_start3A_20 : memref<1x1x125x80xi32, #tpu.memory_space<hbm>> -> memref<125x80xi32, #tpu.memory_space<hbm>>
      tpu.enqueue_dma source(%dma_start3A_21 : memref<125x80xi32, #tpu.memory_space<hbm>>) target(%arg6 : memref<125x80xi32, #tpu.memory_space<vmem>>) target_semaphore(%run_scoped3A_14 : memref<!tpu.dma_semaphore, #tpu.memory_space<semaphore_mem>>)
      %dma_wait3A = arith.constant 0 : i32
      %dma_wait3A_22 = arith.constant 0 : i32
      %dma_wait3A_23 = tpu.memref_slice %arg2[%run_scoped3A, %add3A, %dma_wait3A, %dma_wait3A_22] : memref<2x32x125x80xi32, #tpu.memory_space<hbm>> -> memref<1x1x125x80xi32, #tpu.memory_space<hbm>>
      %dma_wait3A_24 = tpu.memref_squeeze %dma_wait3A_23 : memref<1x1x125x80xi32, #tpu.memory_space<hbm>> -> memref<125x80xi32, #tpu.memory_space<hbm>>
      %dma_wait3A_25 = arith.constant 0 : i32
      %dma_wait3A_26 = arith.constant 0 : i32
      %dma_wait3A_27 = tpu.memref_slice %arg2[%run_scoped3A, %add3A, %dma_wait3A_25, %dma_wait3A_26] : memref<2x32x125x80xi32, #tpu.memory_space<hbm>> -> memref<1x1x125x80xi32, #tpu.memory_space<hbm>>
      %dma_wait3A_28 = tpu.memref_squeeze %dma_wait3A_27 : memref<1x1x125x80xi32, #tpu.memory_space<hbm>> -> memref<125x80xi32, #tpu.memory_space<hbm>>
      tpu.wait_dma2 semaphore(%run_scoped3A_14 : memref<!tpu.dma_semaphore, #tpu.memory_space<semaphore_mem>>) src(%dma_wait3A_28 : memref<125x80xi32, #tpu.memory_space<hbm>>) dst(%arg6 : memref<125x80xi32, #tpu.memory_space<vmem>>)
      tpu.yield
    }) : () -> ()
    "tpu.region"() ({
      %run_scoped3A_14 = tpu.sem_alloc : memref<!tpu.dma_semaphore, #tpu.memory_space<semaphore_mem>>
      tpu.enqueue_dma source(%arg3 : memref<80x128xf32, #tpu.memory_space<hbm>>) target(%arg7 : memref<80x128xf32, #tpu.memory_space<vmem>>) target_semaphore(%run_scoped3A_14 : memref<!tpu.dma_semaphore, #tpu.memory_space<semaphore_mem>>)
      tpu.wait_dma2 semaphore(%run_scoped3A_14 : memref<!tpu.dma_semaphore, #tpu.memory_space<semaphore_mem>>) src(%arg3 : memref<80x128xf32, #tpu.memory_space<hbm>>) dst(%arg7 : memref<80x128xf32, #tpu.memory_space<vmem>>)
      tpu.yield
    }) : () -> ()
    %barrier3A = arith.constant 0 : index
    tpu.barrier barrier_id(%barrier3A)
    %scan3A = arith.constant 0 : i32
    %scan3A_3 = arith.constant 0 : i32
    %scan3A_4 = arith.constant 5 : i32
    %scan3A_5 = arith.addi %scan3A_3, %scan3A_4 : i32
    %scan3A_6 = arith.constant 1 : i32
    %scan3A_7 = scf.for %scan3A_14 = %scan3A_3 to %scan3A_5 step %scan3A_6 iter_args(%scan3A_15 = %scan3A) -> (i32)  : i32 {
      %mul3A_16 = arith.constant 25 : i32
      %mul3A_17 = arith.muli %mul3A_16, %scan3A_14 : i32
      %add3A_18 = arith.constant 0 : i32
      %add3A_19 = arith.addi %mul3A_17, %add3A_18 : i32
      %dma_start3A = arith.constant 0 : i32
      %dma_start3A_20 = tpu.memref_slice %arg6[%add3A_19, %dma_start3A] : memref<125x80xi32, #tpu.memory_space<vmem>> -> memref<1x80xi32, #tpu.memory_space<vmem>>
      %dma_start3A_21 = tpu.memref_squeeze %dma_start3A_20 : memref<1x80xi32, #tpu.memory_space<vmem>> -> memref<80xi32, #tpu.memory_space<vmem>>
      %dma_start3A_22 = arith.constant 0 : i32
      %dma_start3A_23 = arith.constant 0 : i32
      %dma_start3A_24 = tpu.memref_slice %arg8[%dma_start3A_22, %dma_start3A_23] : memref<10112x128xf32, #tpu.memory_space<vmem_shared>> -> memref<10112x128xf32, #tpu.memory_space<vmem_shared>>
      tpu.enqueue_indirect_dma source(%arg7 : memref<80x128xf32, #tpu.memory_space<vmem>>) target(%dma_start3A_24 : memref<10112x128xf32, #tpu.memory_space<vmem_shared>>) offsets(%dma_start3A_21 : memref<80xi32, #tpu.memory_space<vmem>>) semaphore(%arg9 : memref<!tpu.dma_semaphore, #tpu.memory_space<semaphore_mem>>) {add = true}
      %mul3A_25 = arith.constant 25 : i32
      %mul3A_26 = arith.muli %mul3A_25, %scan3A_14 : i32
      %add3A_27 = arith.constant 1 : i32
      %add3A_28 = arith.addi %mul3A_26, %add3A_27 : i32
      %dma_start3A_29 = arith.constant 0 : i32
      %dma_start3A_30 = tpu.memref_slice %arg6[%add3A_28, %dma_start3A_29] : memref<125x80xi32, #tpu.memory_space<vmem>> -> memref<1x80xi32, #tpu.memory_space<vmem>>
      %dma_start3A_31 = tpu.memref_squeeze %dma_start3A_30 : memref<1x80xi32, #tpu.memory_space<vmem>> -> memref<80xi32, #tpu.memory_space<vmem>>
      %dma_start3A_32 = arith.constant 0 : i32
      %dma_start3A_33 = arith.constant 0 : i32
      %dma_start3A_34 = tpu.memref_slice %arg8[%dma_start3A_32, %dma_start3A_33] : memref<10112x128xf32, #tpu.memory_space<vmem_shared>> -> memref<10112x128xf32, #tpu.memory_space<vmem_shared>>
      tpu.enqueue_indirect_dma source(%arg7 : memref<80x128xf32, #tpu.memory_space<vmem>>) target(%dma_start3A_34 : memref<10112x128xf32, #tpu.memory_space<vmem_shared>>) offsets(%dma_start3A_31 : memref<80xi32, #tpu.memory_space<vmem>>) semaphore(%arg9 : memref<!tpu.dma_semaphore, #tpu.memory_space<semaphore_mem>>) {add = true}
      %mul3A_35 = arith.constant 25 : i32
      %mul3A_36 = arith.muli %mul3A_35, %scan3A_14 : i32
      %add3A_37 = arith.constant 2 : i32
      %add3A_38 = arith.addi %mul3A_36, %add3A_37 : i32
      %dma_start3A_39 = arith.constant 0 : i32
      %dma_start3A_40 = tpu.memref_slice %arg6[%add3A_38, %dma_start3A_39] : memref<125x80xi32, #tpu.memory_space<vmem>> -> memref<1x80xi32, #tpu.memory_space<vmem>>
      %dma_start3A_41 = tpu.memref_squeeze %dma_start3A_40 : memref<1x80xi32, #tpu.memory_space<vmem>> -> memref<80xi32, #tpu.memory_space<vmem>>
      %dma_start3A_42 = arith.constant 0 : i32
      %dma_start3A_43 = arith.constant 0 : i32
      %dma_start3A_44 = tpu.memref_slice %arg8[%dma_start3A_42, %dma_start3A_43] : memref<10112x128xf32, #tpu.memory_space<vmem_shared>> -> memref<10112x128xf32, #tpu.memory_space<vmem_shared>>
      tpu.enqueue_indirect_dma source(%arg7 : memref<80x128xf32, #tpu.memory_space<vmem>>) target(%dma_start3A_44 : memref<10112x128xf32, #tpu.memory_space<vmem_shared>>) offsets(%dma_start3A_41 : memref<80xi32, #tpu.memory_space<vmem>>) semaphore(%arg9 : memref<!tpu.dma_semaphore, #tpu.memory_space<semaphore_mem>>) {add = true}
      %mul3A_45 = arith.constant 25 : i32
      %mul3A_46 = arith.muli %mul3A_45, %scan3A_14 : i32
      %add3A_47 = arith.constant 3 : i32
      %add3A_48 = arith.addi %mul3A_46, %add3A_47 : i32
      %dma_start3A_49 = arith.constant 0 : i32
      %dma_start3A_50 = tpu.memref_slice %arg6[%add3A_48, %dma_start3A_49] : memref<125x80xi32, #tpu.memory_space<vmem>> -> memref<1x80xi32, #tpu.memory_space<vmem>>
      %dma_start3A_51 = tpu.memref_squeeze %dma_start3A_50 : memref<1x80xi32, #tpu.memory_space<vmem>> -> memref<80xi32, #tpu.memory_space<vmem>>
      %dma_start3A_52 = arith.constant 0 : i32
      %dma_start3A_53 = arith.constant 0 : i32
      %dma_start3A_54 = tpu.memref_slice %arg8[%dma_start3A_52, %dma_start3A_53] : memref<10112x128xf32, #tpu.memory_space<vmem_shared>> -> memref<10112x128xf32, #tpu.memory_space<vmem_shared>>
      tpu.enqueue_indirect_dma source(%arg7 : memref<80x128xf32, #tpu.memory_space<vmem>>) target(%dma_start3A_54 : memref<10112x128xf32, #tpu.memory_space<vmem_shared>>) offsets(%dma_start3A_51 : memref<80xi32, #tpu.memory_space<vmem>>) semaphore(%arg9 : memref<!tpu.dma_semaphore, #tpu.memory_space<semaphore_mem>>) {add = true}
      %mul3A_55 = arith.constant 25 : i32
      %mul3A_56 = arith.muli %mul3A_55, %scan3A_14 : i32
      %add3A_57 = arith.constant 4 : i32
      %add3A_58 = arith.addi %mul3A_56, %add3A_57 : i32
      %dma_start3A_59 = arith.constant 0 : i32
      %dma_start3A_60 = tpu.memref_slice %arg6[%add3A_58, %dma_start3A_59] : memref<125x80xi32, #tpu.memory_space<vmem>> -> memref<1x80xi32, #tpu.memory_space<vmem>>
      %dma_start3A_61 = tpu.memref_squeeze %dma_start3A_60 : memref<1x80xi32, #tpu.memory_space<vmem>> -> memref<80xi32, #tpu.memory_space<vmem>>
      %dma_start3A_62 = arith.constant 0 : i32
      %dma_start3A_63 = arith.constant 0 : i32
      %dma_start3A_64 = tpu.memref_slice %arg8[%dma_start3A_62, %dma_start3A_63] : memref<10112x128xf32, #tpu.memory_space<vmem_shared>> -> memref<10112x128xf32, #tpu.memory_space<vmem_shared>>
      tpu.enqueue_indirect_dma source(%arg7 : memref<80x128xf32, #tpu.memory_space<vmem>>) target(%dma_start3A_64 : memref<10112x128xf32, #tpu.memory_space<vmem_shared>>) offsets(%dma_start3A_61 : memref<80xi32, #tpu.memory_space<vmem>>) semaphore(%arg9 : memref<!tpu.dma_semaphore, #tpu.memory_space<semaphore_mem>>) {add = true}
      %mul3A_65 = arith.constant 25 : i32
      %mul3A_66 = arith.muli %mul3A_65, %scan3A_14 : i32
      %add3A_67 = arith.constant 5 : i32
      %add3A_68 = arith.addi %mul3A_66, %add3A_67 : i32
      %dma_start3A_69 = arith.constant 0 : i32
      %dma_start3A_70 = tpu.memref_slice %arg6[%add3A_68, %dma_start3A_69] : memref<125x80xi32, #tpu.memory_space<vmem>> -> memref<1x80xi32, #tpu.memory_space<vmem>>
      %dma_start3A_71 = tpu.memref_squeeze %dma_start3A_70 : memref<1x80xi32, #tpu.memory_space<vmem>> -> memref<80xi32, #tpu.memory_space<vmem>>
      %dma_start3A_72 = arith.constant 0 : i32
      %dma_start3A_73 = arith.constant 0 : i32
      %dma_start3A_74 = tpu.memref_slice %arg8[%dma_start3A_72, %dma_start3A_73] : memref<10112x128xf32, #tpu.memory_space<vmem_shared>> -> memref<10112x128xf32, #tpu.memory_space<vmem_shared>>
      tpu.enqueue_indirect_dma source(%arg7 : memref<80x128xf32, #tpu.memory_space<vmem>>) target(%dma_start3A_74 : memref<10112x128xf32, #tpu.memory_space<vmem_shared>>) offsets(%dma_start3A_71 : memref<80xi32, #tpu.memory_space<vmem>>) semaphore(%arg9 : memref<!tpu.dma_semaphore, #tpu.memory_space<semaphore_mem>>) {add = true}
      %mul3A_75 = arith.constant 25 : i32
      %mul3A_76 = arith.muli %mul3A_75, %scan3A_14 : i32
      %add3A_77 = arith.constant 6 : i32
      %add3A_78 = arith.addi %mul3A_76, %add3A_77 : i32
      %dma_start3A_79 = arith.constant 0 : i32
      %dma_start3A_80 = tpu.memref_slice %arg6[%add3A_78, %dma_start3A_79] : memref<125x80xi32, #tpu.memory_space<vmem>> -> memref<1x80xi32, #tpu.memory_space<vmem>>
      %dma_start3A_81 = tpu.memref_squeeze %dma_start3A_80 : memref<1x80xi32, #tpu.memory_space<vmem>> -> memref<80xi32, #tpu.memory_space<vmem>>
      %dma_start3A_82 = arith.constant 0 : i32
      %dma_start3A_83 = arith.constant 0 : i32
      %dma_start3A_84 = tpu.memref_slice %arg8[%dma_start3A_82, %dma_start3A_83] : memref<10112x128xf32, #tpu.memory_space<vmem_shared>> -> memref<10112x128xf32, #tpu.memory_space<vmem_shared>>
      tpu.enqueue_indirect_dma source(%arg7 : memref<80x128xf32, #tpu.memory_space<vmem>>) target(%dma_start3A_84 : memref<10112x128xf32, #tpu.memory_space<vmem_shared>>) offsets(%dma_start3A_81 : memref<80xi32, #tpu.memory_space<vmem>>) semaphore(%arg9 : memref<!tpu.dma_semaphore, #tpu.memory_space<semaphore_mem>>) {add = true}
      %mul3A_85 = arith.constant 25 : i32
      %mul3A_86 = arith.muli %mul3A_85, %scan3A_14 : i32
      %add3A_87 = arith.constant 7 : i32
      %add3A_88 = arith.addi %mul3A_86, %add3A_87 : i32
      %dma_start3A_89 = arith.constant 0 : i32
      %dma_start3A_90 = tpu.memref_slice %arg6[%add3A_88, %dma_start3A_89] : memref<125x80xi32, #tpu.memory_space<vmem>> -> memref<1x80xi32, #tpu.memory_space<vmem>>
      %dma_start3A_91 = tpu.memref_squeeze %dma_start3A_90 : memref<1x80xi32, #tpu.memory_space<vmem>> -> memref<80xi32, #tpu.memory_space<vmem>>
      %dma_start3A_92 = arith.constant 0 : i32
      %dma_start3A_93 = arith.constant 0 : i32
      %dma_start3A_94 = tpu.memref_slice %arg8[%dma_start3A_92, %dma_start3A_93] : memref<10112x128xf32, #tpu.memory_space<vmem_shared>> -> memref<10112x128xf32, #tpu.memory_space<vmem_shared>>
      tpu.enqueue_indirect_dma source(%arg7 : memref<80x128xf32, #tpu.memory_space<vmem>>) target(%dma_start3A_94 : memref<10112x128xf32, #tpu.memory_space<vmem_shared>>) offsets(%dma_start3A_91 : memref<80xi32, #tpu.memory_space<vmem>>) semaphore(%arg9 : memref<!tpu.dma_semaphore, #tpu.memory_space<semaphore_mem>>) {add = true}
      %mul3A_95 = arith.constant 25 : i32
      %mul3A_96 = arith.muli %mul3A_95, %scan3A_14 : i32
      %add3A_97 = arith.constant 8 : i32
      %add3A_98 = arith.addi %mul3A_96, %add3A_97 : i32
      %dma_start3A_99 = arith.constant 0 : i32
      %dma_start3A_100 = tpu.memref_slice %arg6[%add3A_98, %dma_start3A_99] : memref<125x80xi32, #tpu.memory_space<vmem>> -> memref<1x80xi32, #tpu.memory_space<vmem>>
      %dma_start3A_101 = tpu.memref_squeeze %dma_start3A_100 : memref<1x80xi32, #tpu.memory_space<vmem>> -> memref<80xi32, #tpu.memory_space<vmem>>
      %dma_start3A_102 = arith.constant 0 : i32
      %dma_start3A_103 = arith.constant 0 : i32
      %dma_start3A_104 = tpu.memref_slice %arg8[%dma_start3A_102, %dma_start3A_103] : memref<10112x128xf32, #tpu.memory_space<vmem_shared>> -> memref<10112x128xf32, #tpu.memory_space<vmem_shared>>
      tpu.enqueue_indirect_dma source(%arg7 : memref<80x128xf32, #tpu.memory_space<vmem>>) target(%dma_start3A_104 : memref<10112x128xf32, #tpu.memory_space<vmem_shared>>) offsets(%dma_start3A_101 : memref<80xi32, #tpu.memory_space<vmem>>) semaphore(%arg9 : memref<!tpu.dma_semaphore, #tpu.memory_space<semaphore_mem>>) {add = true}
      %mul3A_105 = arith.constant 25 : i32
      %mul3A_106 = arith.muli %mul3A_105, %scan3A_14 : i32
      %add3A_107 = arith.constant 9 : i32
      %add3A_108 = arith.addi %mul3A_106, %add3A_107 : i32
      %dma_start3A_109 = arith.constant 0 : i32
      %dma_start3A_110 = tpu.memref_slice %arg6[%add3A_108, %dma_start3A_109] : memref<125x80xi32, #tpu.memory_space<vmem>> -> memref<1x80xi32, #tpu.memory_space<vmem>>
      %dma_start3A_111 = tpu.memref_squeeze %dma_start3A_110 : memref<1x80xi32, #tpu.memory_space<vmem>> -> memref<80xi32, #tpu.memory_space<vmem>>
      %dma_start3A_112 = arith.constant 0 : i32
      %dma_start3A_113 = arith.constant 0 : i32
      %dma_start3A_114 = tpu.memref_slice %arg8[%dma_start3A_112, %dma_start3A_113] : memref<10112x128xf32, #tpu.memory_space<vmem_shared>> -> memref<10112x128xf32, #tpu.memory_space<vmem_shared>>
      tpu.enqueue_indirect_dma source(%arg7 : memref<80x128xf32, #tpu.memory_space<vmem>>) target(%dma_start3A_114 : memref<10112x128xf32, #tpu.memory_space<vmem_shared>>) offsets(%dma_start3A_111 : memref<80xi32, #tpu.memory_space<vmem>>) semaphore(%arg9 : memref<!tpu.dma_semaphore, #tpu.memory_space<semaphore_mem>>) {add = true}
      %mul3A_115 = arith.constant 25 : i32
      %mul3A_116 = arith.muli %mul3A_115, %scan3A_14 : i32
      %add3A_117 = arith.constant 10 : i32
      %add3A_118 = arith.addi %mul3A_116, %add3A_117 : i32
      %dma_start3A_119 = arith.constant 0 : i32
      %dma_start3A_120 = tpu.memref_slice %arg6[%add3A_118, %dma_start3A_119] : memref<125x80xi32, #tpu.memory_space<vmem>> -> memref<1x80xi32, #tpu.memory_space<vmem>>
      %dma_start3A_121 = tpu.memref_squeeze %dma_start3A_120 : memref<1x80xi32, #tpu.memory_space<vmem>> -> memref<80xi32, #tpu.memory_space<vmem>>
      %dma_start3A_122 = arith.constant 0 : i32
      %dma_start3A_123 = arith.constant 0 : i32
      %dma_start3A_124 = tpu.memref_slice %arg8[%dma_start3A_122, %dma_start3A_123] : memref<10112x128xf32, #tpu.memory_space<vmem_shared>> -> memref<10112x128xf32, #tpu.memory_space<vmem_shared>>
      tpu.enqueue_indirect_dma source(%arg7 : memref<80x128xf32, #tpu.memory_space<vmem>>) target(%dma_start3A_124 : memref<10112x128xf32, #tpu.memory_space<vmem_shared>>) offsets(%dma_start3A_121 : memref<80xi32, #tpu.memory_space<vmem>>) semaphore(%arg9 : memref<!tpu.dma_semaphore, #tpu.memory_space<semaphore_mem>>) {add = true}
      %mul3A_125 = arith.constant 25 : i32
      %mul3A_126 = arith.muli %mul3A_125, %scan3A_14 : i32
      %add3A_127 = arith.constant 11 : i32
      %add3A_128 = arith.addi %mul3A_126, %add3A_127 : i32
      %dma_start3A_129 = arith.constant 0 : i32
      %dma_start3A_130 = tpu.memref_slice %arg6[%add3A_128, %dma_start3A_129] : memref<125x80xi32, #tpu.memory_space<vmem>> -> memref<1x80xi32, #tpu.memory_space<vmem>>
      %dma_start3A_131 = tpu.memref_squeeze %dma_start3A_130 : memref<1x80xi32, #tpu.memory_space<vmem>> -> memref<80xi32, #tpu.memory_space<vmem>>
      %dma_start3A_132 = arith.constant 0 : i32
      %dma_start3A_133 = arith.constant 0 : i32
      %dma_start3A_134 = tpu.memref_slice %arg8[%dma_start3A_132, %dma_start3A_133] : memref<10112x128xf32, #tpu.memory_space<vmem_shared>> -> memref<10112x128xf32, #tpu.memory_space<vmem_shared>>
      tpu.enqueue_indirect_dma source(%arg7 : memref<80x128xf32, #tpu.memory_space<vmem>>) target(%dma_start3A_134 : memref<10112x128xf32, #tpu.memory_space<vmem_shared>>) offsets(%dma_start3A_131 : memref<80xi32, #tpu.memory_space<vmem>>) semaphore(%arg9 : memref<!tpu.dma_semaphore, #tpu.memory_space<semaphore_mem>>) {add = true}
      %mul3A_135 = arith.constant 25 : i32
      %mul3A_136 = arith.muli %mul3A_135, %scan3A_14 : i32
      %add3A_137 = arith.constant 12 : i32
      %add3A_138 = arith.addi %mul3A_136, %add3A_137 : i32
      %dma_start3A_139 = arith.constant 0 : i32
      %dma_start3A_140 = tpu.memref_slice %arg6[%add3A_138, %dma_start3A_139] : memref<125x80xi32, #tpu.memory_space<vmem>> -> memref<1x80xi32, #tpu.memory_space<vmem>>
      %dma_start3A_141 = tpu.memref_squeeze %dma_start3A_140 : memref<1x80xi32, #tpu.memory_space<vmem>> -> memref<80xi32, #tpu.memory_space<vmem>>
      %dma_start3A_142 = arith.constant 0 : i32
      %dma_start3A_143 = arith.constant 0 : i32
      %dma_start3A_144 = tpu.memref_slice %arg8[%dma_start3A_142, %dma_start3A_143] : memref<10112x128xf32, #tpu.memory_space<vmem_shared>> -> memref<10112x128xf32, #tpu.memory_space<vmem_shared>>
      tpu.enqueue_indirect_dma source(%arg7 : memref<80x128xf32, #tpu.memory_space<vmem>>) target(%dma_start3A_144 : memref<10112x128xf32, #tpu.memory_space<vmem_shared>>) offsets(%dma_start3A_141 : memref<80xi32, #tpu.memory_space<vmem>>) semaphore(%arg9 : memref<!tpu.dma_semaphore, #tpu.memory_space<semaphore_mem>>) {add = true}
      %mul3A_145 = arith.constant 25 : i32
      %mul3A_146 = arith.muli %mul3A_145, %scan3A_14 : i32
      %add3A_147 = arith.constant 13 : i32
      %add3A_148 = arith.addi %mul3A_146, %add3A_147 : i32
      %dma_start3A_149 = arith.constant 0 : i32
      %dma_start3A_150 = tpu.memref_slice %arg6[%add3A_148, %dma_start3A_149] : memref<125x80xi32, #tpu.memory_space<vmem>> -> memref<1x80xi32, #tpu.memory_space<vmem>>
      %dma_start3A_151 = tpu.memref_squeeze %dma_start3A_150 : memref<1x80xi32, #tpu.memory_space<vmem>> -> memref<80xi32, #tpu.memory_space<vmem>>
      %dma_start3A_152 = arith.constant 0 : i32
      %dma_start3A_153 = arith.constant 0 : i32
      %dma_start3A_154 = tpu.memref_slice %arg8[%dma_start3A_152, %dma_start3A_153] : memref<10112x128xf32, #tpu.memory_space<vmem_shared>> -> memref<10112x128xf32, #tpu.memory_space<vmem_shared>>
      tpu.enqueue_indirect_dma source(%arg7 : memref<80x128xf32, #tpu.memory_space<vmem>>) target(%dma_start3A_154 : memref<10112x128xf32, #tpu.memory_space<vmem_shared>>) offsets(%dma_start3A_151 : memref<80xi32, #tpu.memory_space<vmem>>) semaphore(%arg9 : memref<!tpu.dma_semaphore, #tpu.memory_space<semaphore_mem>>) {add = true}
      %mul3A_155 = arith.constant 25 : i32
      %mul3A_156 = arith.muli %mul3A_155, %scan3A_14 : i32
      %add3A_157 = arith.constant 14 : i32
      %add3A_158 = arith.addi %mul3A_156, %add3A_157 : i32
      %dma_start3A_159 = arith.constant 0 : i32
      %dma_start3A_160 = tpu.memref_slice %arg6[%add3A_158, %dma_start3A_159] : memref<125x80xi32, #tpu.memory_space<vmem>> -> memref<1x80xi32, #tpu.memory_space<vmem>>
      %dma_start3A_161 = tpu.memref_squeeze %dma_start3A_160 : memref<1x80xi32, #tpu.memory_space<vmem>> -> memref<80xi32, #tpu.memory_space<vmem>>
      %dma_start3A_162 = arith.constant 0 : i32
      %dma_start3A_163 = arith.constant 0 : i32
      %dma_start3A_164 = tpu.memref_slice %arg8[%dma_start3A_162, %dma_start3A_163] : memref<10112x128xf32, #tpu.memory_space<vmem_shared>> -> memref<10112x128xf32, #tpu.memory_space<vmem_shared>>
      tpu.enqueue_indirect_dma source(%arg7 : memref<80x128xf32, #tpu.memory_space<vmem>>) target(%dma_start3A_164 : memref<10112x128xf32, #tpu.memory_space<vmem_shared>>) offsets(%dma_start3A_161 : memref<80xi32, #tpu.memory_space<vmem>>) semaphore(%arg9 : memref<!tpu.dma_semaphore, #tpu.memory_space<semaphore_mem>>) {add = true}
      %mul3A_165 = arith.constant 25 : i32
      %mul3A_166 = arith.muli %mul3A_165, %scan3A_14 : i32
      %add3A_167 = arith.constant 15 : i32
      %add3A_168 = arith.addi %mul3A_166, %add3A_167 : i32
      %dma_start3A_169 = arith.constant 0 : i32
      %dma_start3A_170 = tpu.memref_slice %arg6[%add3A_168, %dma_start3A_169] : memref<125x80xi32, #tpu.memory_space<vmem>> -> memref<1x80xi32, #tpu.memory_space<vmem>>
      %dma_start3A_171 = tpu.memref_squeeze %dma_start3A_170 : memref<1x80xi32, #tpu.memory_space<vmem>> -> memref<80xi32, #tpu.memory_space<vmem>>
      %dma_start3A_172 = arith.constant 0 : i32
      %dma_start3A_173 = arith.constant 0 : i32
      %dma_start3A_174 = tpu.memref_slice %arg8[%dma_start3A_172, %dma_start3A_173] : memref<10112x128xf32, #tpu.memory_space<vmem_shared>> -> memref<10112x128xf32, #tpu.memory_space<vmem_shared>>
      tpu.enqueue_indirect_dma source(%arg7 : memref<80x128xf32, #tpu.memory_space<vmem>>) target(%dma_start3A_174 : memref<10112x128xf32, #tpu.memory_space<vmem_shared>>) offsets(%dma_start3A_171 : memref<80xi32, #tpu.memory_space<vmem>>) semaphore(%arg9 : memref<!tpu.dma_semaphore, #tpu.memory_space<semaphore_mem>>) {add = true}
      %mul3A_175 = arith.constant 25 : i32
      %mul3A_176 = arith.muli %mul3A_175, %scan3A_14 : i32
      %add3A_177 = arith.constant 16 : i32
      %add3A_178 = arith.addi %mul3A_176, %add3A_177 : i32
      %dma_start3A_179 = arith.constant 0 : i32
      %dma_start3A_180 = tpu.memref_slice %arg6[%add3A_178, %dma_start3A_179] : memref<125x80xi32, #tpu.memory_space<vmem>> -> memref<1x80xi32, #tpu.memory_space<vmem>>
      %dma_start3A_181 = tpu.memref_squeeze %dma_start3A_180 : memref<1x80xi32, #tpu.memory_space<vmem>> -> memref<80xi32, #tpu.memory_space<vmem>>
      %dma_start3A_182 = arith.constant 0 : i32
      %dma_start3A_183 = arith.constant 0 : i32
      %dma_start3A_184 = tpu.memref_slice %arg8[%dma_start3A_182, %dma_start3A_183] : memref<10112x128xf32, #tpu.memory_space<vmem_shared>> -> memref<10112x128xf32, #tpu.memory_space<vmem_shared>>
      tpu.enqueue_indirect_dma source(%arg7 : memref<80x128xf32, #tpu.memory_space<vmem>>) target(%dma_start3A_184 : memref<10112x128xf32, #tpu.memory_space<vmem_shared>>) offsets(%dma_start3A_181 : memref<80xi32, #tpu.memory_space<vmem>>) semaphore(%arg9 : memref<!tpu.dma_semaphore, #tpu.memory_space<semaphore_mem>>) {add = true}
      %mul3A_185 = arith.constant 25 : i32
      %mul3A_186 = arith.muli %mul3A_185, %scan3A_14 : i32
      %add3A_187 = arith.constant 17 : i32
      %add3A_188 = arith.addi %mul3A_186, %add3A_187 : i32
      %dma_start3A_189 = arith.constant 0 : i32
      %dma_start3A_190 = tpu.memref_slice %arg6[%add3A_188, %dma_start3A_189] : memref<125x80xi32, #tpu.memory_space<vmem>> -> memref<1x80xi32, #tpu.memory_space<vmem>>
      %dma_start3A_191 = tpu.memref_squeeze %dma_start3A_190 : memref<1x80xi32, #tpu.memory_space<vmem>> -> memref<80xi32, #tpu.memory_space<vmem>>
      %dma_start3A_192 = arith.constant 0 : i32
      %dma_start3A_193 = arith.constant 0 : i32
      %dma_start3A_194 = tpu.memref_slice %arg8[%dma_start3A_192, %dma_start3A_193] : memref<10112x128xf32, #tpu.memory_space<vmem_shared>> -> memref<10112x128xf32, #tpu.memory_space<vmem_shared>>
      tpu.enqueue_indirect_dma source(%arg7 : memref<80x128xf32, #tpu.memory_space<vmem>>) target(%dma_start3A_194 : memref<10112x128xf32, #tpu.memory_space<vmem_shared>>) offsets(%dma_start3A_191 : memref<80xi32, #tpu.memory_space<vmem>>) semaphore(%arg9 : memref<!tpu.dma_semaphore, #tpu.memory_space<semaphore_mem>>) {add = true}
      %mul3A_195 = arith.constant 25 : i32
      %mul3A_196 = arith.muli %mul3A_195, %scan3A_14 : i32
      %add3A_197 = arith.constant 18 : i32
      %add3A_198 = arith.addi %mul3A_196, %add3A_197 : i32
      %dma_start3A_199 = arith.constant 0 : i32
      %dma_start3A_200 = tpu.memref_slice %arg6[%add3A_198, %dma_start3A_199] : memref<125x80xi32, #tpu.memory_space<vmem>> -> memref<1x80xi32, #tpu.memory_space<vmem>>
      %dma_start3A_201 = tpu.memref_squeeze %dma_start3A_200 : memref<1x80xi32, #tpu.memory_space<vmem>> -> memref<80xi32, #tpu.memory_space<vmem>>
      %dma_start3A_202 = arith.constant 0 : i32
      %dma_start3A_203 = arith.constant 0 : i32
      %dma_start3A_204 = tpu.memref_slice %arg8[%dma_start3A_202, %dma_start3A_203] : memref<10112x128xf32, #tpu.memory_space<vmem_shared>> -> memref<10112x128xf32, #tpu.memory_space<vmem_shared>>
      tpu.enqueue_indirect_dma source(%arg7 : memref<80x128xf32, #tpu.memory_space<vmem>>) target(%dma_start3A_204 : memref<10112x128xf32, #tpu.memory_space<vmem_shared>>) offsets(%dma_start3A_201 : memref<80xi32, #tpu.memory_space<vmem>>) semaphore(%arg9 : memref<!tpu.dma_semaphore, #tpu.memory_space<semaphore_mem>>) {add = true}
      %mul3A_205 = arith.constant 25 : i32
      %mul3A_206 = arith.muli %mul3A_205, %scan3A_14 : i32
      %add3A_207 = arith.constant 19 : i32
      %add3A_208 = arith.addi %mul3A_206, %add3A_207 : i32
      %dma_start3A_209 = arith.constant 0 : i32
      %dma_start3A_210 = tpu.memref_slice %arg6[%add3A_208, %dma_start3A_209] : memref<125x80xi32, #tpu.memory_space<vmem>> -> memref<1x80xi32, #tpu.memory_space<vmem>>
      %dma_start3A_211 = tpu.memref_squeeze %dma_start3A_210 : memref<1x80xi32, #tpu.memory_space<vmem>> -> memref<80xi32, #tpu.memory_space<vmem>>
      %dma_start3A_212 = arith.constant 0 : i32
      %dma_start3A_213 = arith.constant 0 : i32
      %dma_start3A_214 = tpu.memref_slice %arg8[%dma_start3A_212, %dma_start3A_213] : memref<10112x128xf32, #tpu.memory_space<vmem_shared>> -> memref<10112x128xf32, #tpu.memory_space<vmem_shared>>
      tpu.enqueue_indirect_dma source(%arg7 : memref<80x128xf32, #tpu.memory_space<vmem>>) target(%dma_start3A_214 : memref<10112x128xf32, #tpu.memory_space<vmem_shared>>) offsets(%dma_start3A_211 : memref<80xi32, #tpu.memory_space<vmem>>) semaphore(%arg9 : memref<!tpu.dma_semaphore, #tpu.memory_space<semaphore_mem>>) {add = true}
      %mul3A_215 = arith.constant 25 : i32
      %mul3A_216 = arith.muli %mul3A_215, %scan3A_14 : i32
      %add3A_217 = arith.constant 20 : i32
      %add3A_218 = arith.addi %mul3A_216, %add3A_217 : i32
      %dma_start3A_219 = arith.constant 0 : i32
      %dma_start3A_220 = tpu.memref_slice %arg6[%add3A_218, %dma_start3A_219] : memref<125x80xi32, #tpu.memory_space<vmem>> -> memref<1x80xi32, #tpu.memory_space<vmem>>
      %dma_start3A_221 = tpu.memref_squeeze %dma_start3A_220 : memref<1x80xi32, #tpu.memory_space<vmem>> -> memref<80xi32, #tpu.memory_space<vmem>>
      %dma_start3A_222 = arith.constant 0 : i32
      %dma_start3A_223 = arith.constant 0 : i32
      %dma_start3A_224 = tpu.memref_slice %arg8[%dma_start3A_222, %dma_start3A_223] : memref<10112x128xf32, #tpu.memory_space<vmem_shared>> -> memref<10112x128xf32, #tpu.memory_space<vmem_shared>>
      tpu.enqueue_indirect_dma source(%arg7 : memref<80x128xf32, #tpu.memory_space<vmem>>) target(%dma_start3A_224 : memref<10112x128xf32, #tpu.memory_space<vmem_shared>>) offsets(%dma_start3A_221 : memref<80xi32, #tpu.memory_space<vmem>>) semaphore(%arg9 : memref<!tpu.dma_semaphore, #tpu.memory_space<semaphore_mem>>) {add = true}
      %mul3A_225 = arith.constant 25 : i32
      %mul3A_226 = arith.muli %mul3A_225, %scan3A_14 : i32
      %add3A_227 = arith.constant 21 : i32
      %add3A_228 = arith.addi %mul3A_226, %add3A_227 : i32
      %dma_start3A_229 = arith.constant 0 : i32
      %dma_start3A_230 = tpu.memref_slice %arg6[%add3A_228, %dma_start3A_229] : memref<125x80xi32, #tpu.memory_space<vmem>> -> memref<1x80xi32, #tpu.memory_space<vmem>>
      %dma_start3A_231 = tpu.memref_squeeze %dma_start3A_230 : memref<1x80xi32, #tpu.memory_space<vmem>> -> memref<80xi32, #tpu.memory_space<vmem>>
      %dma_start3A_232 = arith.constant 0 : i32
      %dma_start3A_233 = arith.constant 0 : i32
      %dma_start3A_234 = tpu.memref_slice %arg8[%dma_start3A_232, %dma_start3A_233] : memref<10112x128xf32, #tpu.memory_space<vmem_shared>> -> memref<10112x128xf32, #tpu.memory_space<vmem_shared>>
      tpu.enqueue_indirect_dma source(%arg7 : memref<80x128xf32, #tpu.memory_space<vmem>>) target(%dma_start3A_234 : memref<10112x128xf32, #tpu.memory_space<vmem_shared>>) offsets(%dma_start3A_231 : memref<80xi32, #tpu.memory_space<vmem>>) semaphore(%arg9 : memref<!tpu.dma_semaphore, #tpu.memory_space<semaphore_mem>>) {add = true}
      %mul3A_235 = arith.constant 25 : i32
      %mul3A_236 = arith.muli %mul3A_235, %scan3A_14 : i32
      %add3A_237 = arith.constant 22 : i32
      %add3A_238 = arith.addi %mul3A_236, %add3A_237 : i32
      %dma_start3A_239 = arith.constant 0 : i32
      %dma_start3A_240 = tpu.memref_slice %arg6[%add3A_238, %dma_start3A_239] : memref<125x80xi32, #tpu.memory_space<vmem>> -> memref<1x80xi32, #tpu.memory_space<vmem>>
      %dma_start3A_241 = tpu.memref_squeeze %dma_start3A_240 : memref<1x80xi32, #tpu.memory_space<vmem>> -> memref<80xi32, #tpu.memory_space<vmem>>
      %dma_start3A_242 = arith.constant 0 : i32
      %dma_start3A_243 = arith.constant 0 : i32
      %dma_start3A_244 = tpu.memref_slice %arg8[%dma_start3A_242, %dma_start3A_243] : memref<10112x128xf32, #tpu.memory_space<vmem_shared>> -> memref<10112x128xf32, #tpu.memory_space<vmem_shared>>
      tpu.enqueue_indirect_dma source(%arg7 : memref<80x128xf32, #tpu.memory_space<vmem>>) target(%dma_start3A_244 : memref<10112x128xf32, #tpu.memory_space<vmem_shared>>) offsets(%dma_start3A_241 : memref<80xi32, #tpu.memory_space<vmem>>) semaphore(%arg9 : memref<!tpu.dma_semaphore, #tpu.memory_space<semaphore_mem>>) {add = true}
      %mul3A_245 = arith.constant 25 : i32
      %mul3A_246 = arith.muli %mul3A_245, %scan3A_14 : i32
      %add3A_247 = arith.constant 23 : i32
      %add3A_248 = arith.addi %mul3A_246, %add3A_247 : i32
      %dma_start3A_249 = arith.constant 0 : i32
      %dma_start3A_250 = tpu.memref_slice %arg6[%add3A_248, %dma_start3A_249] : memref<125x80xi32, #tpu.memory_space<vmem>> -> memref<1x80xi32, #tpu.memory_space<vmem>>
      %dma_start3A_251 = tpu.memref_squeeze %dma_start3A_250 : memref<1x80xi32, #tpu.memory_space<vmem>> -> memref<80xi32, #tpu.memory_space<vmem>>
      %dma_start3A_252 = arith.constant 0 : i32
      %dma_start3A_253 = arith.constant 0 : i32
      %dma_start3A_254 = tpu.memref_slice %arg8[%dma_start3A_252, %dma_start3A_253] : memref<10112x128xf32, #tpu.memory_space<vmem_shared>> -> memref<10112x128xf32, #tpu.memory_space<vmem_shared>>
      tpu.enqueue_indirect_dma source(%arg7 : memref<80x128xf32, #tpu.memory_space<vmem>>) target(%dma_start3A_254 : memref<10112x128xf32, #tpu.memory_space<vmem_shared>>) offsets(%dma_start3A_251 : memref<80xi32, #tpu.memory_space<vmem>>) semaphore(%arg9 : memref<!tpu.dma_semaphore, #tpu.memory_space<semaphore_mem>>) {add = true}
      %mul3A_255 = arith.constant 25 : i32
      %mul3A_256 = arith.muli %mul3A_255, %scan3A_14 : i32
      %add3A_257 = arith.constant 24 : i32
      %add3A_258 = arith.addi %mul3A_256, %add3A_257 : i32
      %dma_start3A_259 = arith.constant 0 : i32
      %dma_start3A_260 = tpu.memref_slice %arg6[%add3A_258, %dma_start3A_259] : memref<125x80xi32, #tpu.memory_space<vmem>> -> memref<1x80xi32, #tpu.memory_space<vmem>>
      %dma_start3A_261 = tpu.memref_squeeze %dma_start3A_260 : memref<1x80xi32, #tpu.memory_space<vmem>> -> memref<80xi32, #tpu.memory_space<vmem>>
      %dma_start3A_262 = arith.constant 0 : i32
      %dma_start3A_263 = arith.constant 0 : i32
      %dma_start3A_264 = tpu.memref_slice %arg8[%dma_start3A_262, %dma_start3A_263] : memref<10112x128xf32, #tpu.memory_space<vmem_shared>> -> memref<10112x128xf32, #tpu.memory_space<vmem_shared>>
      tpu.enqueue_indirect_dma source(%arg7 : memref<80x128xf32, #tpu.memory_space<vmem>>) target(%dma_start3A_264 : memref<10112x128xf32, #tpu.memory_space<vmem_shared>>) offsets(%dma_start3A_261 : memref<80xi32, #tpu.memory_space<vmem>>) semaphore(%arg9 : memref<!tpu.dma_semaphore, #tpu.memory_space<semaphore_mem>>) {add = true}
      %mul3A_265 = arith.constant 25 : i32
      %mul3A_266 = arith.muli %mul3A_265, %scan3A_14 : i32
      %add3A_267 = arith.constant 0 : i32
      %add3A_268 = arith.addi %mul3A_266, %add3A_267 : i32
      %dma_wait3A = arith.constant 0 : i32
      %dma_wait3A_269 = tpu.memref_slice %arg6[%add3A_268, %dma_wait3A] : memref<125x80xi32, #tpu.memory_space<vmem>> -> memref<1x80xi32, #tpu.memory_space<vmem>>
      %dma_wait3A_270 = tpu.memref_squeeze %dma_wait3A_269 : memref<1x80xi32, #tpu.memory_space<vmem>> -> memref<80xi32, #tpu.memory_space<vmem>>
      %dma_wait3A_271 = arith.constant 0 : i32
      %dma_wait3A_272 = arith.constant 0 : i32
      %dma_wait3A_273 = tpu.memref_slice %arg8[%dma_wait3A_271, %dma_wait3A_272] : memref<10112x128xf32, #tpu.memory_space<vmem_shared>> -> memref<10112x128xf32, #tpu.memory_space<vmem_shared>>
      tpu.wait_indirect_dma semaphore(%arg9 : memref<!tpu.dma_semaphore, #tpu.memory_space<semaphore_mem>>) src(%arg7 : memref<80x128xf32, #tpu.memory_space<vmem>>) dst(%dma_wait3A_273 : memref<10112x128xf32, #tpu.memory_space<vmem_shared>>)
      %mul3A_274 = arith.constant 25 : i32
      %mul3A_275 = arith.muli %mul3A_274, %scan3A_14 : i32
      %add3A_276 = arith.constant 1 : i32
      %add3A_277 = arith.addi %mul3A_275, %add3A_276 : i32
      %dma_wait3A_278 = arith.constant 0 : i32
      %dma_wait3A_279 = tpu.memref_slice %arg6[%add3A_277, %dma_wait3A_278] : memref<125x80xi32, #tpu.memory_space<vmem>> -> memref<1x80xi32, #tpu.memory_space<vmem>>
      %dma_wait3A_280 = tpu.memref_squeeze %dma_wait3A_279 : memref<1x80xi32, #tpu.memory_space<vmem>> -> memref<80xi32, #tpu.memory_space<vmem>>
      %dma_wait3A_281 = arith.constant 0 : i32
      %dma_wait3A_282 = arith.constant 0 : i32
      %dma_wait3A_283 = tpu.memref_slice %arg8[%dma_wait3A_281, %dma_wait3A_282] : memref<10112x128xf32, #tpu.memory_space<vmem_shared>> -> memref<10112x128xf32, #tpu.memory_space<vmem_shared>>
      tpu.wait_indirect_dma semaphore(%arg9 : memref<!tpu.dma_semaphore, #tpu.memory_space<semaphore_mem>>) src(%arg7 : memref<80x128xf32, #tpu.memory_space<vmem>>) dst(%dma_wait3A_283 : memref<10112x128xf32, #tpu.memory_space<vmem_shared>>)
      %mul3A_284 = arith.constant 25 : i32
      %mul3A_285 = arith.muli %mul3A_284, %scan3A_14 : i32
      %add3A_286 = arith.constant 2 : i32
      %add3A_287 = arith.addi %mul3A_285, %add3A_286 : i32
      %dma_wait3A_288 = arith.constant 0 : i32
      %dma_wait3A_289 = tpu.memref_slice %arg6[%add3A_287, %dma_wait3A_288] : memref<125x80xi32, #tpu.memory_space<vmem>> -> memref<1x80xi32, #tpu.memory_space<vmem>>
      %dma_wait3A_290 = tpu.memref_squeeze %dma_wait3A_289 : memref<1x80xi32, #tpu.memory_space<vmem>> -> memref<80xi32, #tpu.memory_space<vmem>>
      %dma_wait3A_291 = arith.constant 0 : i32
      %dma_wait3A_292 = arith.constant 0 : i32
      %dma_wait3A_293 = tpu.memref_slice %arg8[%dma_wait3A_291, %dma_wait3A_292] : memref<10112x128xf32, #tpu.memory_space<vmem_shared>> -> memref<10112x128xf32, #tpu.memory_space<vmem_shared>>
      tpu.wait_indirect_dma semaphore(%arg9 : memref<!tpu.dma_semaphore, #tpu.memory_space<semaphore_mem>>) src(%arg7 : memref<80x128xf32, #tpu.memory_space<vmem>>) dst(%dma_wait3A_293 : memref<10112x128xf32, #tpu.memory_space<vmem_shared>>)
      %mul3A_294 = arith.constant 25 : i32
      %mul3A_295 = arith.muli %mul3A_294, %scan3A_14 : i32
      %add3A_296 = arith.constant 3 : i32
      %add3A_297 = arith.addi %mul3A_295, %add3A_296 : i32
      %dma_wait3A_298 = arith.constant 0 : i32
      %dma_wait3A_299 = tpu.memref_slice %arg6[%add3A_297, %dma_wait3A_298] : memref<125x80xi32, #tpu.memory_space<vmem>> -> memref<1x80xi32, #tpu.memory_space<vmem>>
      %dma_wait3A_300 = tpu.memref_squeeze %dma_wait3A_299 : memref<1x80xi32, #tpu.memory_space<vmem>> -> memref<80xi32, #tpu.memory_space<vmem>>
      %dma_wait3A_301 = arith.constant 0 : i32
      %dma_wait3A_302 = arith.constant 0 : i32
      %dma_wait3A_303 = tpu.memref_slice %arg8[%dma_wait3A_301, %dma_wait3A_302] : memref<10112x128xf32, #tpu.memory_space<vmem_shared>> -> memref<10112x128xf32, #tpu.memory_space<vmem_shared>>
      tpu.wait_indirect_dma semaphore(%arg9 : memref<!tpu.dma_semaphore, #tpu.memory_space<semaphore_mem>>) src(%arg7 : memref<80x128xf32, #tpu.memory_space<vmem>>) dst(%dma_wait3A_303 : memref<10112x128xf32, #tpu.memory_space<vmem_shared>>)
      %mul3A_304 = arith.constant 25 : i32
      %mul3A_305 = arith.muli %mul3A_304, %scan3A_14 : i32
      %add3A_306 = arith.constant 4 : i32
      %add3A_307 = arith.addi %mul3A_305, %add3A_306 : i32
      %dma_wait3A_308 = arith.constant 0 : i32
      %dma_wait3A_309 = tpu.memref_slice %arg6[%add3A_307, %dma_wait3A_308] : memref<125x80xi32, #tpu.memory_space<vmem>> -> memref<1x80xi32, #tpu.memory_space<vmem>>
      %dma_wait3A_310 = tpu.memref_squeeze %dma_wait3A_309 : memref<1x80xi32, #tpu.memory_space<vmem>> -> memref<80xi32, #tpu.memory_space<vmem>>
      %dma_wait3A_311 = arith.constant 0 : i32
      %dma_wait3A_312 = arith.constant 0 : i32
      %dma_wait3A_313 = tpu.memref_slice %arg8[%dma_wait3A_311, %dma_wait3A_312] : memref<10112x128xf32, #tpu.memory_space<vmem_shared>> -> memref<10112x128xf32, #tpu.memory_space<vmem_shared>>
      tpu.wait_indirect_dma semaphore(%arg9 : memref<!tpu.dma_semaphore, #tpu.memory_space<semaphore_mem>>) src(%arg7 : memref<80x128xf32, #tpu.memory_space<vmem>>) dst(%dma_wait3A_313 : memref<10112x128xf32, #tpu.memory_space<vmem_shared>>)
      %mul3A_314 = arith.constant 25 : i32
      %mul3A_315 = arith.muli %mul3A_314, %scan3A_14 : i32
      %add3A_316 = arith.constant 5 : i32
      %add3A_317 = arith.addi %mul3A_315, %add3A_316 : i32
      %dma_wait3A_318 = arith.constant 0 : i32
      %dma_wait3A_319 = tpu.memref_slice %arg6[%add3A_317, %dma_wait3A_318] : memref<125x80xi32, #tpu.memory_space<vmem>> -> memref<1x80xi32, #tpu.memory_space<vmem>>
      %dma_wait3A_320 = tpu.memref_squeeze %dma_wait3A_319 : memref<1x80xi32, #tpu.memory_space<vmem>> -> memref<80xi32, #tpu.memory_space<vmem>>
      %dma_wait3A_321 = arith.constant 0 : i32
      %dma_wait3A_322 = arith.constant 0 : i32
      %dma_wait3A_323 = tpu.memref_slice %arg8[%dma_wait3A_321, %dma_wait3A_322] : memref<10112x128xf32, #tpu.memory_space<vmem_shared>> -> memref<10112x128xf32, #tpu.memory_space<vmem_shared>>
      tpu.wait_indirect_dma semaphore(%arg9 : memref<!tpu.dma_semaphore, #tpu.memory_space<semaphore_mem>>) src(%arg7 : memref<80x128xf32, #tpu.memory_space<vmem>>) dst(%dma_wait3A_323 : memref<10112x128xf32, #tpu.memory_space<vmem_shared>>)
      %mul3A_324 = arith.constant 25 : i32
      %mul3A_325 = arith.muli %mul3A_324, %scan3A_14 : i32
      %add3A_326 = arith.constant 6 : i32
      %add3A_327 = arith.addi %mul3A_325, %add3A_326 : i32
      %dma_wait3A_328 = arith.constant 0 : i32
      %dma_wait3A_329 = tpu.memref_slice %arg6[%add3A_327, %dma_wait3A_328] : memref<125x80xi32, #tpu.memory_space<vmem>> -> memref<1x80xi32, #tpu.memory_space<vmem>>
      %dma_wait3A_330 = tpu.memref_squeeze %dma_wait3A_329 : memref<1x80xi32, #tpu.memory_space<vmem>> -> memref<80xi32, #tpu.memory_space<vmem>>
      %dma_wait3A_331 = arith.constant 0 : i32
      %dma_wait3A_332 = arith.constant 0 : i32
      %dma_wait3A_333 = tpu.memref_slice %arg8[%dma_wait3A_331, %dma_wait3A_332] : memref<10112x128xf32, #tpu.memory_space<vmem_shared>> -> memref<10112x128xf32, #tpu.memory_space<vmem_shared>>
      tpu.wait_indirect_dma semaphore(%arg9 : memref<!tpu.dma_semaphore, #tpu.memory_space<semaphore_mem>>) src(%arg7 : memref<80x128xf32, #tpu.memory_space<vmem>>) dst(%dma_wait3A_333 : memref<10112x128xf32, #tpu.memory_space<vmem_shared>>)
      %mul3A_334 = arith.constant 25 : i32
      %mul3A_335 = arith.muli %mul3A_334, %scan3A_14 : i32
      %add3A_336 = arith.constant 7 : i32
      %add3A_337 = arith.addi %mul3A_335, %add3A_336 : i32
      %dma_wait3A_338 = arith.constant 0 : i32
      %dma_wait3A_339 = tpu.memref_slice %arg6[%add3A_337, %dma_wait3A_338] : memref<125x80xi32, #tpu.memory_space<vmem>> -> memref<1x80xi32, #tpu.memory_space<vmem>>
      %dma_wait3A_340 = tpu.memref_squeeze %dma_wait3A_339 : memref<1x80xi32, #tpu.memory_space<vmem>> -> memref<80xi32, #tpu.memory_space<vmem>>
      %dma_wait3A_341 = arith.constant 0 : i32
      %dma_wait3A_342 = arith.constant 0 : i32
      %dma_wait3A_343 = tpu.memref_slice %arg8[%dma_wait3A_341, %dma_wait3A_342] : memref<10112x128xf32, #tpu.memory_space<vmem_shared>> -> memref<10112x128xf32, #tpu.memory_space<vmem_shared>>
      tpu.wait_indirect_dma semaphore(%arg9 : memref<!tpu.dma_semaphore, #tpu.memory_space<semaphore_mem>>) src(%arg7 : memref<80x128xf32, #tpu.memory_space<vmem>>) dst(%dma_wait3A_343 : memref<10112x128xf32, #tpu.memory_space<vmem_shared>>)
      %mul3A_344 = arith.constant 25 : i32
      %mul3A_345 = arith.muli %mul3A_344, %scan3A_14 : i32
      %add3A_346 = arith.constant 8 : i32
      %add3A_347 = arith.addi %mul3A_345, %add3A_346 : i32
      %dma_wait3A_348 = arith.constant 0 : i32
      %dma_wait3A_349 = tpu.memref_slice %arg6[%add3A_347, %dma_wait3A_348] : memref<125x80xi32, #tpu.memory_space<vmem>> -> memref<1x80xi32, #tpu.memory_space<vmem>>
      %dma_wait3A_350 = tpu.memref_squeeze %dma_wait3A_349 : memref<1x80xi32, #tpu.memory_space<vmem>> -> memref<80xi32, #tpu.memory_space<vmem>>
      %dma_wait3A_351 = arith.constant 0 : i32
      %dma_wait3A_352 = arith.constant 0 : i32
      %dma_wait3A_353 = tpu.memref_slice %arg8[%dma_wait3A_351, %dma_wait3A_352] : memref<10112x128xf32, #tpu.memory_space<vmem_shared>> -> memref<10112x128xf32, #tpu.memory_space<vmem_shared>>
      tpu.wait_indirect_dma semaphore(%arg9 : memref<!tpu.dma_semaphore, #tpu.memory_space<semaphore_mem>>) src(%arg7 : memref<80x128xf32, #tpu.memory_space<vmem>>) dst(%dma_wait3A_353 : memref<10112x128xf32, #tpu.memory_space<vmem_shared>>)
      %mul3A_354 = arith.constant 25 : i32
      %mul3A_355 = arith.muli %mul3A_354, %scan3A_14 : i32
      %add3A_356 = arith.constant 9 : i32
      %add3A_357 = arith.addi %mul3A_355, %add3A_356 : i32
      %dma_wait3A_358 = arith.constant 0 : i32
      %dma_wait3A_359 = tpu.memref_slice %arg6[%add3A_357, %dma_wait3A_358] : memref<125x80xi32, #tpu.memory_space<vmem>> -> memref<1x80xi32, #tpu.memory_space<vmem>>
      %dma_wait3A_360 = tpu.memref_squeeze %dma_wait3A_359 : memref<1x80xi32, #tpu.memory_space<vmem>> -> memref<80xi32, #tpu.memory_space<vmem>>
      %dma_wait3A_361 = arith.constant 0 : i32
      %dma_wait3A_362 = arith.constant 0 : i32
      %dma_wait3A_363 = tpu.memref_slice %arg8[%dma_wait3A_361, %dma_wait3A_362] : memref<10112x128xf32, #tpu.memory_space<vmem_shared>> -> memref<10112x128xf32, #tpu.memory_space<vmem_shared>>
      tpu.wait_indirect_dma semaphore(%arg9 : memref<!tpu.dma_semaphore, #tpu.memory_space<semaphore_mem>>) src(%arg7 : memref<80x128xf32, #tpu.memory_space<vmem>>) dst(%dma_wait3A_363 : memref<10112x128xf32, #tpu.memory_space<vmem_shared>>)
      %mul3A_364 = arith.constant 25 : i32
      %mul3A_365 = arith.muli %mul3A_364, %scan3A_14 : i32
      %add3A_366 = arith.constant 10 : i32
      %add3A_367 = arith.addi %mul3A_365, %add3A_366 : i32
      %dma_wait3A_368 = arith.constant 0 : i32
      %dma_wait3A_369 = tpu.memref_slice %arg6[%add3A_367, %dma_wait3A_368] : memref<125x80xi32, #tpu.memory_space<vmem>> -> memref<1x80xi32, #tpu.memory_space<vmem>>
      %dma_wait3A_370 = tpu.memref_squeeze %dma_wait3A_369 : memref<1x80xi32, #tpu.memory_space<vmem>> -> memref<80xi32, #tpu.memory_space<vmem>>
      %dma_wait3A_371 = arith.constant 0 : i32
      %dma_wait3A_372 = arith.constant 0 : i32
      %dma_wait3A_373 = tpu.memref_slice %arg8[%dma_wait3A_371, %dma_wait3A_372] : memref<10112x128xf32, #tpu.memory_space<vmem_shared>> -> memref<10112x128xf32, #tpu.memory_space<vmem_shared>>
      tpu.wait_indirect_dma semaphore(%arg9 : memref<!tpu.dma_semaphore, #tpu.memory_space<semaphore_mem>>) src(%arg7 : memref<80x128xf32, #tpu.memory_space<vmem>>) dst(%dma_wait3A_373 : memref<10112x128xf32, #tpu.memory_space<vmem_shared>>)
      %mul3A_374 = arith.constant 25 : i32
      %mul3A_375 = arith.muli %mul3A_374, %scan3A_14 : i32
      %add3A_376 = arith.constant 11 : i32
      %add3A_377 = arith.addi %mul3A_375, %add3A_376 : i32
      %dma_wait3A_378 = arith.constant 0 : i32
      %dma_wait3A_379 = tpu.memref_slice %arg6[%add3A_377, %dma_wait3A_378] : memref<125x80xi32, #tpu.memory_space<vmem>> -> memref<1x80xi32, #tpu.memory_space<vmem>>
      %dma_wait3A_380 = tpu.memref_squeeze %dma_wait3A_379 : memref<1x80xi32, #tpu.memory_space<vmem>> -> memref<80xi32, #tpu.memory_space<vmem>>
      %dma_wait3A_381 = arith.constant 0 : i32
      %dma_wait3A_382 = arith.constant 0 : i32
      %dma_wait3A_383 = tpu.memref_slice %arg8[%dma_wait3A_381, %dma_wait3A_382] : memref<10112x128xf32, #tpu.memory_space<vmem_shared>> -> memref<10112x128xf32, #tpu.memory_space<vmem_shared>>
      tpu.wait_indirect_dma semaphore(%arg9 : memref<!tpu.dma_semaphore, #tpu.memory_space<semaphore_mem>>) src(%arg7 : memref<80x128xf32, #tpu.memory_space<vmem>>) dst(%dma_wait3A_383 : memref<10112x128xf32, #tpu.memory_space<vmem_shared>>)
      %mul3A_384 = arith.constant 25 : i32
      %mul3A_385 = arith.muli %mul3A_384, %scan3A_14 : i32
      %add3A_386 = arith.constant 12 : i32
      %add3A_387 = arith.addi %mul3A_385, %add3A_386 : i32
      %dma_wait3A_388 = arith.constant 0 : i32
      %dma_wait3A_389 = tpu.memref_slice %arg6[%add3A_387, %dma_wait3A_388] : memref<125x80xi32, #tpu.memory_space<vmem>> -> memref<1x80xi32, #tpu.memory_space<vmem>>
      %dma_wait3A_390 = tpu.memref_squeeze %dma_wait3A_389 : memref<1x80xi32, #tpu.memory_space<vmem>> -> memref<80xi32, #tpu.memory_space<vmem>>
      %dma_wait3A_391 = arith.constant 0 : i32
      %dma_wait3A_392 = arith.constant 0 : i32
      %dma_wait3A_393 = tpu.memref_slice %arg8[%dma_wait3A_391, %dma_wait3A_392] : memref<10112x128xf32, #tpu.memory_space<vmem_shared>> -> memref<10112x128xf32, #tpu.memory_space<vmem_shared>>
      tpu.wait_indirect_dma semaphore(%arg9 : memref<!tpu.dma_semaphore, #tpu.memory_space<semaphore_mem>>) src(%arg7 : memref<80x128xf32, #tpu.memory_space<vmem>>) dst(%dma_wait3A_393 : memref<10112x128xf32, #tpu.memory_space<vmem_shared>>)
      %mul3A_394 = arith.constant 25 : i32
      %mul3A_395 = arith.muli %mul3A_394, %scan3A_14 : i32
      %add3A_396 = arith.constant 13 : i32
      %add3A_397 = arith.addi %mul3A_395, %add3A_396 : i32
      %dma_wait3A_398 = arith.constant 0 : i32
      %dma_wait3A_399 = tpu.memref_slice %arg6[%add3A_397, %dma_wait3A_398] : memref<125x80xi32, #tpu.memory_space<vmem>> -> memref<1x80xi32, #tpu.memory_space<vmem>>
      %dma_wait3A_400 = tpu.memref_squeeze %dma_wait3A_399 : memref<1x80xi32, #tpu.memory_space<vmem>> -> memref<80xi32, #tpu.memory_space<vmem>>
      %dma_wait3A_401 = arith.constant 0 : i32
      %dma_wait3A_402 = arith.constant 0 : i32
      %dma_wait3A_403 = tpu.memref_slice %arg8[%dma_wait3A_401, %dma_wait3A_402] : memref<10112x128xf32, #tpu.memory_space<vmem_shared>> -> memref<10112x128xf32, #tpu.memory_space<vmem_shared>>
      tpu.wait_indirect_dma semaphore(%arg9 : memref<!tpu.dma_semaphore, #tpu.memory_space<semaphore_mem>>) src(%arg7 : memref<80x128xf32, #tpu.memory_space<vmem>>) dst(%dma_wait3A_403 : memref<10112x128xf32, #tpu.memory_space<vmem_shared>>)
      %mul3A_404 = arith.constant 25 : i32
      %mul3A_405 = arith.muli %mul3A_404, %scan3A_14 : i32
      %add3A_406 = arith.constant 14 : i32
      %add3A_407 = arith.addi %mul3A_405, %add3A_406 : i32
      %dma_wait3A_408 = arith.constant 0 : i32
      %dma_wait3A_409 = tpu.memref_slice %arg6[%add3A_407, %dma_wait3A_408] : memref<125x80xi32, #tpu.memory_space<vmem>> -> memref<1x80xi32, #tpu.memory_space<vmem>>
      %dma_wait3A_410 = tpu.memref_squeeze %dma_wait3A_409 : memref<1x80xi32, #tpu.memory_space<vmem>> -> memref<80xi32, #tpu.memory_space<vmem>>
      %dma_wait3A_411 = arith.constant 0 : i32
      %dma_wait3A_412 = arith.constant 0 : i32
      %dma_wait3A_413 = tpu.memref_slice %arg8[%dma_wait3A_411, %dma_wait3A_412] : memref<10112x128xf32, #tpu.memory_space<vmem_shared>> -> memref<10112x128xf32, #tpu.memory_space<vmem_shared>>
      tpu.wait_indirect_dma semaphore(%arg9 : memref<!tpu.dma_semaphore, #tpu.memory_space<semaphore_mem>>) src(%arg7 : memref<80x128xf32, #tpu.memory_space<vmem>>) dst(%dma_wait3A_413 : memref<10112x128xf32, #tpu.memory_space<vmem_shared>>)
      %mul3A_414 = arith.constant 25 : i32
      %mul3A_415 = arith.muli %mul3A_414, %scan3A_14 : i32
      %add3A_416 = arith.constant 15 : i32
      %add3A_417 = arith.addi %mul3A_415, %add3A_416 : i32
      %dma_wait3A_418 = arith.constant 0 : i32
      %dma_wait3A_419 = tpu.memref_slice %arg6[%add3A_417, %dma_wait3A_418] : memref<125x80xi32, #tpu.memory_space<vmem>> -> memref<1x80xi32, #tpu.memory_space<vmem>>
      %dma_wait3A_420 = tpu.memref_squeeze %dma_wait3A_419 : memref<1x80xi32, #tpu.memory_space<vmem>> -> memref<80xi32, #tpu.memory_space<vmem>>
      %dma_wait3A_421 = arith.constant 0 : i32
      %dma_wait3A_422 = arith.constant 0 : i32
      %dma_wait3A_423 = tpu.memref_slice %arg8[%dma_wait3A_421, %dma_wait3A_422] : memref<10112x128xf32, #tpu.memory_space<vmem_shared>> -> memref<10112x128xf32, #tpu.memory_space<vmem_shared>>
      tpu.wait_indirect_dma semaphore(%arg9 : memref<!tpu.dma_semaphore, #tpu.memory_space<semaphore_mem>>) src(%arg7 : memref<80x128xf32, #tpu.memory_space<vmem>>) dst(%dma_wait3A_423 : memref<10112x128xf32, #tpu.memory_space<vmem_shared>>)
      %mul3A_424 = arith.constant 25 : i32
      %mul3A_425 = arith.muli %mul3A_424, %scan3A_14 : i32
      %add3A_426 = arith.constant 16 : i32
      %add3A_427 = arith.addi %mul3A_425, %add3A_426 : i32
      %dma_wait3A_428 = arith.constant 0 : i32
      %dma_wait3A_429 = tpu.memref_slice %arg6[%add3A_427, %dma_wait3A_428] : memref<125x80xi32, #tpu.memory_space<vmem>> -> memref<1x80xi32, #tpu.memory_space<vmem>>
      %dma_wait3A_430 = tpu.memref_squeeze %dma_wait3A_429 : memref<1x80xi32, #tpu.memory_space<vmem>> -> memref<80xi32, #tpu.memory_space<vmem>>
      %dma_wait3A_431 = arith.constant 0 : i32
      %dma_wait3A_432 = arith.constant 0 : i32
      %dma_wait3A_433 = tpu.memref_slice %arg8[%dma_wait3A_431, %dma_wait3A_432] : memref<10112x128xf32, #tpu.memory_space<vmem_shared>> -> memref<10112x128xf32, #tpu.memory_space<vmem_shared>>
      tpu.wait_indirect_dma semaphore(%arg9 : memref<!tpu.dma_semaphore, #tpu.memory_space<semaphore_mem>>) src(%arg7 : memref<80x128xf32, #tpu.memory_space<vmem>>) dst(%dma_wait3A_433 : memref<10112x128xf32, #tpu.memory_space<vmem_shared>>)
      %mul3A_434 = arith.constant 25 : i32
      %mul3A_435 = arith.muli %mul3A_434, %scan3A_14 : i32
      %add3A_436 = arith.constant 17 : i32
      %add3A_437 = arith.addi %mul3A_435, %add3A_436 : i32
      %dma_wait3A_438 = arith.constant 0 : i32
      %dma_wait3A_439 = tpu.memref_slice %arg6[%add3A_437, %dma_wait3A_438] : memref<125x80xi32, #tpu.memory_space<vmem>> -> memref<1x80xi32, #tpu.memory_space<vmem>>
      %dma_wait3A_440 = tpu.memref_squeeze %dma_wait3A_439 : memref<1x80xi32, #tpu.memory_space<vmem>> -> memref<80xi32, #tpu.memory_space<vmem>>
      %dma_wait3A_441 = arith.constant 0 : i32
      %dma_wait3A_442 = arith.constant 0 : i32
      %dma_wait3A_443 = tpu.memref_slice %arg8[%dma_wait3A_441, %dma_wait3A_442] : memref<10112x128xf32, #tpu.memory_space<vmem_shared>> -> memref<10112x128xf32, #tpu.memory_space<vmem_shared>>
      tpu.wait_indirect_dma semaphore(%arg9 : memref<!tpu.dma_semaphore, #tpu.memory_space<semaphore_mem>>) src(%arg7 : memref<80x128xf32, #tpu.memory_space<vmem>>) dst(%dma_wait3A_443 : memref<10112x128xf32, #tpu.memory_space<vmem_shared>>)
      %mul3A_444 = arith.constant 25 : i32
      %mul3A_445 = arith.muli %mul3A_444, %scan3A_14 : i32
      %add3A_446 = arith.constant 18 : i32
      %add3A_447 = arith.addi %mul3A_445, %add3A_446 : i32
      %dma_wait3A_448 = arith.constant 0 : i32
      %dma_wait3A_449 = tpu.memref_slice %arg6[%add3A_447, %dma_wait3A_448] : memref<125x80xi32, #tpu.memory_space<vmem>> -> memref<1x80xi32, #tpu.memory_space<vmem>>
      %dma_wait3A_450 = tpu.memref_squeeze %dma_wait3A_449 : memref<1x80xi32, #tpu.memory_space<vmem>> -> memref<80xi32, #tpu.memory_space<vmem>>
      %dma_wait3A_451 = arith.constant 0 : i32
      %dma_wait3A_452 = arith.constant 0 : i32
      %dma_wait3A_453 = tpu.memref_slice %arg8[%dma_wait3A_451, %dma_wait3A_452] : memref<10112x128xf32, #tpu.memory_space<vmem_shared>> -> memref<10112x128xf32, #tpu.memory_space<vmem_shared>>
      tpu.wait_indirect_dma semaphore(%arg9 : memref<!tpu.dma_semaphore, #tpu.memory_space<semaphore_mem>>) src(%arg7 : memref<80x128xf32, #tpu.memory_space<vmem>>) dst(%dma_wait3A_453 : memref<10112x128xf32, #tpu.memory_space<vmem_shared>>)
      %mul3A_454 = arith.constant 25 : i32
      %mul3A_455 = arith.muli %mul3A_454, %scan3A_14 : i32
      %add3A_456 = arith.constant 19 : i32
      %add3A_457 = arith.addi %mul3A_455, %add3A_456 : i32
      %dma_wait3A_458 = arith.constant 0 : i32
      %dma_wait3A_459 = tpu.memref_slice %arg6[%add3A_457, %dma_wait3A_458] : memref<125x80xi32, #tpu.memory_space<vmem>> -> memref<1x80xi32, #tpu.memory_space<vmem>>
      %dma_wait3A_460 = tpu.memref_squeeze %dma_wait3A_459 : memref<1x80xi32, #tpu.memory_space<vmem>> -> memref<80xi32, #tpu.memory_space<vmem>>
      %dma_wait3A_461 = arith.constant 0 : i32
      %dma_wait3A_462 = arith.constant 0 : i32
      %dma_wait3A_463 = tpu.memref_slice %arg8[%dma_wait3A_461, %dma_wait3A_462] : memref<10112x128xf32, #tpu.memory_space<vmem_shared>> -> memref<10112x128xf32, #tpu.memory_space<vmem_shared>>
      tpu.wait_indirect_dma semaphore(%arg9 : memref<!tpu.dma_semaphore, #tpu.memory_space<semaphore_mem>>) src(%arg7 : memref<80x128xf32, #tpu.memory_space<vmem>>) dst(%dma_wait3A_463 : memref<10112x128xf32, #tpu.memory_space<vmem_shared>>)
      %mul3A_464 = arith.constant 25 : i32
      %mul3A_465 = arith.muli %mul3A_464, %scan3A_14 : i32
      %add3A_466 = arith.constant 20 : i32
      %add3A_467 = arith.addi %mul3A_465, %add3A_466 : i32
      %dma_wait3A_468 = arith.constant 0 : i32
      %dma_wait3A_469 = tpu.memref_slice %arg6[%add3A_467, %dma_wait3A_468] : memref<125x80xi32, #tpu.memory_space<vmem>> -> memref<1x80xi32, #tpu.memory_space<vmem>>
      %dma_wait3A_470 = tpu.memref_squeeze %dma_wait3A_469 : memref<1x80xi32, #tpu.memory_space<vmem>> -> memref<80xi32, #tpu.memory_space<vmem>>
      %dma_wait3A_471 = arith.constant 0 : i32
      %dma_wait3A_472 = arith.constant 0 : i32
      %dma_wait3A_473 = tpu.memref_slice %arg8[%dma_wait3A_471, %dma_wait3A_472] : memref<10112x128xf32, #tpu.memory_space<vmem_shared>> -> memref<10112x128xf32, #tpu.memory_space<vmem_shared>>
      tpu.wait_indirect_dma semaphore(%arg9 : memref<!tpu.dma_semaphore, #tpu.memory_space<semaphore_mem>>) src(%arg7 : memref<80x128xf32, #tpu.memory_space<vmem>>) dst(%dma_wait3A_473 : memref<10112x128xf32, #tpu.memory_space<vmem_shared>>)
      %mul3A_474 = arith.constant 25 : i32
      %mul3A_475 = arith.muli %mul3A_474, %scan3A_14 : i32
      %add3A_476 = arith.constant 21 : i32
      %add3A_477 = arith.addi %mul3A_475, %add3A_476 : i32
      %dma_wait3A_478 = arith.constant 0 : i32
      %dma_wait3A_479 = tpu.memref_slice %arg6[%add3A_477, %dma_wait3A_478] : memref<125x80xi32, #tpu.memory_space<vmem>> -> memref<1x80xi32, #tpu.memory_space<vmem>>
      %dma_wait3A_480 = tpu.memref_squeeze %dma_wait3A_479 : memref<1x80xi32, #tpu.memory_space<vmem>> -> memref<80xi32, #tpu.memory_space<vmem>>
      %dma_wait3A_481 = arith.constant 0 : i32
      %dma_wait3A_482 = arith.constant 0 : i32
      %dma_wait3A_483 = tpu.memref_slice %arg8[%dma_wait3A_481, %dma_wait3A_482] : memref<10112x128xf32, #tpu.memory_space<vmem_shared>> -> memref<10112x128xf32, #tpu.memory_space<vmem_shared>>
      tpu.wait_indirect_dma semaphore(%arg9 : memref<!tpu.dma_semaphore, #tpu.memory_space<semaphore_mem>>) src(%arg7 : memref<80x128xf32, #tpu.memory_space<vmem>>) dst(%dma_wait3A_483 : memref<10112x128xf32, #tpu.memory_space<vmem_shared>>)
      %mul3A_484 = arith.constant 25 : i32
      %mul3A_485 = arith.muli %mul3A_484, %scan3A_14 : i32
      %add3A_486 = arith.constant 22 : i32
      %add3A_487 = arith.addi %mul3A_485, %add3A_486 : i32
      %dma_wait3A_488 = arith.constant 0 : i32
      %dma_wait3A_489 = tpu.memref_slice %arg6[%add3A_487, %dma_wait3A_488] : memref<125x80xi32, #tpu.memory_space<vmem>> -> memref<1x80xi32, #tpu.memory_space<vmem>>
      %dma_wait3A_490 = tpu.memref_squeeze %dma_wait3A_489 : memref<1x80xi32, #tpu.memory_space<vmem>> -> memref<80xi32, #tpu.memory_space<vmem>>
      %dma_wait3A_491 = arith.constant 0 : i32
      %dma_wait3A_492 = arith.constant 0 : i32
      %dma_wait3A_493 = tpu.memref_slice %arg8[%dma_wait3A_491, %dma_wait3A_492] : memref<10112x128xf32, #tpu.memory_space<vmem_shared>> -> memref<10112x128xf32, #tpu.memory_space<vmem_shared>>
      tpu.wait_indirect_dma semaphore(%arg9 : memref<!tpu.dma_semaphore, #tpu.memory_space<semaphore_mem>>) src(%arg7 : memref<80x128xf32, #tpu.memory_space<vmem>>) dst(%dma_wait3A_493 : memref<10112x128xf32, #tpu.memory_space<vmem_shared>>)
      %mul3A_494 = arith.constant 25 : i32
      %mul3A_495 = arith.muli %mul3A_494, %scan3A_14 : i32
      %add3A_496 = arith.constant 23 : i32
      %add3A_497 = arith.addi %mul3A_495, %add3A_496 : i32
      %dma_wait3A_498 = arith.constant 0 : i32
      %dma_wait3A_499 = tpu.memref_slice %arg6[%add3A_497, %dma_wait3A_498] : memref<125x80xi32, #tpu.memory_space<vmem>> -> memref<1x80xi32, #tpu.memory_space<vmem>>
      %dma_wait3A_500 = tpu.memref_squeeze %dma_wait3A_499 : memref<1x80xi32, #tpu.memory_space<vmem>> -> memref<80xi32, #tpu.memory_space<vmem>>
      %dma_wait3A_501 = arith.constant 0 : i32
      %dma_wait3A_502 = arith.constant 0 : i32
      %dma_wait3A_503 = tpu.memref_slice %arg8[%dma_wait3A_501, %dma_wait3A_502] : memref<10112x128xf32, #tpu.memory_space<vmem_shared>> -> memref<10112x128xf32, #tpu.memory_space<vmem_shared>>
      tpu.wait_indirect_dma semaphore(%arg9 : memref<!tpu.dma_semaphore, #tpu.memory_space<semaphore_mem>>) src(%arg7 : memref<80x128xf32, #tpu.memory_space<vmem>>) dst(%dma_wait3A_503 : memref<10112x128xf32, #tpu.memory_space<vmem_shared>>)
      %mul3A_504 = arith.constant 25 : i32
      %mul3A_505 = arith.muli %mul3A_504, %scan3A_14 : i32
      %add3A_506 = arith.constant 24 : i32
      %add3A_507 = arith.addi %mul3A_505, %add3A_506 : i32
      %dma_wait3A_508 = arith.constant 0 : i32
      %dma_wait3A_509 = tpu.memref_slice %arg6[%add3A_507, %dma_wait3A_508] : memref<125x80xi32, #tpu.memory_space<vmem>> -> memref<1x80xi32, #tpu.memory_space<vmem>>
      %dma_wait3A_510 = tpu.memref_squeeze %dma_wait3A_509 : memref<1x80xi32, #tpu.memory_space<vmem>> -> memref<80xi32, #tpu.memory_space<vmem>>
      %dma_wait3A_511 = arith.constant 0 : i32
      %dma_wait3A_512 = arith.constant 0 : i32
      %dma_wait3A_513 = tpu.memref_slice %arg8[%dma_wait3A_511, %dma_wait3A_512] : memref<10112x128xf32, #tpu.memory_space<vmem_shared>> -> memref<10112x128xf32, #tpu.memory_space<vmem_shared>>
      tpu.wait_indirect_dma semaphore(%arg9 : memref<!tpu.dma_semaphore, #tpu.memory_space<semaphore_mem>>) src(%arg7 : memref<80x128xf32, #tpu.memory_space<vmem>>) dst(%dma_wait3A_513 : memref<10112x128xf32, #tpu.memory_space<vmem_shared>>)
      %scan3A_514 = arith.constant 0 : i32
      scf.yield %scan3A_514 : i32
    }
    %scan3A_8 = arith.constant 5 : i32
    %barrier3A_9 = arith.constant 0 : index
    tpu.barrier barrier_id(%barrier3A_9)
    %mul3A_10 = arith.constant 632 : i32
    %mul3A_11 = arith.muli %arg1, %mul3A_10 : i32
    %mul3A_12 = arith.constant 632 : i32
    %mul3A_13 = arith.muli %arg1, %mul3A_12 : i32
    "tpu.region"() ({
      %run_scoped3A_14 = tpu.sem_alloc : memref<!tpu.dma_semaphore, #tpu.memory_space<semaphore_mem>>
      %dma_start3A = arith.constant 0 : i32
      %dma_start3A_15 = tpu.memref_slice %arg5[%arg0, %mul3A_13, %dma_start3A] : memref<2x10112x128xf32, #tpu.memory_space<hbm>> -> memref<1x632x128xf32, #tpu.memory_space<hbm>>
      %dma_start3A_16 = tpu.memref_squeeze %dma_start3A_15 : memref<1x632x128xf32, #tpu.memory_space<hbm>> -> memref<632x128xf32, #tpu.memory_space<hbm>>
      %dma_start3A_17 = arith.constant 0 : i32
      %dma_start3A_18 = tpu.memref_slice %arg8[%mul3A_11, %dma_start3A_17] : memref<10112x128xf32, #tpu.memory_space<vmem_shared>> -> memref<632x128xf32, #tpu.memory_space<vmem_shared>>
      tpu.enqueue_dma source(%dma_start3A_18 : memref<632x128xf32, #tpu.memory_space<vmem_shared>>) target(%dma_start3A_16 : memref<632x128xf32, #tpu.memory_space<hbm>>) target_semaphore(%run_scoped3A_14 : memref<!tpu.dma_semaphore, #tpu.memory_space<semaphore_mem>>)
      %dma_wait3A = arith.constant 0 : i32
      %dma_wait3A_19 = tpu.memref_slice %arg5[%arg0, %mul3A_13, %dma_wait3A] : memref<2x10112x128xf32, #tpu.memory_space<hbm>> -> memref<1x632x128xf32, #tpu.memory_space<hbm>>
      %dma_wait3A_20 = tpu.memref_squeeze %dma_wait3A_19 : memref<1x632x128xf32, #tpu.memory_space<hbm>> -> memref<632x128xf32, #tpu.memory_space<hbm>>
      %dma_wait3A_21 = arith.constant 0 : i32
      %dma_wait3A_22 = tpu.memref_slice %arg8[%mul3A_11, %dma_wait3A_21] : memref<10112x128xf32, #tpu.memory_space<vmem_shared>> -> memref<632x128xf32, #tpu.memory_space<vmem_shared>>
      tpu.wait_dma2 semaphore(%run_scoped3A_14 : memref<!tpu.dma_semaphore, #tpu.memory_space<semaphore_mem>>) src(%dma_wait3A_22 : memref<632x128xf32, #tpu.memory_space<vmem_shared>>) dst(%dma_wait3A_20 : memref<632x128xf32, #tpu.memory_space<hbm>>)
      tpu.yield
    }) : () -> ()
    return
  }
}

#map = affine_map<(d0, d1) -> (0, 0)>
#map1 = affine_map<(d0, d1) -> (0, 0, 0)>
module attributes {stable_mosaic.version = 14 : i64} {
  func.func @_agg(%arg0: i32, %arg1: i32, %arg2: memref<10000x128xf32, #tpu.memory_space<hbm>>, %arg3: memref<32x10000xi32, #tpu.memory_space<hbm>>, %arg4: memref<32x125x80xi32, #tpu.memory_space<hbm>>, %arg5: memref<632x128xf32, #tpu.memory_space<hbm>>, %arg6: memref<2x10112x128xf32, #tpu.memory_space<hbm>>, %arg7: memref<10000xi32, #tpu.memory_space<vmem>>, %arg8: memref<125x80xi32, #tpu.memory_space<vmem>>, %arg9: memref<2x80x128xf32, #tpu.memory_space<vmem>>, %arg10: memref<10112x128xf32, #tpu.memory_space<vmem_shared>>, %arg11: memref<!tpu.dma_semaphore, #tpu.memory_space<semaphore_mem>>, %arg12: memref<!tpu.dma_semaphore, #tpu.memory_space<semaphore_mem>>) attributes {dimension_semantics = [#tpu.dimension_semantics<core_parallel>, #tpu.dimension_semantics<subcore_parallel>], iteration_bounds = array<i64: 2, 16>, scalar_prefetch = 0 : i64, scratch_operands = 6 : i64, tpu.core_type = #tpu.core_type<sc_vector_subcore>, window_params = [{transform_indices = #map}, {transform_indices = #map}, {transform_indices = #map1}, {transform_indices = #map}, {transform_indices = #map1}]} {
    %mul3A = arith.constant 2 : i32
    %mul3A_0 = arith.muli %arg1, %mul3A : i32
    %add3A = arith.addi %mul3A_0, %arg0 : i32
    %mul3A_1 = arith.constant 632 : i32
    %mul3A_2 = arith.muli %arg1, %mul3A_1 : i32
    "tpu.region"() ({
      %run_scoped3A_43 = tpu.sem_alloc : memref<!tpu.dma_semaphore, #tpu.memory_space<semaphore_mem>>
      %dma_start3A_44 = arith.constant 0 : i32
      %dma_start3A_45 = tpu.memref_slice %arg10[%mul3A_2, %dma_start3A_44] : memref<10112x128xf32, #tpu.memory_space<vmem_shared>> -> memref<632x128xf32, #tpu.memory_space<vmem_shared>>
      tpu.enqueue_dma source(%arg5 : memref<632x128xf32, #tpu.memory_space<hbm>>) target(%dma_start3A_45 : memref<632x128xf32, #tpu.memory_space<vmem_shared>>) target_semaphore(%run_scoped3A_43 : memref<!tpu.dma_semaphore, #tpu.memory_space<semaphore_mem>>)
      %dma_wait3A_46 = arith.constant 0 : i32
      %dma_wait3A_47 = tpu.memref_slice %arg10[%mul3A_2, %dma_wait3A_46] : memref<10112x128xf32, #tpu.memory_space<vmem_shared>> -> memref<632x128xf32, #tpu.memory_space<vmem_shared>>
      tpu.wait_dma2 semaphore(%run_scoped3A_43 : memref<!tpu.dma_semaphore, #tpu.memory_space<semaphore_mem>>) src(%arg5 : memref<632x128xf32, #tpu.memory_space<hbm>>) dst(%dma_wait3A_47 : memref<632x128xf32, #tpu.memory_space<vmem_shared>>)
      tpu.yield
    }) : () -> ()
    "tpu.region"() ({
      %run_scoped3A_43 = tpu.sem_alloc : memref<!tpu.dma_semaphore, #tpu.memory_space<semaphore_mem>>
      %dma_start3A_44 = arith.constant 0 : i32
      %dma_start3A_45 = tpu.memref_slice %arg3[%add3A, %dma_start3A_44] : memref<32x10000xi32, #tpu.memory_space<hbm>> -> memref<1x10000xi32, #tpu.memory_space<hbm>>
      %dma_start3A_46 = tpu.memref_squeeze %dma_start3A_45 : memref<1x10000xi32, #tpu.memory_space<hbm>> -> memref<10000xi32, #tpu.memory_space<hbm>>
      %dma_start3A_47 = arith.constant 0 : i32
      %dma_start3A_48 = tpu.memref_slice %arg3[%add3A, %dma_start3A_47] : memref<32x10000xi32, #tpu.memory_space<hbm>> -> memref<1x10000xi32, #tpu.memory_space<hbm>>
      %dma_start3A_49 = tpu.memref_squeeze %dma_start3A_48 : memref<1x10000xi32, #tpu.memory_space<hbm>> -> memref<10000xi32, #tpu.memory_space<hbm>>
      tpu.enqueue_dma source(%dma_start3A_49 : memref<10000xi32, #tpu.memory_space<hbm>>) target(%arg7 : memref<10000xi32, #tpu.memory_space<vmem>>) target_semaphore(%run_scoped3A_43 : memref<!tpu.dma_semaphore, #tpu.memory_space<semaphore_mem>>)
      %dma_wait3A_50 = arith.constant 0 : i32
      %dma_wait3A_51 = tpu.memref_slice %arg3[%add3A, %dma_wait3A_50] : memref<32x10000xi32, #tpu.memory_space<hbm>> -> memref<1x10000xi32, #tpu.memory_space<hbm>>
      %dma_wait3A_52 = tpu.memref_squeeze %dma_wait3A_51 : memref<1x10000xi32, #tpu.memory_space<hbm>> -> memref<10000xi32, #tpu.memory_space<hbm>>
      %dma_wait3A_53 = arith.constant 0 : i32
      %dma_wait3A_54 = tpu.memref_slice %arg3[%add3A, %dma_wait3A_53] : memref<32x10000xi32, #tpu.memory_space<hbm>> -> memref<1x10000xi32, #tpu.memory_space<hbm>>
      %dma_wait3A_55 = tpu.memref_squeeze %dma_wait3A_54 : memref<1x10000xi32, #tpu.memory_space<hbm>> -> memref<10000xi32, #tpu.memory_space<hbm>>
      tpu.wait_dma2 semaphore(%run_scoped3A_43 : memref<!tpu.dma_semaphore, #tpu.memory_space<semaphore_mem>>) src(%dma_wait3A_55 : memref<10000xi32, #tpu.memory_space<hbm>>) dst(%arg7 : memref<10000xi32, #tpu.memory_space<vmem>>)
      tpu.yield
    }) : () -> ()
    "tpu.region"() ({
      %run_scoped3A_43 = tpu.sem_alloc : memref<!tpu.dma_semaphore, #tpu.memory_space<semaphore_mem>>
      %dma_start3A_44 = arith.constant 0 : i32
      %dma_start3A_45 = arith.constant 0 : i32
      %dma_start3A_46 = tpu.memref_slice %arg4[%add3A, %dma_start3A_44, %dma_start3A_45] : memref<32x125x80xi32, #tpu.memory_space<hbm>> -> memref<1x125x80xi32, #tpu.memory_space<hbm>>
      %dma_start3A_47 = tpu.memref_squeeze %dma_start3A_46 : memref<1x125x80xi32, #tpu.memory_space<hbm>> -> memref<125x80xi32, #tpu.memory_space<hbm>>
      %dma_start3A_48 = arith.constant 0 : i32
      %dma_start3A_49 = arith.constant 0 : i32
      %dma_start3A_50 = tpu.memref_slice %arg4[%add3A, %dma_start3A_48, %dma_start3A_49] : memref<32x125x80xi32, #tpu.memory_space<hbm>> -> memref<1x125x80xi32, #tpu.memory_space<hbm>>
      %dma_start3A_51 = tpu.memref_squeeze %dma_start3A_50 : memref<1x125x80xi32, #tpu.memory_space<hbm>> -> memref<125x80xi32, #tpu.memory_space<hbm>>
      tpu.enqueue_dma source(%dma_start3A_51 : memref<125x80xi32, #tpu.memory_space<hbm>>) target(%arg8 : memref<125x80xi32, #tpu.memory_space<vmem>>) target_semaphore(%run_scoped3A_43 : memref<!tpu.dma_semaphore, #tpu.memory_space<semaphore_mem>>)
      %dma_wait3A_52 = arith.constant 0 : i32
      %dma_wait3A_53 = arith.constant 0 : i32
      %dma_wait3A_54 = tpu.memref_slice %arg4[%add3A, %dma_wait3A_52, %dma_wait3A_53] : memref<32x125x80xi32, #tpu.memory_space<hbm>> -> memref<1x125x80xi32, #tpu.memory_space<hbm>>
      %dma_wait3A_55 = tpu.memref_squeeze %dma_wait3A_54 : memref<1x125x80xi32, #tpu.memory_space<hbm>> -> memref<125x80xi32, #tpu.memory_space<hbm>>
      %dma_wait3A_56 = arith.constant 0 : i32
      %dma_wait3A_57 = arith.constant 0 : i32
      %dma_wait3A_58 = tpu.memref_slice %arg4[%add3A, %dma_wait3A_56, %dma_wait3A_57] : memref<32x125x80xi32, #tpu.memory_space<hbm>> -> memref<1x125x80xi32, #tpu.memory_space<hbm>>
      %dma_wait3A_59 = tpu.memref_squeeze %dma_wait3A_58 : memref<1x125x80xi32, #tpu.memory_space<hbm>> -> memref<125x80xi32, #tpu.memory_space<hbm>>
      tpu.wait_dma2 semaphore(%run_scoped3A_43 : memref<!tpu.dma_semaphore, #tpu.memory_space<semaphore_mem>>) src(%dma_wait3A_59 : memref<125x80xi32, #tpu.memory_space<hbm>>) dst(%arg8 : memref<125x80xi32, #tpu.memory_space<vmem>>)
      tpu.yield
    }) : () -> ()
    %barrier3A = arith.constant 0 : index
    tpu.barrier barrier_id(%barrier3A)
    %dma_start3A = arith.constant 0 : i32
    %dma_start3A_3 = arith.constant 0 : i32
    %dma_start3A_4 = arith.constant 0 : i32
    %dma_start3A_5 = tpu.memref_slice %arg9[%dma_start3A, %dma_start3A_3, %dma_start3A_4] : memref<2x80x128xf32, #tpu.memory_space<vmem>> -> memref<1x80x128xf32, #tpu.memory_space<vmem>>
    %dma_start3A_6 = tpu.memref_squeeze %dma_start3A_5 : memref<1x80x128xf32, #tpu.memory_space<vmem>> -> memref<80x128xf32, #tpu.memory_space<vmem>>
    %dma_start3A_7 = arith.constant 0 : i32
    %dma_start3A_8 = tpu.memref_slice %arg7[%dma_start3A_7] : memref<10000xi32, #tpu.memory_space<vmem>> -> memref<80xi32, #tpu.memory_space<vmem>>
    %dma_start3A_9 = arith.constant 0 : i32
    %dma_start3A_10 = arith.constant 0 : i32
    %dma_start3A_11 = tpu.memref_slice %arg2[%dma_start3A_9, %dma_start3A_10] : memref<10000x128xf32, #tpu.memory_space<hbm>> -> memref<10000x128xf32, #tpu.memory_space<hbm>>
    tpu.enqueue_indirect_dma source(%dma_start3A_11 : memref<10000x128xf32, #tpu.memory_space<hbm>>) target(%dma_start3A_6 : memref<80x128xf32, #tpu.memory_space<vmem>>) offsets(%dma_start3A_8 : memref<80xi32, #tpu.memory_space<vmem>>) semaphore(%arg11 : memref<!tpu.dma_semaphore, #tpu.memory_space<semaphore_mem>>)
    %dma_start3A_12 = arith.constant 1 : i32
    %dma_start3A_13 = arith.constant 0 : i32
    %dma_start3A_14 = arith.constant 0 : i32
    %dma_start3A_15 = tpu.memref_slice %arg9[%dma_start3A_12, %dma_start3A_13, %dma_start3A_14] : memref<2x80x128xf32, #tpu.memory_space<vmem>> -> memref<1x80x128xf32, #tpu.memory_space<vmem>>
    %dma_start3A_16 = tpu.memref_squeeze %dma_start3A_15 : memref<1x80x128xf32, #tpu.memory_space<vmem>> -> memref<80x128xf32, #tpu.memory_space<vmem>>
    %dma_start3A_17 = arith.constant 80 : i32
    %dma_start3A_18 = tpu.memref_slice %arg7[%dma_start3A_17] : memref<10000xi32, #tpu.memory_space<vmem>> -> memref<80xi32, #tpu.memory_space<vmem>>
    %dma_start3A_19 = arith.constant 0 : i32
    %dma_start3A_20 = arith.constant 0 : i32
    %dma_start3A_21 = tpu.memref_slice %arg2[%dma_start3A_19, %dma_start3A_20] : memref<10000x128xf32, #tpu.memory_space<hbm>> -> memref<10000x128xf32, #tpu.memory_space<hbm>>
    tpu.enqueue_indirect_dma source(%dma_start3A_21 : memref<10000x128xf32, #tpu.memory_space<hbm>>) target(%dma_start3A_16 : memref<80x128xf32, #tpu.memory_space<vmem>>) offsets(%dma_start3A_18 : memref<80xi32, #tpu.memory_space<vmem>>) semaphore(%arg12 : memref<!tpu.dma_semaphore, #tpu.memory_space<semaphore_mem>>)
    %scan3A = arith.constant 0 : i32
    %scan3A_22 = arith.constant 0 : i32
    %scan3A_23 = arith.constant 62 : i32
    %scan3A_24 = arith.addi %scan3A_22, %scan3A_23 : i32
    %scan3A_25 = arith.constant 1 : i32
    %scan3A_26 = scf.for %scan3A_43 = %scan3A_22 to %scan3A_24 step %scan3A_25 iter_args(%scan3A_44 = %scan3A) -> (i32)  : i32 {
      %mul3A_45 = arith.constant 2 : i32
      %mul3A_46 = arith.muli %mul3A_45, %scan3A_43 : i32
      %mul3A_47 = arith.constant 80 : i32
      %mul3A_48 = arith.muli %mul3A_46, %mul3A_47 : i32
      %dma_wait3A_49 = arith.constant 0 : i32
      %dma_wait3A_50 = arith.constant 0 : i32
      %dma_wait3A_51 = arith.constant 0 : i32
      %dma_wait3A_52 = tpu.memref_slice %arg9[%dma_wait3A_49, %dma_wait3A_50, %dma_wait3A_51] : memref<2x80x128xf32, #tpu.memory_space<vmem>> -> memref<1x80x128xf32, #tpu.memory_space<vmem>>
      %dma_wait3A_53 = tpu.memref_squeeze %dma_wait3A_52 : memref<1x80x128xf32, #tpu.memory_space<vmem>> -> memref<80x128xf32, #tpu.memory_space<vmem>>
      %dma_wait3A_54 = tpu.memref_slice %arg7[%mul3A_48] : memref<10000xi32, #tpu.memory_space<vmem>> -> memref<80xi32, #tpu.memory_space<vmem>>
      %dma_wait3A_55 = arith.constant 0 : i32
      %dma_wait3A_56 = arith.constant 0 : i32
      %dma_wait3A_57 = tpu.memref_slice %arg2[%dma_wait3A_55, %dma_wait3A_56] : memref<10000x128xf32, #tpu.memory_space<hbm>> -> memref<10000x128xf32, #tpu.memory_space<hbm>>
      tpu.wait_indirect_dma semaphore(%arg11 : memref<!tpu.dma_semaphore, #tpu.memory_space<semaphore_mem>>) src(%dma_wait3A_57 : memref<10000x128xf32, #tpu.memory_space<hbm>>) dst(%dma_wait3A_53 : memref<80x128xf32, #tpu.memory_space<vmem>>)
      %run_scoped3A_58 = arith.constant 0 : i32
      "tpu.region"() ({
        %run_scoped3A_87 = tpu.sem_alloc : memref<!tpu.dma_semaphore, #tpu.memory_space<semaphore_mem>>
        %dma_start3A_88 = arith.constant 0 : i32
        %dma_start3A_89 = arith.constant 0 : i32
        %dma_start3A_90 = tpu.memref_slice %arg9[%run_scoped3A_58, %dma_start3A_88, %dma_start3A_89] : memref<2x80x128xf32, #tpu.memory_space<vmem>> -> memref<1x80x128xf32, #tpu.memory_space<vmem>>
        %dma_start3A_91 = tpu.memref_squeeze %dma_start3A_90 : memref<1x80x128xf32, #tpu.memory_space<vmem>> -> memref<80x128xf32, #tpu.memory_space<vmem>>
        %dma_start3A_92 = arith.constant 0 : i32
        %dma_start3A_93 = tpu.memref_slice %arg8[%mul3A_46, %dma_start3A_92] : memref<125x80xi32, #tpu.memory_space<vmem>> -> memref<1x80xi32, #tpu.memory_space<vmem>>
        %dma_start3A_94 = tpu.memref_squeeze %dma_start3A_93 : memref<1x80xi32, #tpu.memory_space<vmem>> -> memref<80xi32, #tpu.memory_space<vmem>>
        %dma_start3A_95 = arith.constant 0 : i32
        %dma_start3A_96 = arith.constant 0 : i32
        %dma_start3A_97 = tpu.memref_slice %arg10[%dma_start3A_95, %dma_start3A_96] : memref<10112x128xf32, #tpu.memory_space<vmem_shared>> -> memref<10112x128xf32, #tpu.memory_space<vmem_shared>>
        tpu.enqueue_indirect_dma source(%dma_start3A_91 : memref<80x128xf32, #tpu.memory_space<vmem>>) target(%dma_start3A_97 : memref<10112x128xf32, #tpu.memory_space<vmem_shared>>) offsets(%dma_start3A_94 : memref<80xi32, #tpu.memory_space<vmem>>) semaphore(%run_scoped3A_87 : memref<!tpu.dma_semaphore, #tpu.memory_space<semaphore_mem>>) {add = true}
        %dma_wait3A_98 = arith.constant 0 : i32
        %dma_wait3A_99 = arith.constant 0 : i32
        %dma_wait3A_100 = tpu.memref_slice %arg9[%run_scoped3A_58, %dma_wait3A_98, %dma_wait3A_99] : memref<2x80x128xf32, #tpu.memory_space<vmem>> -> memref<1x80x128xf32, #tpu.memory_space<vmem>>
        %dma_wait3A_101 = tpu.memref_squeeze %dma_wait3A_100 : memref<1x80x128xf32, #tpu.memory_space<vmem>> -> memref<80x128xf32, #tpu.memory_space<vmem>>
        %dma_wait3A_102 = arith.constant 0 : i32
        %dma_wait3A_103 = tpu.memref_slice %arg8[%mul3A_46, %dma_wait3A_102] : memref<125x80xi32, #tpu.memory_space<vmem>> -> memref<1x80xi32, #tpu.memory_space<vmem>>
        %dma_wait3A_104 = tpu.memref_squeeze %dma_wait3A_103 : memref<1x80xi32, #tpu.memory_space<vmem>> -> memref<80xi32, #tpu.memory_space<vmem>>
        %dma_wait3A_105 = arith.constant 0 : i32
        %dma_wait3A_106 = arith.constant 0 : i32
        %dma_wait3A_107 = tpu.memref_slice %arg10[%dma_wait3A_105, %dma_wait3A_106] : memref<10112x128xf32, #tpu.memory_space<vmem_shared>> -> memref<10112x128xf32, #tpu.memory_space<vmem_shared>>
        tpu.wait_indirect_dma semaphore(%run_scoped3A_87 : memref<!tpu.dma_semaphore, #tpu.memory_space<semaphore_mem>>) src(%dma_wait3A_101 : memref<80x128xf32, #tpu.memory_space<vmem>>) dst(%dma_wait3A_107 : memref<10112x128xf32, #tpu.memory_space<vmem_shared>>)
        tpu.yield
      }) : () -> ()
      %add3A_59 = arith.constant 2 : i32
      %add3A_60 = arith.addi %mul3A_46, %add3A_59 : i32
      %lt3A = arith.constant 125 : i32
      %lt3A_61 = arith.cmpi slt, %add3A_60, %lt3A : i32
      %convert_element_type3A = arith.extui %lt3A_61 : i1 to i32
      %cond3A = arith.constant 0 : i32
      %cond3A_62 = arith.cmpi ne, %convert_element_type3A, %cond3A : i32
      scf.if %cond3A_62 {
        %add3A_87 = arith.constant 2 : i32
        %add3A_88 = arith.addi %mul3A_46, %add3A_87 : i32
        %mul3A_89 = arith.constant 80 : i32
        %mul3A_90 = arith.muli %add3A_88, %mul3A_89 : i32
        %dma_start3A_91 = arith.constant 0 : i32
        %dma_start3A_92 = arith.constant 0 : i32
        %dma_start3A_93 = arith.constant 0 : i32
        %dma_start3A_94 = tpu.memref_slice %arg9[%dma_start3A_91, %dma_start3A_92, %dma_start3A_93] : memref<2x80x128xf32, #tpu.memory_space<vmem>> -> memref<1x80x128xf32, #tpu.memory_space<vmem>>
        %dma_start3A_95 = tpu.memref_squeeze %dma_start3A_94 : memref<1x80x128xf32, #tpu.memory_space<vmem>> -> memref<80x128xf32, #tpu.memory_space<vmem>>
        %dma_start3A_96 = tpu.memref_slice %arg7[%mul3A_90] : memref<10000xi32, #tpu.memory_space<vmem>> -> memref<80xi32, #tpu.memory_space<vmem>>
        %dma_start3A_97 = arith.constant 0 : i32
        %dma_start3A_98 = arith.constant 0 : i32
        %dma_start3A_99 = tpu.memref_slice %arg2[%dma_start3A_97, %dma_start3A_98] : memref<10000x128xf32, #tpu.memory_space<hbm>> -> memref<10000x128xf32, #tpu.memory_space<hbm>>
        tpu.enqueue_indirect_dma source(%dma_start3A_99 : memref<10000x128xf32, #tpu.memory_space<hbm>>) target(%dma_start3A_95 : memref<80x128xf32, #tpu.memory_space<vmem>>) offsets(%dma_start3A_96 : memref<80xi32, #tpu.memory_space<vmem>>) semaphore(%arg11 : memref<!tpu.dma_semaphore, #tpu.memory_space<semaphore_mem>>)
      } else {
      }
      %mul3A_63 = arith.constant 2 : i32
      %mul3A_64 = arith.muli %mul3A_63, %scan3A_43 : i32
      %add3A_65 = arith.constant 1 : i32
      %add3A_66 = arith.addi %mul3A_64, %add3A_65 : i32
      %mul3A_67 = arith.constant 80 : i32
      %mul3A_68 = arith.muli %add3A_66, %mul3A_67 : i32
      %dma_wait3A_69 = arith.constant 1 : i32
      %dma_wait3A_70 = arith.constant 0 : i32
      %dma_wait3A_71 = arith.constant 0 : i32
      %dma_wait3A_72 = tpu.memref_slice %arg9[%dma_wait3A_69, %dma_wait3A_70, %dma_wait3A_71] : memref<2x80x128xf32, #tpu.memory_space<vmem>> -> memref<1x80x128xf32, #tpu.memory_space<vmem>>
      %dma_wait3A_73 = tpu.memref_squeeze %dma_wait3A_72 : memref<1x80x128xf32, #tpu.memory_space<vmem>> -> memref<80x128xf32, #tpu.memory_space<vmem>>
      %dma_wait3A_74 = tpu.memref_slice %arg7[%mul3A_68] : memref<10000xi32, #tpu.memory_space<vmem>> -> memref<80xi32, #tpu.memory_space<vmem>>
      %dma_wait3A_75 = arith.constant 0 : i32
      %dma_wait3A_76 = arith.constant 0 : i32
      %dma_wait3A_77 = tpu.memref_slice %arg2[%dma_wait3A_75, %dma_wait3A_76] : memref<10000x128xf32, #tpu.memory_space<hbm>> -> memref<10000x128xf32, #tpu.memory_space<hbm>>
      tpu.wait_indirect_dma semaphore(%arg12 : memref<!tpu.dma_semaphore, #tpu.memory_space<semaphore_mem>>) src(%dma_wait3A_77 : memref<10000x128xf32, #tpu.memory_space<hbm>>) dst(%dma_wait3A_73 : memref<80x128xf32, #tpu.memory_space<vmem>>)
      %run_scoped3A_78 = arith.constant 1 : i32
      "tpu.region"() ({
        %run_scoped3A_87 = tpu.sem_alloc : memref<!tpu.dma_semaphore, #tpu.memory_space<semaphore_mem>>
        %dma_start3A_88 = arith.constant 0 : i32
        %dma_start3A_89 = arith.constant 0 : i32
        %dma_start3A_90 = tpu.memref_slice %arg9[%run_scoped3A_78, %dma_start3A_88, %dma_start3A_89] : memref<2x80x128xf32, #tpu.memory_space<vmem>> -> memref<1x80x128xf32, #tpu.memory_space<vmem>>
        %dma_start3A_91 = tpu.memref_squeeze %dma_start3A_90 : memref<1x80x128xf32, #tpu.memory_space<vmem>> -> memref<80x128xf32, #tpu.memory_space<vmem>>
        %dma_start3A_92 = arith.constant 0 : i32
        %dma_start3A_93 = tpu.memref_slice %arg8[%add3A_66, %dma_start3A_92] : memref<125x80xi32, #tpu.memory_space<vmem>> -> memref<1x80xi32, #tpu.memory_space<vmem>>
        %dma_start3A_94 = tpu.memref_squeeze %dma_start3A_93 : memref<1x80xi32, #tpu.memory_space<vmem>> -> memref<80xi32, #tpu.memory_space<vmem>>
        %dma_start3A_95 = arith.constant 0 : i32
        %dma_start3A_96 = arith.constant 0 : i32
        %dma_start3A_97 = tpu.memref_slice %arg10[%dma_start3A_95, %dma_start3A_96] : memref<10112x128xf32, #tpu.memory_space<vmem_shared>> -> memref<10112x128xf32, #tpu.memory_space<vmem_shared>>
        tpu.enqueue_indirect_dma source(%dma_start3A_91 : memref<80x128xf32, #tpu.memory_space<vmem>>) target(%dma_start3A_97 : memref<10112x128xf32, #tpu.memory_space<vmem_shared>>) offsets(%dma_start3A_94 : memref<80xi32, #tpu.memory_space<vmem>>) semaphore(%run_scoped3A_87 : memref<!tpu.dma_semaphore, #tpu.memory_space<semaphore_mem>>) {add = true}
        %dma_wait3A_98 = arith.constant 0 : i32
        %dma_wait3A_99 = arith.constant 0 : i32
        %dma_wait3A_100 = tpu.memref_slice %arg9[%run_scoped3A_78, %dma_wait3A_98, %dma_wait3A_99] : memref<2x80x128xf32, #tpu.memory_space<vmem>> -> memref<1x80x128xf32, #tpu.memory_space<vmem>>
        %dma_wait3A_101 = tpu.memref_squeeze %dma_wait3A_100 : memref<1x80x128xf32, #tpu.memory_space<vmem>> -> memref<80x128xf32, #tpu.memory_space<vmem>>
        %dma_wait3A_102 = arith.constant 0 : i32
        %dma_wait3A_103 = tpu.memref_slice %arg8[%add3A_66, %dma_wait3A_102] : memref<125x80xi32, #tpu.memory_space<vmem>> -> memref<1x80xi32, #tpu.memory_space<vmem>>
        %dma_wait3A_104 = tpu.memref_squeeze %dma_wait3A_103 : memref<1x80xi32, #tpu.memory_space<vmem>> -> memref<80xi32, #tpu.memory_space<vmem>>
        %dma_wait3A_105 = arith.constant 0 : i32
        %dma_wait3A_106 = arith.constant 0 : i32
        %dma_wait3A_107 = tpu.memref_slice %arg10[%dma_wait3A_105, %dma_wait3A_106] : memref<10112x128xf32, #tpu.memory_space<vmem_shared>> -> memref<10112x128xf32, #tpu.memory_space<vmem_shared>>
        tpu.wait_indirect_dma semaphore(%run_scoped3A_87 : memref<!tpu.dma_semaphore, #tpu.memory_space<semaphore_mem>>) src(%dma_wait3A_101 : memref<80x128xf32, #tpu.memory_space<vmem>>) dst(%dma_wait3A_107 : memref<10112x128xf32, #tpu.memory_space<vmem_shared>>)
        tpu.yield
      }) : () -> ()
      %add3A_79 = arith.constant 2 : i32
      %add3A_80 = arith.addi %add3A_66, %add3A_79 : i32
      %lt3A_81 = arith.constant 125 : i32
      %lt3A_82 = arith.cmpi slt, %add3A_80, %lt3A_81 : i32
      %convert_element_type3A_83 = arith.extui %lt3A_82 : i1 to i32
      %cond3A_84 = arith.constant 0 : i32
      %cond3A_85 = arith.cmpi ne, %convert_element_type3A_83, %cond3A_84 : i32
      scf.if %cond3A_85 {
        %add3A_87 = arith.constant 2 : i32
        %add3A_88 = arith.addi %add3A_66, %add3A_87 : i32
        %mul3A_89 = arith.constant 80 : i32
        %mul3A_90 = arith.muli %add3A_88, %mul3A_89 : i32
        %dma_start3A_91 = arith.constant 1 : i32
        %dma_start3A_92 = arith.constant 0 : i32
        %dma_start3A_93 = arith.constant 0 : i32
        %dma_start3A_94 = tpu.memref_slice %arg9[%dma_start3A_91, %dma_start3A_92, %dma_start3A_93] : memref<2x80x128xf32, #tpu.memory_space<vmem>> -> memref<1x80x128xf32, #tpu.memory_space<vmem>>
        %dma_start3A_95 = tpu.memref_squeeze %dma_start3A_94 : memref<1x80x128xf32, #tpu.memory_space<vmem>> -> memref<80x128xf32, #tpu.memory_space<vmem>>
        %dma_start3A_96 = tpu.memref_slice %arg7[%mul3A_90] : memref<10000xi32, #tpu.memory_space<vmem>> -> memref<80xi32, #tpu.memory_space<vmem>>
        %dma_start3A_97 = arith.constant 0 : i32
        %dma_start3A_98 = arith.constant 0 : i32
        %dma_start3A_99 = tpu.memref_slice %arg2[%dma_start3A_97, %dma_start3A_98] : memref<10000x128xf32, #tpu.memory_space<hbm>> -> memref<10000x128xf32, #tpu.memory_space<hbm>>
        tpu.enqueue_indirect_dma source(%dma_start3A_99 : memref<10000x128xf32, #tpu.memory_space<hbm>>) target(%dma_start3A_95 : memref<80x128xf32, #tpu.memory_space<vmem>>) offsets(%dma_start3A_96 : memref<80xi32, #tpu.memory_space<vmem>>) semaphore(%arg12 : memref<!tpu.dma_semaphore, #tpu.memory_space<semaphore_mem>>)
      } else {
      }
      %scan3A_86 = arith.constant 0 : i32
      scf.yield %scan3A_86 : i32
    }
    %scan3A_27 = arith.constant 62 : i32
    %dma_wait3A = arith.constant 0 : i32
    %dma_wait3A_28 = arith.constant 0 : i32
    %dma_wait3A_29 = arith.constant 0 : i32
    %dma_wait3A_30 = tpu.memref_slice %arg9[%dma_wait3A, %dma_wait3A_28, %dma_wait3A_29] : memref<2x80x128xf32, #tpu.memory_space<vmem>> -> memref<1x80x128xf32, #tpu.memory_space<vmem>>
    %dma_wait3A_31 = tpu.memref_squeeze %dma_wait3A_30 : memref<1x80x128xf32, #tpu.memory_space<vmem>> -> memref<80x128xf32, #tpu.memory_space<vmem>>
    %dma_wait3A_32 = arith.constant 9920 : i32
    %dma_wait3A_33 = tpu.memref_slice %arg7[%dma_wait3A_32] : memref<10000xi32, #tpu.memory_space<vmem>> -> memref<80xi32, #tpu.memory_space<vmem>>
    %dma_wait3A_34 = arith.constant 0 : i32
    %dma_wait3A_35 = arith.constant 0 : i32
    %dma_wait3A_36 = tpu.memref_slice %arg2[%dma_wait3A_34, %dma_wait3A_35] : memref<10000x128xf32, #tpu.memory_space<hbm>> -> memref<10000x128xf32, #tpu.memory_space<hbm>>
    tpu.wait_indirect_dma semaphore(%arg11 : memref<!tpu.dma_semaphore, #tpu.memory_space<semaphore_mem>>) src(%dma_wait3A_36 : memref<10000x128xf32, #tpu.memory_space<hbm>>) dst(%dma_wait3A_31 : memref<80x128xf32, #tpu.memory_space<vmem>>)
    %run_scoped3A = arith.constant 0 : i32
    %run_scoped3A_37 = arith.constant 124 : i32
    "tpu.region"() ({
      %run_scoped3A_43 = tpu.sem_alloc : memref<!tpu.dma_semaphore, #tpu.memory_space<semaphore_mem>>
      %dma_start3A_44 = arith.constant 0 : i32
      %dma_start3A_45 = arith.constant 0 : i32
      %dma_start3A_46 = tpu.memref_slice %arg9[%run_scoped3A, %dma_start3A_44, %dma_start3A_45] : memref<2x80x128xf32, #tpu.memory_space<vmem>> -> memref<1x80x128xf32, #tpu.memory_space<vmem>>
      %dma_start3A_47 = tpu.memref_squeeze %dma_start3A_46 : memref<1x80x128xf32, #tpu.memory_space<vmem>> -> memref<80x128xf32, #tpu.memory_space<vmem>>
      %dma_start3A_48 = arith.constant 0 : i32
      %dma_start3A_49 = tpu.memref_slice %arg8[%run_scoped3A_37, %dma_start3A_48] : memref<125x80xi32, #tpu.memory_space<vmem>> -> memref<1x80xi32, #tpu.memory_space<vmem>>
      %dma_start3A_50 = tpu.memref_squeeze %dma_start3A_49 : memref<1x80xi32, #tpu.memory_space<vmem>> -> memref<80xi32, #tpu.memory_space<vmem>>
      %dma_start3A_51 = arith.constant 0 : i32
      %dma_start3A_52 = arith.constant 0 : i32
      %dma_start3A_53 = tpu.memref_slice %arg10[%dma_start3A_51, %dma_start3A_52] : memref<10112x128xf32, #tpu.memory_space<vmem_shared>> -> memref<10112x128xf32, #tpu.memory_space<vmem_shared>>
      tpu.enqueue_indirect_dma source(%dma_start3A_47 : memref<80x128xf32, #tpu.memory_space<vmem>>) target(%dma_start3A_53 : memref<10112x128xf32, #tpu.memory_space<vmem_shared>>) offsets(%dma_start3A_50 : memref<80xi32, #tpu.memory_space<vmem>>) semaphore(%run_scoped3A_43 : memref<!tpu.dma_semaphore, #tpu.memory_space<semaphore_mem>>) {add = true}
      %dma_wait3A_54 = arith.constant 0 : i32
      %dma_wait3A_55 = arith.constant 0 : i32
      %dma_wait3A_56 = tpu.memref_slice %arg9[%run_scoped3A, %dma_wait3A_54, %dma_wait3A_55] : memref<2x80x128xf32, #tpu.memory_space<vmem>> -> memref<1x80x128xf32, #tpu.memory_space<vmem>>
      %dma_wait3A_57 = tpu.memref_squeeze %dma_wait3A_56 : memref<1x80x128xf32, #tpu.memory_space<vmem>> -> memref<80x128xf32, #tpu.memory_space<vmem>>
      %dma_wait3A_58 = arith.constant 0 : i32
      %dma_wait3A_59 = tpu.memref_slice %arg8[%run_scoped3A_37, %dma_wait3A_58] : memref<125x80xi32, #tpu.memory_space<vmem>> -> memref<1x80xi32, #tpu.memory_space<vmem>>
      %dma_wait3A_60 = tpu.memref_squeeze %dma_wait3A_59 : memref<1x80xi32, #tpu.memory_space<vmem>> -> memref<80xi32, #tpu.memory_space<vmem>>
      %dma_wait3A_61 = arith.constant 0 : i32
      %dma_wait3A_62 = arith.constant 0 : i32
      %dma_wait3A_63 = tpu.memref_slice %arg10[%dma_wait3A_61, %dma_wait3A_62] : memref<10112x128xf32, #tpu.memory_space<vmem_shared>> -> memref<10112x128xf32, #tpu.memory_space<vmem_shared>>
      tpu.wait_indirect_dma semaphore(%run_scoped3A_43 : memref<!tpu.dma_semaphore, #tpu.memory_space<semaphore_mem>>) src(%dma_wait3A_57 : memref<80x128xf32, #tpu.memory_space<vmem>>) dst(%dma_wait3A_63 : memref<10112x128xf32, #tpu.memory_space<vmem_shared>>)
      tpu.yield
    }) : () -> ()
    %barrier3A_38 = arith.constant 0 : index
    tpu.barrier barrier_id(%barrier3A_38)
    %mul3A_39 = arith.constant 632 : i32
    %mul3A_40 = arith.muli %arg1, %mul3A_39 : i32
    %mul3A_41 = arith.constant 632 : i32
    %mul3A_42 = arith.muli %arg1, %mul3A_41 : i32
    "tpu.region"() ({
      %run_scoped3A_43 = tpu.sem_alloc : memref<!tpu.dma_semaphore, #tpu.memory_space<semaphore_mem>>
      %dma_start3A_44 = arith.constant 0 : i32
      %dma_start3A_45 = tpu.memref_slice %arg6[%arg0, %mul3A_42, %dma_start3A_44] : memref<2x10112x128xf32, #tpu.memory_space<hbm>> -> memref<1x632x128xf32, #tpu.memory_space<hbm>>
      %dma_start3A_46 = tpu.memref_squeeze %dma_start3A_45 : memref<1x632x128xf32, #tpu.memory_space<hbm>> -> memref<632x128xf32, #tpu.memory_space<hbm>>
      %dma_start3A_47 = arith.constant 0 : i32
      %dma_start3A_48 = tpu.memref_slice %arg10[%mul3A_40, %dma_start3A_47] : memref<10112x128xf32, #tpu.memory_space<vmem_shared>> -> memref<632x128xf32, #tpu.memory_space<vmem_shared>>
      tpu.enqueue_dma source(%dma_start3A_48 : memref<632x128xf32, #tpu.memory_space<vmem_shared>>) target(%dma_start3A_46 : memref<632x128xf32, #tpu.memory_space<hbm>>) target_semaphore(%run_scoped3A_43 : memref<!tpu.dma_semaphore, #tpu.memory_space<semaphore_mem>>)
      %dma_wait3A_49 = arith.constant 0 : i32
      %dma_wait3A_50 = tpu.memref_slice %arg6[%arg0, %mul3A_42, %dma_wait3A_49] : memref<2x10112x128xf32, #tpu.memory_space<hbm>> -> memref<1x632x128xf32, #tpu.memory_space<hbm>>
      %dma_wait3A_51 = tpu.memref_squeeze %dma_wait3A_50 : memref<1x632x128xf32, #tpu.memory_space<hbm>> -> memref<632x128xf32, #tpu.memory_space<hbm>>
      %dma_wait3A_52 = arith.constant 0 : i32
      %dma_wait3A_53 = tpu.memref_slice %arg10[%mul3A_40, %dma_wait3A_52] : memref<10112x128xf32, #tpu.memory_space<vmem_shared>> -> memref<632x128xf32, #tpu.memory_space<vmem_shared>>
      tpu.wait_dma2 semaphore(%run_scoped3A_43 : memref<!tpu.dma_semaphore, #tpu.memory_space<semaphore_mem>>) src(%dma_wait3A_53 : memref<632x128xf32, #tpu.memory_space<vmem_shared>>) dst(%dma_wait3A_51 : memref<632x128xf32, #tpu.memory_space<hbm>>)
      tpu.yield
    }) : () -> ()
    return
  }
}

module attributes {stable_mosaic.version = 14 : i64} {
  func.func @_tc_body(%arg0: i32, %arg1: memref<2x1000x128xf32, #tpu.memory_space<vmem>>, %arg2: memref<2x1000x128xf32, #tpu.memory_space<vmem>>, %arg3: memref<128x128xf32, #tpu.memory_space<vmem>>, %arg4: memref<128xf32, #tpu.memory_space<vmem>>, %arg5: memref<1000x128xf32, #tpu.memory_space<vmem>>) attributes {dimension_semantics = [#tpu.dimension_semantics<arbitrary>], iteration_bounds = array<i64: 10>, scalar_prefetch = 0 : i64, scratch_operands = 0 : i64, tpu.core_type = #tpu.core_type<tc>, window_params = [{transform_indices = @transform_0, window_bounds = array<i64: 2, 1000, 128>}, {transform_indices = @transform_1, window_bounds = array<i64: 2, 1000, 128>}, {pipeline_mode = #tpu.pipeline_mode<synchronous>, transform_indices = @transform_2, window_bounds = array<i64: 128, 128>}, {pipeline_mode = #tpu.pipeline_mode<synchronous>, transform_indices = @transform_3, window_bounds = array<i64: 128>}, {transform_indices = @transform_4, window_bounds = array<i64: 1000, 128>}]} {
    %get3A = arith.constant 0 : index
    %get3A_0 = arith.constant 0 : index
    %get3A_1 = arith.constant 0 : index
    %get3A_2 = vector.load %arg1[%get3A, %get3A_0, %get3A_1] : memref<2x1000x128xf32, #tpu.memory_space<vmem>>, vector<1x1000x128xf32>
    %get3A_3 = vector.shape_cast %get3A_2 : vector<1x1000x128xf32> to vector<1000x128xf32>
    %get3A_4 = arith.constant 1 : index
    %get3A_5 = arith.constant 0 : index
    %get3A_6 = arith.constant 0 : index
    %get3A_7 = vector.load %arg1[%get3A_4, %get3A_5, %get3A_6] : memref<2x1000x128xf32, #tpu.memory_space<vmem>>, vector<1x1000x128xf32>
    %get3A_8 = vector.shape_cast %get3A_7 : vector<1x1000x128xf32> to vector<1000x128xf32>
    %add3A = arith.addf %get3A_3, %get3A_8 : vector<1000x128xf32>
    %get3A_9 = arith.constant 0 : index
    %get3A_10 = arith.constant 0 : index
    %get3A_11 = vector.load %arg3[%get3A_9, %get3A_10] : memref<128x128xf32, #tpu.memory_space<vmem>>, vector<128x128xf32>
    %dot_general3A = arith.constant dense<0.000000e+00> : vector<1000x128xf32>
    %dot_general3A_12 = tpu.matmul %add3A, %get3A_11, %dot_general3A {dimension_numbers = #tpu.dot_dimension_numbers<[1], [1], [0], [0], [0, 0, 1, 0], [], []>, transpose_lhs_hint = false} : vector<1000x128xf32>, vector<128x128xf32>, vector<1000x128xf32> -> vector<1000x128xf32>
    %get3A_13 = arith.constant 0 : index
    %get3A_14 = arith.constant 0 : index
    %get3A_15 = arith.constant 0 : index
    %get3A_16 = vector.load %arg2[%get3A_13, %get3A_14, %get3A_15] : memref<2x1000x128xf32, #tpu.memory_space<vmem>>, vector<1x1000x1xf32>
    %get3A_17 = vector.shape_cast %get3A_16 : vector<1x1000x1xf32> to vector<1000x1xf32>
    %get3A_18 = arith.constant 1 : index
    %get3A_19 = arith.constant 0 : index
    %get3A_20 = arith.constant 0 : index
    %get3A_21 = vector.load %arg2[%get3A_18, %get3A_19, %get3A_20] : memref<2x1000x128xf32, #tpu.memory_space<vmem>>, vector<1x1000x1xf32>
    %get3A_22 = vector.shape_cast %get3A_21 : vector<1x1000x1xf32> to vector<1000x1xf32>
    %add3A_23 = arith.addf %get3A_17, %get3A_22 : vector<1000x1xf32>
    %get3A_24 = arith.constant 0 : index
    %get3A_25 = vector.load %arg4[%get3A_24] : memref<128xf32, #tpu.memory_space<vmem>>, vector<128xf32>
    %broadcast_in_dim3A = vector.shape_cast %get3A_25 : vector<128xf32> to vector<1x128xf32>
    %mul3A = vector.broadcast %add3A_23 : vector<1000x1xf32> to vector<1000x128xf32>
    %mul3A_26 = vector.broadcast %broadcast_in_dim3A : vector<1x128xf32> to vector<1000x128xf32>
    %mul3A_27 = arith.mulf %mul3A, %mul3A_26 : vector<1000x128xf32>
    %add3A_28 = arith.addf %dot_general3A_12, %mul3A_27 : vector<1000x128xf32>
    %swap3A = arith.constant 0 : index
    %swap3A_29 = arith.constant 0 : index
    %swap3A_30 = vector.load %arg5[%swap3A, %swap3A_29] : memref<1000x128xf32, #tpu.memory_space<vmem>>, vector<1000x128xf32>
    tpu.vector_store %arg5[%swap3A, %swap3A_29], %add3A_28 {strides = array<i32>} : memref<1000x128xf32, #tpu.memory_space<vmem>>, vector<1000x128xf32>,
    return
  }
  func.func @transform_0(%arg0: i32) -> (i32, i32, i32) {
    %c0_i32 = arith.constant 0 : i32
    %c0_i32_0 = arith.constant 0 : i32
    %c0_i32_1 = arith.constant 0 : i32
    return %c0_i32, %arg0, %c0_i32_0 : i32, i32, i32
  }
  func.func @transform_1(%arg0: i32) -> (i32, i32, i32) {
    %c0_i32 = arith.constant 0 : i32
    %c0_i32_0 = arith.constant 0 : i32
    %c0_i32_1 = arith.constant 0 : i32
    return %c0_i32, %arg0, %c0_i32_0 : i32, i32, i32
  }
  func.func @transform_2(%arg0: i32) -> (i32, i32) {
    %c0_i32 = arith.constant 0 : i32
    %c0_i32_0 = arith.constant 0 : i32
    %c0_i32_1 = arith.constant 0 : i32
    return %c0_i32, %c0_i32_0 : i32, i32
  }
  func.func @transform_3(%arg0: i32) -> i32 {
    %c0_i32 = arith.constant 0 : i32
    %c0_i32_0 = arith.constant 0 : i32
    return %c0_i32 : i32
  }
  func.func @transform_4(%arg0: i32) -> (i32, i32) {
    %c0_i32 = arith.constant 0 : i32
    %c0_i32_0 = arith.constant 0 : i32
    return %arg0, %c0_i32 : i32, i32
  }
}

module attributes {stable_mosaic.version = 14 : i64} {
  func.func @_tc_body(%arg0: i32, %arg1: memref<2x1000x128xf32, #tpu.memory_space<vmem>>, %arg2: memref<2x1000x128xf32, #tpu.memory_space<vmem>>, %arg3: memref<128x128xf32, #tpu.memory_space<vmem>>, %arg4: memref<128xf32, #tpu.memory_space<vmem>>, %arg5: memref<1000x128xf32, #tpu.memory_space<vmem>>) attributes {dimension_semantics = [#tpu.dimension_semantics<arbitrary>], iteration_bounds = array<i64: 10>, scalar_prefetch = 0 : i64, scratch_operands = 0 : i64, tpu.core_type = #tpu.core_type<tc>, window_params = [{transform_indices = @transform_0, window_bounds = array<i64: 2, 1000, 128>}, {transform_indices = @transform_1, window_bounds = array<i64: 2, 1000, 128>}, {pipeline_mode = #tpu.pipeline_mode<synchronous>, transform_indices = @transform_2, window_bounds = array<i64: 128, 128>}, {pipeline_mode = #tpu.pipeline_mode<synchronous>, transform_indices = @transform_3, window_bounds = array<i64: 128>}, {transform_indices = @transform_4, window_bounds = array<i64: 1000, 128>}]} {
    %get3A = arith.constant 0 : index
    %get3A_0 = arith.constant 0 : index
    %get3A_1 = arith.constant 0 : index
    %get3A_2 = vector.load %arg1[%get3A, %get3A_0, %get3A_1] : memref<2x1000x128xf32, #tpu.memory_space<vmem>>, vector<1x1000x128xf32>
    %get3A_3 = vector.shape_cast %get3A_2 : vector<1x1000x128xf32> to vector<1000x128xf32>
    %get3A_4 = arith.constant 1 : index
    %get3A_5 = arith.constant 0 : index
    %get3A_6 = arith.constant 0 : index
    %get3A_7 = vector.load %arg1[%get3A_4, %get3A_5, %get3A_6] : memref<2x1000x128xf32, #tpu.memory_space<vmem>>, vector<1x1000x128xf32>
    %get3A_8 = vector.shape_cast %get3A_7 : vector<1x1000x128xf32> to vector<1000x128xf32>
    %add3A = arith.addf %get3A_3, %get3A_8 : vector<1000x128xf32>
    %get3A_9 = arith.constant 0 : index
    %get3A_10 = arith.constant 0 : index
    %get3A_11 = vector.load %arg3[%get3A_9, %get3A_10] : memref<128x128xf32, #tpu.memory_space<vmem>>, vector<128x128xf32>
    %dot_general3A = arith.constant dense<0.000000e+00> : vector<1000x128xf32>
    %dot_general3A_12 = tpu.matmul %add3A, %get3A_11, %dot_general3A {dimension_numbers = #tpu.dot_dimension_numbers<[1], [1], [0], [0], [0, 0, 1, 0], [], []>, transpose_lhs_hint = false} : vector<1000x128xf32>, vector<128x128xf32>, vector<1000x128xf32> -> vector<1000x128xf32>
    %get3A_13 = arith.constant 0 : index
    %get3A_14 = arith.constant 0 : index
    %get3A_15 = arith.constant 0 : index
    %get3A_16 = vector.load %arg2[%get3A_13, %get3A_14, %get3A_15] : memref<2x1000x128xf32, #tpu.memory_space<vmem>>, vector<1x1000x1xf32>
    %get3A_17 = vector.shape_cast %get3A_16 : vector<1x1000x1xf32> to vector<1000x1xf32>
    %get3A_18 = arith.constant 1 : index
    %get3A_19 = arith.constant 0 : index
    %get3A_20 = arith.constant 0 : index
    %get3A_21 = vector.load %arg2[%get3A_18, %get3A_19, %get3A_20] : memref<2x1000x128xf32, #tpu.memory_space<vmem>>, vector<1x1000x1xf32>
    %get3A_22 = vector.shape_cast %get3A_21 : vector<1x1000x1xf32> to vector<1000x1xf32>
    %add3A_23 = arith.addf %get3A_17, %get3A_22 : vector<1000x1xf32>
    %get3A_24 = arith.constant 0 : index
    %get3A_25 = vector.load %arg4[%get3A_24] : memref<128xf32, #tpu.memory_space<vmem>>, vector<128xf32>
    %broadcast_in_dim3A = vector.shape_cast %get3A_25 : vector<128xf32> to vector<1x128xf32>
    %mul3A = vector.broadcast %add3A_23 : vector<1000x1xf32> to vector<1000x128xf32>
    %mul3A_26 = vector.broadcast %broadcast_in_dim3A : vector<1x128xf32> to vector<1000x128xf32>
    %mul3A_27 = arith.mulf %mul3A, %mul3A_26 : vector<1000x128xf32>
    %add3A_28 = arith.addf %dot_general3A_12, %mul3A_27 : vector<1000x128xf32>
    %swap3A = arith.constant 0 : index
    %swap3A_29 = arith.constant 0 : index
    %swap3A_30 = vector.load %arg5[%swap3A, %swap3A_29] : memref<1000x128xf32, #tpu.memory_space<vmem>>, vector<1000x128xf32>
    tpu.vector_store %arg5[%swap3A, %swap3A_29], %add3A_28 {strides = array<i32>} : memref<1000x128xf32, #tpu.memory_space<vmem>>, vector<1000x128xf32>,
    return
  }
  func.func @transform_0(%arg0: i32) -> (i32, i32, i32) {
    %c0_i32 = arith.constant 0 : i32
    %c0_i32_0 = arith.constant 0 : i32
    %c0_i32_1 = arith.constant 0 : i32
    return %c0_i32, %arg0, %c0_i32_0 : i32, i32, i32
  }
  func.func @transform_1(%arg0: i32) -> (i32, i32, i32) {
    %c0_i32 = arith.constant 0 : i32
    %c0_i32_0 = arith.constant 0 : i32
    %c0_i32_1 = arith.constant 0 : i32
    return %c0_i32, %arg0, %c0_i32_0 : i32, i32, i32
  }
  func.func @transform_2(%arg0: i32) -> (i32, i32) {
    %c0_i32 = arith.constant 0 : i32
    %c0_i32_0 = arith.constant 0 : i32
    %c0_i32_1 = arith.constant 0 : i32
    return %c0_i32, %c0_i32_0 : i32, i32
  }
  func.func @transform_3(%arg0: i32) -> i32 {
    %c0_i32 = arith.constant 0 : i32
    %c0_i32_0 = arith.constant 0 : i32
    return %c0_i32 : i32
  }
  func.func @transform_4(%arg0: i32) -> (i32, i32) {
    %c0_i32 = arith.constant 0 : i32
    %c0_i32_0 = arith.constant 0 : i32
    return %arg0, %c0_i32 : i32, i32
  }
}

</mosaic_0001>

<sc_bundles>
// kernel: kernel.10.cloned.1.call-start
scs
__scs_entry_jumppad:
0x0: {  	(pc) =	sbr.rel $0x88, $3  }
0x1: {  	(tag) =	ssettag $0x0;
	lr =	simm.s32 $0x1  }
0x2: {  	[smem:$0x3F9B] =	sst lr;
	_ =	strace $0xD0000000  }
0x3: {  	_ = 	snop  }
0x4: {  	_ = 	snop  }
0x5: {  	_ = 	snop  }
0x6: {  	_ = 	snop  }
0x7: {  	_ = 	snop  }
__scs_overlays_trampoline_lowered:
0x8: {  	[smem:$0x3FAA] =	sst s0  }
0x9: {  	[smem:$0x3FAB] =	sst s1  }
0xa: {  	[smem:$0x3FAC] =	sst s2  }
0xb: {  	[smem:$0x3FAD] =	sst s3  }
0xc: {  	[smem:$0x3FAE] =	sst s4  }
0xd: {  	[smem:$0x3FAF] =	sst s5  }
0xe: {  	[smem:$0x3FB0] =	sst s6  }
0xf: {  	[smem:$0x3FB1] =	sst s7  }
0x10: {  	[smem:$0x3FB2] =	sst s8  }
0x11: {  	[smem:$0x3FB3] =	sst s9;
	s0 =	simm.s32 @!p0 $0x0  }
0x12: {  	s1 =	sld [smem:$0x3F99];
	s0 =	simm.s32 @p0 $0x1  }
0x13: {  	[smem:$0x3FB4] =	sst s0;
	s0 =	simm.s32 @!p1 $0x0  }
0x14: {  	s2 =	sld [smem:$0x3F98];
	s0 =	simm.s32 @p1 $0x1  }
0x15: {  	[smem:$0x3FB5] =	sst s0;
	s0 =	simm.s32 @!p2 $0x0  }
0x16: {  	s3 =	sld [smem:$0x3FDB];
	s0 =	simm.s32 @p2 $0x1  }
0x17: {  	s4 =	simm.s32 $0x1BF5;
	[smem:$0x3FB7] =	sst s0  }
0x18: {  	s0 =	sld [smem:$0x3F9A];
	_ =	swait.ge [sflag:s4], $0x0  }
0x19: {  	s7 =	sld [smem:$0x3F9B]  }
0x1a: {  	s8 =	sadd.s32 $0xFFFFE003, lr  }
0x1b: {  	s9 =	sadd.s32 $0xFFFFFEF7, lr;
	s5 =	simm.s32 $0xFFFFFFFF;
	p2 =	slt.u32 s8, $0xFFFFF086  }
0x1c: {  	p1 =	slt.u32 s9, $0xF7A;
	s5 =	simm.s32 @!p2 $0x0  }
0x1d: {  	s5 =	simm.s32 @p1 $0x1;
	p0 =	seq.s32 s7, s2  }
0x1e: {  	s7 =	smul.u32 @!p0 $0xF7A, s2;
	p2 =	seq.s32 @!p0 s5, $0x0  }
0x1f: {  	s9 =	smul.u32 $0xF7A, s1;
	s8 =	simm.s32 @!p0 $0x1BF5;
	p2 =	por !p2, p0  }
0x20: {  	[sflag:s8] =	ssyncset.s32 @!p0 $0xFFFFF086;
	s6 =	sadd.s32 @!p0 s3, s7;
	s7 =	simm.s32 @!p0 $0x108  }
0x21: {  	s3 =	sadd.s32 s3, s9;
	s6 =	sadd.s32 @!p0 $0x88, s6;
	s7 =	simm.s32 @p2 $0x1082  }
0x22: {  	[simem:s7], [sflag:s8] =	dma.local @!p0 [hbm:s6], $0xF7A  }
0x23: {  	s9 =	sor.u32 $0xD0000000, s2;
	s6 =	simm.s32 $0x108;
	_ =	swait.ge @!p0 [sflag:s8], $0x0  }
0x24: {  	s3 =	sadd.s32 $0x88, s3;
	s6 =	simm.s32 @!p1 $0x1082;
	[sflag:s4] =	ssyncset.s32 $0xFFFFF086  }
0x25: {  	[simem:s6], [sflag:s4] =	dma.local [hbm:s3], $0xF7A  }
0x26: {  	[smem:$0x3F9B] =	sst s1;
	(tag) =	ssettag s2;
	_ =	strace s9  }
0x27: {  	s1 =	sld [smem:$0x3FAB]  }
0x28: {  	s2 =	sld [smem:$0x3FAC]  }
0x29: {  	s4 =	sld [smem:$0x3FAE]  }
0x2a: {  	p0 =	seq.s32 s5, $0x0;
	s5 =	sld [smem:$0x3FAF]  }
0x2b: {  	s6 =	sld [smem:$0x3FB0]  }
0x2c: {  	s7 =	sld [smem:$0x3FB1]  }
0x2d: {  	s3 =	simm.s32 $0x108;
	s8 =	sld [smem:$0x3FB2]  }
0x2e: {  	s3 =	simm.s32 @!p0 $0x1082;
	s9 =	sld [smem:$0x3FB3]  }
0x2f: {  	lr =	sadd.s32 s0, s3;
	s0 =	sld [smem:$0x3FAA]  }
0x30: {  	s3 =	sld [smem:$0x3FAD]  }
0x31: {  	[smem:$0x3FB6] =	sst s10  }
0x32: {  	s10 =	sld [smem:$0x3FB4];
	_ =	sdelay $0x3  }
0x33: {  	p0 =	seq.s32 s10, $0x1;
	s10 =	sld [smem:$0x3FB6];
	_ =	sdelay $0x3  }
0x34: {  	[smem:$0x3FB6] =	sst s10  }
0x35: {  	s10 =	sld [smem:$0x3FB5];
	_ =	sdelay $0x3  }
0x36: {  	p1 =	seq.s32 s10, $0x1;
	s10 =	sld [smem:$0x3FB6];
	_ =	sdelay $0x3  }
0x37: {  	[smem:$0x3FB6] =	sst s10  }
0x38: {  	s10 =	sld [smem:$0x3FB7]  }
0x39: {  	_ = 	snop;
	(pc) =	sbr.ind lr, $3  }
0x3a: {  	_ = 	snop  }
0x3b: {  	_ = 	snop  }
0x3c: {  	p2 =	seq.s32 s10, $0x1;
	s10 =	sld [smem:$0x3FB6]  }
0x3d: {  	_ =	shalt  }
0x3e: {  	_ =	shalt  }
0x3f: {  	_ =	shalt  }
0x40: {  	_ =	shalt  }
0x41: {  	_ =	shalt  }
0x42: {  	_ =	shalt  }
0x43: {  	_ =	shalt  }
0x44: {  	_ =	shalt  }
0x45: {  	_ =	shalt  }
0x46: {  	_ =	shalt  }
0x47: {  	_ =	shalt  }
0x48: {  	_ =	shalt  }
0x49: {  	_ =	shalt  }
0x4a: {  	_ =	shalt  }
0x4b: {  	_ =	shalt  }
0x4c: {  	_ =	shalt  }
0x4d: {  	_ =	shalt  }
0x4e: {  	_ =	shalt  }
0x4f: {  	_ =	shalt  }
0x50: {  	_ =	shalt  }
0x51: {  	_ =	shalt  }
0x52: {  	_ =	shalt  }
0x53: {  	_ =	shalt  }
0x54: {  	_ =	shalt  }
0x55: {  	_ =	shalt  }
0x56: {  	_ =	shalt  }
0x57: {  	_ =	shalt  }
0x58: {  	_ =	shalt  }
0x59: {  	_ =	shalt  }
0x5a: {  	_ =	shalt  }
0x5b: {  	_ =	shalt  }
0x5c: {  	_ =	shalt  }
0x5d: {  	_ =	shalt  }
0x5e: {  	_ =	shalt  }
0x5f: {  	_ =	shalt  }
0x60: {  	_ =	shalt  }
0x61: {  	_ =	shalt  }
0x62: {  	_ =	shalt  }
0x63: {  	_ =	shalt  }
0x64: {  	_ =	shalt  }
0x65: {  	_ =	shalt  }
0x66: {  	_ =	shalt  }
0x67: {  	_ =	shalt  }
0x68: {  	_ =	shalt  }
0x69: {  	_ =	shalt  }
0x6a: {  	_ =	shalt  }
0x6b: {  	_ =	shalt  }
0x6c: {  	_ =	shalt  }
0x6d: {  	_ =	shalt  }
0x6e: {  	_ =	shalt  }
0x6f: {  	_ =	shalt  }
0x70: {  	_ =	shalt  }
0x71: {  	_ =	shalt  }
0x72: {  	_ =	shalt  }
0x73: {  	_ =	shalt  }
0x74: {  	_ =	shalt  }
0x75: {  	_ =	shalt  }
0x76: {  	_ =	shalt  }
0x77: {  	_ =	shalt  }
0x78: {  	_ =	shalt  }
0x79: {  	_ =	shalt  }
0x7a: {  	_ =	shalt  }
0x7b: {  	_ =	shalt  }
0x7c: {  	_ =	shalt  }
0x7d: {  	_ =	shalt  }
0x7e: {  	_ =	shalt  }
0x7f: {  	_ =	shalt  }
0x80: {  	_ =	shalt  }
0x81: {  	_ =	shalt  }
0x82: {  	_ =	shalt  }
0x83: {  	_ =	shalt  }
0x84: {  	_ =	shalt  }
0x85: {  	_ =	shalt  }
0x86: {  	_ =	shalt  }
0x87: {  	_ =	shalt  }
.Lfunc_end0:
.L_simem_size_0:
called_computation.1_lowered:
.L_overlay_start_0:
0x88: {  	s2 =	sld [smem:$0x3FD9]  }
0x89: {  	s3 =	sld [smem:$0x3FFE];
	_ =	sdelay $0x1  }
0x8a: {  	s1 =	srdreg.scid  }
0x8b: {  	s0 =	sand.u32 $0x1, s1  }
0x8c: {  	s17 =	sshll.u32 s0, $0xA;
	s2 =	sadd.s32 s3, s2  }
0x8d: {  	s2 =	sadd.s32 s2, s17  }
0x8e: {  	[smem:$0x3FC2] =	sst s2  }
0x8f: {  	_ = 	snop  }
0x90: {  	s18 =	sld [smem:$0x3FC9];
	(tm) =	ssettm $0x1  }
0x91: {  	s19 =	sld [smem:$0x3FFB];
	_ =	sdelay $0x3  }
0x92: {  	_ =	strace s19  }
0x93: {  	s2 =	sld [smem:$0x3FFC];
	_ =	sdelay $0x3  }
0x94: {  	_ =	strace s2  }
0x95: {  	s2 =	sld [smem:$0x3FFD];
	_ =	sdelay $0x3  }
0x96: {  	_ =	strace s2  }
0x97: {  	_ =	strace $0x8FFFFFFF  }
0x98: {  	s20 =	sld [smem:$0x3FDB];
	_ =	sdelay $0x1  }
0x99: {  	s4 =	simm.s32 $_scs_section_size  }
0x9a: {  	s5 =	simm.s32 $_size__tile_overlayer_lowered;
	s6 =	simm.s32 $_tile_overlayer_lowered  }
0x9b: {  	s7 =	simm.s32 $0x1BFF;
	s21 =	sshll.u32 s6, $0x1;
	s4 =	sadd.s32 s4, s20  }
0x9c: {  	s22 =	simm.s32 $0x0;
	s5 =	sshll.u32 s5, $0x1;
	s6 =	sadd.s32 s21, s4  }
0x9d: {  	[timem:s22], [sflag:s7] =	dma.local [hbm:s6], s5  }
0x9e: {  	_ =	swait.ge [sflag:s7], s5  }
0x9f: {  	s5 =	ssub.s32 $0x0, s5;
	[sflag:s7] =	ssyncset.done $0x0  }
0xa0: {  	[sflag:s7] =	ssyncadd.s32 s5;
	_ =	sdelay $0x1  }
0xa1: {  	s23 =	simm.s32 $0x1B8B  }
0xa2: {  	_ =	swait.ge [sflag:s23], $0x1  }
0xa3: {  	[sflag:s23] =	ssyncset.done $0x0  }
0xa4: {  	[sflag:s23] =	ssyncadd.s32 $0xFFFFFFFF  }
0xa5: {  	s5 =	sld [smem:$0x0]  }
0xa6: {  	s6 =	sand.u32 $0xFFFFFFFE, s1  }
0xa7: {  	p0 =	sne.s32 s1, s6  }
0xa8: {  	s6 =	sshll.u32 @p0 s6, $0xE  }
0xa9: {  	s6 =	sadd.s32 @p0 $0x11B8D, s6;
	s7 =	sshll.u32 @p0 s5, $0x11  }
0xaa: {  	s6 =	sor.u32 @p0 s7, s6  }
0xab: {  	[sflag:s6] =	ssyncadd.remote.s32 @p0 $0x1;
	_ =	sdelay $0x1  }
0xac: {  	s6 =	simm.s32 @p0 $0x1B8D  }
0xad: {  	_ =	swait.eq @p0 [sflag:s6], $0x1  }
0xae: {  	[sflag:s6] =	ssyncadd.s32 @p0 $0xFFFFFFFF  }
0xaf: {  	s7 =	sshll.u32 @!p0 s1, $0xE  }
0xb0: {  	s7 =	sor.u32 @!p0 $0x4000, s7;
	s6 =	simm.s32 @!p0 $0x1B8D  }
0xb1: {  	s5 =	sshll.u32 @!p0 s5, $0x11;
	s7 =	sadd.s32 @!p0 $0x11B8D, s7;
	_ =	swait.eq @!p0 [sflag:s6], $0x1  }
0xb2: {  	s5 =	sor.u32 @!p0 s5, s7;
	[sflag:s6] =	ssyncadd.s32 @!p0 $0xFFFFFFFF  }
0xb3: {  	s25 =	simm.s32 $0x1B8E;
	s24 =	sld [smem:$0x3FFE];
	[sflag:s5] =	ssyncadd.remote.s32 @!p0 $0x1  }
0xb4: {  	s26 =	simm.s32 $execute0_lowered;
	[smem:$0x3FD2] =	sst s25  }
0xb5: {  	s6 =	sshll.u32 s26, $0x1;
	_ =	strace $0x80000049;
	[dreg:$0x1] =	wrdreg $0xFFFFFFFF  }
0xb6: {  	s28 =	simm.s32 $_size_execute0_lowered;
	s4 =	sadd.s32 s4, s6;
	[dreg:$0x0] =	wrdreg $0x0  }
0xb7: {  	s6 =	sshll.u32 s28, $0x1;
	[dreg:$0x2] =	wrdreg s4  }
0xb8: {  	[dreg:$0x3] =	wrdreg s6  }
0xb9: {  	[dreg:$0x4] =	wrdreg $0xC0  }
0xba: {  	_ =	task [dreg:s22], $0x5FFFF  }
0xbb: {  	[dreg:$0x1] =	wrdreg $0xFFFFFFFF  }
0xbc: {  	[dreg:$0x0] =	wrdreg $0x60  }
0xbd: {  	[dreg:$0x2] =	wrdreg s18  }
0xbe: {  	[dreg:$0x3] =	wrdreg s24  }
0xbf: {  	[dreg:$0x4] =	wrdreg $0xB7800  }
0xc0: {  	[dreg:$0x5] =	wrdreg $0xA  }
0xc1: {  	_ =	task.clear_ibuf [dreg:s22], $0x6FFFF;
	_ =	strace $0x90000049  }
0xc2: {  	s29 =	simm.s32 $0xA;
	_ =	strace $0x8000004B  }
0xc3: {  	_ =	swait.ge [sflag:s29], $0x1  }
0xc4: {  	[sflag:s29] =	ssyncadd.s32 $0xFFFFFFFF  }
0xc5: {  	_ =	strace $0x9000004B  }
0xc6: {  	_ =	sfence  }
0xc7: {  	s30 =	sld [smem:$0x0];
	_ =	sdelay $0x2  }
0xc8: {  	s31 =	sshll.u32 s1, $0xD;
	s1 =	sshrl.u32 s1, $0x2  }
0xc9: {  	s4 =	sand.u32 $0x4000, s31;
	s1 =	sadd.s32 s1, s30  }
0xca: {  	s0 =	sor.u32 s4, s0;
	s1 =	sshll.u32 s1, $0x11  }
0xcb: {  	s0 =	sor.u32 s1, s0  }
0xcc: {  	s0 =	sadd.s32 $0x8F2B, s0  }
0xcd: {  	[sflag:s0] =	ssyncadd.remote.s32 $0x1  }
0xce: {  	_ =	sfence.sel $0xFFFF  }
0xcf: {  	[dreg:$0x0] =	wrdreg $0xFFFFFFFF;
	(pc) =	sbr.abs _section_cstart, $3  }
0xd0: {  	[dreg:$0x1] =	wrdreg $0xFFFFFFFF  }
0xd1: {  	_ =	task.clear_ibuf [dreg:s22], $0x2FFFF;
	_ =	strace $0x9FFFFFFF  }
0xd2: {  	(tm) =	ssettm $0x7FFFFFFF  }
0xd3: {  	_ =	shalt  }
tec
execute0_lowered:
.L_overlay_start_1:
0x0: {  	(tag) =	ssettag $0x1  }
0x1: {  	s1 =	rddreg [dreg:$0x0]  }
0x2: {  	s2 =	srdreg.scid;
	s6 =	rddreg [dreg:$0x1]  }
0x3: {  	s0 =	stileid.u32;
	s3 =	rddreg [dreg:$0x2];
	s15 =	simm.s32 $0x2780  }
0x4: {  	s16 =	simm.s32 $0x50;
	s17 =	simm.s32 $0x6780;
	s18 =	simm.s32 $0x8F80  }
0x5: {  	s19 =	simm.s32 $0x1;
	s20 =	simm.s32 $0x2;
	s21 =	simm.s32 $0x6480  }
0x6: {  	s22 =	simm.s32 $0x26C0;
	s5 =	sand.u32 $0x1, s2;
	s24 =	smul.u32 $0x13C00, s0  }
0x7: {  	s23 =	sshll.u32 s0, $0x1;
	s4 =	sshrl.u32 s0, $0x2;
	s28 =	smul.u32 $0x4F000, s0  }
0x8: {  	s2 =	rddreg [dreg:$0x3];
	s31 =	sshll.u32 s0, $0x6;
	s8 =	smul.u32 $0x13C00, s4  }
0x9: {  	s7 =	sor.u32 s5, s23;
	s4 =	simm.s32 $0x0;
	s10 =	smul.u32 $0x13C000, s5  }
0xa: {  	s26 =	ssub.s32 $0x2, s5;
	s5 =	sadd.s32 $0x2600, s6;
	s23 =	simm.s32 $0x6500  }
0xb: {  	s9 =	sshll.u32 s7, $0x7;
	[smem:$0x7FF] =	sst s4;
	s7 =	sshll.u32 s7, $0xB  }
0xc: {  	s29 =	sshrl.u32 s26, $0x1;
	s30 =	sshrl.u32 s28, $0x2;
	s9 =	sand.u32 $0x380, s9  }
0xd: {  	_ =	strace $0x8000004A;
	s11 =	sadd.s32 s7, s6;
	s25 =	sadd.s32 s24, s10  }
0xe: {  	s13 =	ssub.s32 s26, s29;
	s14 =	sadd.s32 s30, s3;
	s24 =	simm.s32 $0x6580  }
0xf: {  	s8 =	sor.u32 s8, s9;
	s7 =	sshrl.u32 s25, $0x3;
	s10 =	smax.u32 s13, $0x1  }
0x10: {  	s13 =	simm.s32 $0x80;
	s25 =	simm.s32 $0x0;
	s8 =	sshrl.u32 s8, $0x3  }
0x11: {  	s12 =	sadd.s32 s7, s6;
	s8 =	sadd.s32 s8, s6;
	s6 =	sor.u32 $0x1C03, s31  }
0x12: {  	s9 =	sadd.s32 $0x6DC00, s12;
	s12 =	simm.s32 $0x3;
	s7 =	sadd.s32 $0x63E00, s8  }
0x13: {  	s8 =	sadd.s32 $0x53E00, s11;
	s11 =	sshrl.u32 s14, $0x3;
	s14 =	simm.s32 $0x400  }
.LBB2_1:
0x14: {  	[spmem:s11], [sflag:s6] =	dma.local [hbm:s5], $0x2780  }
0x15: {  	_ =	swait.ge [sflag:s12], $0x2780  }
0x16: {  	[sflag:s12] =	ssyncset.done $0x0  }
0x17: {  	[sflag:s12] =	ssyncadd.s32 $0xFFFFD880  }
0x18: {  	[tilespmem:s4], [sflag:$0x3] =	stream.strided.gather [hbm4b:s7+s13], $0x2780, s14, s13, $0x38;
	[tilespmem:$0x1F380] =	vst v63  }
0x19: {  	_ =	swait.ge [sflag:s12], $0x2780  }
0x1a: {  	[sflag:s12] =	ssyncset.done $0x0  }
0x1b: {  	[sflag:s12] =	ssyncadd.s32 $0xFFFFD880  }
0x1c: {  	[tilespmem:s15], [sflag:$0x3] =	stream.linear.gather [hbm4b:s8+s4], $0x3E80, $0x38;
	[tilespmem:$0x1F380] =	vst v63  }
0x1d: {  	_ =	swait.ge [sflag:s12], $0x3E80  }
0x1e: {  	[sflag:s12] =	ssyncset.done $0x0  }
0x1f: {  	[sflag:s12] =	ssyncadd.s32 $0xFFFFC180  }
0x20: {  	[bflag:$0x0] =	sbarrier.arrive $0xFFFF  }
0x21: {  	[tilespmem:s17], [sflag:$0x1] =	stream.indirect.gather [hbm4b:s1+s16], $0x80, s4, s16, $0xb8;
	[tilespmem:$0x1F380] =	vst v63  }
0x22: {  	_ = 	snop  }
0x23: {  	[tilespmem:s18], [sflag:$0x2] =	stream.indirect.gather [hbm4b:s1+s16], $0x80, s16, s16, $0xb8;
	[tilespmem:$0x1F380] =	vst v63  }
0x24: {  	_ =	swait.ge [sflag:s19], $0x2800  }
0x25: {  	[sflag:s19] =	ssyncset.done $0x0  }
0x26: {  	s26 =	simm.s32 $0x2780;
	[sflag:s19] =	ssyncadd.s32 $0xFFFFD800  }
0x27: {  	[spmem:s3] =	stream.indirect.scatter.add.f32 [tilespmem:s17], [sflag:$0x3], $0x80, s26, s16, $0xb8;
	[tilespmem:$0x1F380] =	vst v63  }
0x28: {  	_ =	swait.ge [sflag:s12], $0x2800  }
0x29: {  	[sflag:s12] =	ssyncset.done $0x0  }
0x2a: {  	s30 =	simm.s32 $0xA0;
	[sflag:s12] =	ssyncadd.s32 $0xFFFFD800  }
0x2b: {  	[tilespmem:s17], [sflag:$0x1] =	stream.indirect.gather [hbm4b:s1+s16], $0x80, s30, s16, $0xb8;
	[tilespmem:$0x1F380] =	vst v63  }
0x2c: {  	_ =	swait.ge [sflag:s20], $0x2800  }
0x2d: {  	[sflag:s20] =	ssyncset.done $0x0  }
0x2e: {  	s31 =	simm.s32 $0x2800;
	[sflag:s20] =	ssyncadd.s32 $0xFFFFD800  }
0x2f: {  	[spmem:s3] =	stream.indirect.scatter.add.f32 [tilespmem:s18], [sflag:$0x3], $0x80, s31, s16, $0xb8;
	[tilespmem:$0x1F380] =	vst v63  }
0x30: {  	_ =	swait.ge [sflag:s12], $0x2800  }
0x31: {  	s28 =	simm.s32 $0x400;
	[sflag:s12] =	ssyncset.done $0x0  }
0x32: {  	s29 =	simm.s32 $0x190;
	s26 =	simm.s32 $0xF0;
	[sflag:s12] =	ssyncadd.s32 $0xFFFFD800  }
.LBB2_2:
0x33: {  	[tilespmem:s18], [sflag:$0x2] =	stream.indirect.gather [hbm4b:s1+s16], $0x80, s26, s16, $0xb8;
	[tilespmem:$0x1F380] =	vst v63  }
0x34: {  	s30 =	smov.u32 s28;
	s26 =	smov.u32 s29  }
0x35: {  	p0 =	sne.s32 s28, $0xF000;
	s28 =	sadd.s32 $0x400, s28;
	_ =	swait.ge [sflag:s19], $0x2800  }
0x36: {  	s30 =	sshra.s32 s30, $0x2;
	[sflag:s19] =	ssyncset.done $0x0  }
0x37: {  	s31 =	sadd.s32 $0x2780, s30;
	[sflag:s19] =	ssyncadd.s32 $0xFFFFD800  }
0x38: {  	[spmem:s3] =	stream.indirect.scatter.add.f32 [tilespmem:s17], [sflag:$0x3], $0x80, s31, s16, $0xb8;
	[tilespmem:$0x1F380] =	vst v63  }
0x39: {  	_ =	swait.ge [sflag:s12], $0x2800  }
0x3a: {  	[sflag:s12] =	ssyncset.done $0x0  }
0x3b: {  	s31 =	sadd.s32 $0xFFFFFFB0, s29;
	[sflag:s12] =	ssyncadd.s32 $0xFFFFD800  }
0x3c: {  	[tilespmem:s17], [sflag:$0x1] =	stream.indirect.gather [hbm4b:s1+s16], $0x80, s31, s16, $0xb8;
	[tilespmem:$0x1F380] =	vst v63  }
0x3d: {  	_ =	swait.ge [sflag:s20], $0x2800  }
0x3e: {  	[sflag:s20] =	ssyncset.done $0x0  }
.Ltmp0:
0x3f: {  	s30 =	sadd.s32 $0x2800, s30;
	[sflag:s20] =	ssyncadd.s32 $0xFFFFD800;
	(pc) =	sbr.rel @p0 .LBB2_2-.Ltmp0, $4  }
0x40: {  	[spmem:s3] =	stream.indirect.scatter.add.f32 [tilespmem:s18], [sflag:$0x3], $0x80, s30, s16, $0xb8;
	[tilespmem:$0x1F380] =	vst v63  }
0x41: {  	_ =	swait.ge [sflag:s12], $0x2800  }
0x42: {  	[sflag:s12] =	ssyncset.done $0x0  }
0x43: {  	s29 =	sadd.s32 $0xA0, s29;
	[sflag:s12] =	ssyncadd.s32 $0xFFFFD800  }
0x44: {  	[tilespmem:s18], [sflag:$0x2] =	stream.indirect.gather [hbm4b:s1+s16], $0x80, s26, s16, $0xb8;
	[tilespmem:$0x1F380] =	vst v63  }
0x45: {  	_ =	swait.ge [sflag:s19], $0x2800  }
0x46: {  	[sflag:s19] =	ssyncset.done $0x0  }
0x47: {  	[sflag:s19] =	ssyncadd.s32 $0xFFFFD800  }
0x48: {  	[spmem:s3] =	stream.indirect.scatter.add.f32 [tilespmem:s17], [sflag:$0x3], $0x80, s21, s16, $0xb8;
	[tilespmem:$0x1F380] =	vst v63  }
0x49: {  	_ =	swait.ge [sflag:s12], $0x2800  }
0x4a: {  	[sflag:s12] =	ssyncset.done $0x0  }
0x4b: {  	[sflag:s12] =	ssyncadd.s32 $0xFFFFD800  }
0x4c: {  	[tilespmem:s17], [sflag:$0x1] =	stream.indirect.gather [hbm4b:s1+s16], $0x80, s22, s16, $0xb8;
	[tilespmem:$0x1F380] =	vst v63  }
0x4d: {  	_ =	swait.ge [sflag:s20], $0x2800  }
0x4e: {  	[sflag:s20] =	ssyncset.done $0x0  }
0x4f: {  	[sflag:s20] =	ssyncadd.s32 $0xFFFFD800  }
0x50: {  	[spmem:s3] =	stream.indirect.scatter.add.f32 [tilespmem:s18], [sflag:$0x3], $0x80, s23, s16, $0xb8;
	[tilespmem:$0x1F380] =	vst v63  }
0x51: {  	_ =	swait.ge [sflag:s12], $0x2800  }
0x52: {  	[sflag:s12] =	ssyncset.done $0x0  }
0x53: {  	[sflag:s12] =	ssyncadd.s32 $0xFFFFD800  }
0x54: {  	_ =	swait.ge [sflag:s19], $0x2800  }
0x55: {  	[sflag:s19] =	ssyncset.done $0x0  }
0x56: {  	[sflag:s19] =	ssyncadd.s32 $0xFFFFD800  }
0x57: {  	[spmem:s3] =	stream.indirect.scatter.add.f32 [tilespmem:s17], [sflag:$0x3], $0x80, s24, s16, $0xb8;
	[tilespmem:$0x1F380] =	vst v63  }
0x58: {  	_ =	swait.ge [sflag:s12], $0x2800  }
0x59: {  	s25 =	sadd.s32 $0x1, s25;
	[sflag:s12] =	ssyncset.done $0x0  }
0x5a: {  	p0 =	sne.s32 s25, s10;
	[sflag:s12] =	ssyncadd.s32 $0xFFFFD800  }
.Ltmp1:
0x5b: {  	[bflag:$0x0] =	sbarrier.arrive $0xFFFF;
	(pc) =	sbr.rel @p0 .LBB2_1-.Ltmp1, $4  }
0x5c: {  	[hbm:s9], [sflag:s6] =	dma.local [spmem:s11], $0x2780  }
0x5d: {  	_ =	swait.ge [sflag:s12], $0x2780  }
0x5e: {  	[sflag:s12] =	ssyncset.done $0x0  }
0x5f: {  	[sflag:s12] =	ssyncadd.s32 $0xFFFFD880  }
0x60: {  	_ =	sfence.sel $0x180000  }
0x61: {  	[bflag:$0x0] =	sbarrier.arrive $0xFFFF  }
0x62: {  	p0 =	sne.s32 s0, $0x0;
	_ =	strace $0x9000004A  }
0x63: {  	s0 =	sadd.s32 @!p0 $0x100000, s2;
	[bflag:$0x2] =	sbarrier.arrive $0xFFFF  }
0x64: {  	[sflag:s0] =	ssyncadd.tile.s32 @!p0 $0x1;
	_ =	shalt  }
.Lfunc_end2:
_tile_overlayer_lowered:
.L_overlay_start_2:
0x65: {  	(tag) =	ssettag $0x2  }
0x66: {  	s0 =	rddreg [dreg:$0x0];
	s2 =	stileid.u32  }
0x67: {  	s1 =	rddreg [dreg:$0x1];
	p0 =	sne.s32 s2, $0x0  }
0x68: {  	s3 =	rddreg [dreg:$0x2];
	[bflag:$0x3] =	sbarrier.arrive $0xFFFF;
	s2 =	simm.s32 @!p0 $0x1C03  }
0x69: {  	[timem:s3], [sflag:s2] =	dma.local @!p0 [hbm:s0], s1  }
0x6a: {  	s0 =	simm.s32 @!p0 $0x3  }
0x6b: {  	_ =	swait.ge @!p0 [sflag:s0], s1  }
0x6c: {  	s1 =	ssub.s32 @!p0 $0x0, s1;
	[sflag:s0] =	ssyncset.done @!p0 $0x0  }
0x6d: {  	[sflag:s0] =	ssyncadd.s32 @!p0 s1  }
0x6e: {  	[bflag:$0x3] =	sbarrier.arrive $0xFFFF  }
0x6f: {  	_ =	shalt  }

// kernel: kernel.13.cloned.1.call-start
scs
__scs_entry_jumppad:
0x0: {  	(pc) =	sbr.rel $0x88, $3  }
0x1: {  	(tag) =	ssettag $0x0;
	lr =	simm.s32 $0x1  }
0x2: {  	[smem:$0x3F9B] =	sst lr;
	_ =	strace $0xD0000000  }
0x3: {  	_ = 	snop  }
0x4: {  	_ = 	snop  }
0x5: {  	_ = 	snop  }
0x6: {  	_ = 	snop  }
0x7: {  	_ = 	snop  }
__scs_overlays_trampoline_lowered:
0x8: {  	[smem:$0x3FAA] =	sst s0  }
0x9: {  	[smem:$0x3FAB] =	sst s1  }
0xa: {  	[smem:$0x3FAC] =	sst s2  }
0xb: {  	[smem:$0x3FAD] =	sst s3  }
0xc: {  	[smem:$0x3FAE] =	sst s4  }
0xd: {  	[smem:$0x3FAF] =	sst s5  }
0xe: {  	[smem:$0x3FB0] =	sst s6  }
0xf: {  	[smem:$0x3FB1] =	sst s7  }
0x10: {  	[smem:$0x3FB2] =	sst s8  }
0x11: {  	[smem:$0x3FB3] =	sst s9;
	s0 =	simm.s32 @!p0 $0x0  }
0x12: {  	s1 =	sld [smem:$0x3F99];
	s0 =	simm.s32 @p0 $0x1  }
0x13: {  	[smem:$0x3FB4] =	sst s0;
	s0 =	simm.s32 @!p1 $0x0  }
0x14: {  	s2 =	sld [smem:$0x3F98];
	s0 =	simm.s32 @p1 $0x1  }
0x15: {  	[smem:$0x3FB5] =	sst s0;
	s0 =	simm.s32 @!p2 $0x0  }
0x16: {  	s3 =	sld [smem:$0x3FDB];
	s0 =	simm.s32 @p2 $0x1  }
0x17: {  	s4 =	simm.s32 $0x1BF5;
	[smem:$0x3FB7] =	sst s0  }
0x18: {  	s0 =	sld [smem:$0x3F9A];
	_ =	swait.ge [sflag:s4], $0x0  }
0x19: {  	s7 =	sld [smem:$0x3F9B]  }
0x1a: {  	s8 =	sadd.s32 $0xFFFFE003, lr  }
0x1b: {  	s9 =	sadd.s32 $0xFFFFFEF7, lr;
	s5 =	simm.s32 $0xFFFFFFFF;
	p2 =	slt.u32 s8, $0xFFFFF086  }
0x1c: {  	p1 =	slt.u32 s9, $0xF7A;
	s5 =	simm.s32 @!p2 $0x0  }
0x1d: {  	s5 =	simm.s32 @p1 $0x1;
	p0 =	seq.s32 s7, s2  }
0x1e: {  	s7 =	smul.u32 @!p0 $0xF7A, s2;
	p2 =	seq.s32 @!p0 s5, $0x0  }
0x1f: {  	s9 =	smul.u32 $0xF7A, s1;
	s8 =	simm.s32 @!p0 $0x1BF5;
	p2 =	por !p2, p0  }
0x20: {  	[sflag:s8] =	ssyncset.s32 @!p0 $0xFFFFF086;
	s6 =	sadd.s32 @!p0 s3, s7;
	s7 =	simm.s32 @!p0 $0x108  }
0x21: {  	s3 =	sadd.s32 s3, s9;
	s6 =	sadd.s32 @!p0 $0x88, s6;
	s7 =	simm.s32 @p2 $0x1082  }
0x22: {  	[simem:s7], [sflag:s8] =	dma.local @!p0 [hbm:s6], $0xF7A  }
0x23: {  	s9 =	sor.u32 $0xD0000000, s2;
	s6 =	simm.s32 $0x108;
	_ =	swait.ge @!p0 [sflag:s8], $0x0  }
0x24: {  	s3 =	sadd.s32 $0x88, s3;
	s6 =	simm.s32 @!p1 $0x1082;
	[sflag:s4] =	ssyncset.s32 $0xFFFFF086  }
0x25: {  	[simem:s6], [sflag:s4] =	dma.local [hbm:s3], $0xF7A  }
0x26: {  	[smem:$0x3F9B] =	sst s1;
	(tag) =	ssettag s2;
	_ =	strace s9  }
0x27: {  	s1 =	sld [smem:$0x3FAB]  }
0x28: {  	s2 =	sld [smem:$0x3FAC]  }
0x29: {  	s4 =	sld [smem:$0x3FAE]  }
0x2a: {  	p0 =	seq.s32 s5, $0x0;
	s5 =	sld [smem:$0x3FAF]  }
0x2b: {  	s6 =	sld [smem:$0x3FB0]  }
0x2c: {  	s7 =	sld [smem:$0x3FB1]  }
0x2d: {  	s3 =	simm.s32 $0x108;
	s8 =	sld [smem:$0x3FB2]  }
0x2e: {  	s3 =	simm.s32 @!p0 $0x1082;
	s9 =	sld [smem:$0x3FB3]  }
0x2f: {  	lr =	sadd.s32 s0, s3;
	s0 =	sld [smem:$0x3FAA]  }
0x30: {  	s3 =	sld [smem:$0x3FAD]  }
0x31: {  	[smem:$0x3FB6] =	sst s10  }
0x32: {  	s10 =	sld [smem:$0x3FB4];
	_ =	sdelay $0x3  }
0x33: {  	p0 =	seq.s32 s10, $0x1;
	s10 =	sld [smem:$0x3FB6];
	_ =	sdelay $0x3  }
0x34: {  	[smem:$0x3FB6] =	sst s10  }
0x35: {  	s10 =	sld [smem:$0x3FB5];
	_ =	sdelay $0x3  }
0x36: {  	p1 =	seq.s32 s10, $0x1;
	s10 =	sld [smem:$0x3FB6];
	_ =	sdelay $0x3  }
0x37: {  	[smem:$0x3FB6] =	sst s10  }
0x38: {  	s10 =	sld [smem:$0x3FB7]  }
0x39: {  	_ = 	snop;
	(pc) =	sbr.ind lr, $3  }
0x3a: {  	_ = 	snop  }
0x3b: {  	_ = 	snop  }
0x3c: {  	p2 =	seq.s32 s10, $0x1;
	s10 =	sld [smem:$0x3FB6]  }
0x3d: {  	_ =	shalt  }
0x3e: {  	_ =	shalt  }
0x3f: {  	_ =	shalt  }
0x40: {  	_ =	shalt  }
0x41: {  	_ =	shalt  }
0x42: {  	_ =	shalt  }
0x43: {  	_ =	shalt  }
0x44: {  	_ =	shalt  }
0x45: {  	_ =	shalt  }
0x46: {  	_ =	shalt  }
0x47: {  	_ =	shalt  }
0x48: {  	_ =	shalt  }
0x49: {  	_ =	shalt  }
0x4a: {  	_ =	shalt  }
0x4b: {  	_ =	shalt  }
0x4c: {  	_ =	shalt  }
0x4d: {  	_ =	shalt  }
0x4e: {  	_ =	shalt  }
0x4f: {  	_ =	shalt  }
0x50: {  	_ =	shalt  }
0x51: {  	_ =	shalt  }
0x52: {  	_ =	shalt  }
0x53: {  	_ =	shalt  }
0x54: {  	_ =	shalt  }
0x55: {  	_ =	shalt  }
0x56: {  	_ =	shalt  }
0x57: {  	_ =	shalt  }
0x58: {  	_ =	shalt  }
0x59: {  	_ =	shalt  }
0x5a: {  	_ =	shalt  }
0x5b: {  	_ =	shalt  }
0x5c: {  	_ =	shalt  }
0x5d: {  	_ =	shalt  }
0x5e: {  	_ =	shalt  }
0x5f: {  	_ =	shalt  }
0x60: {  	_ =	shalt  }
0x61: {  	_ =	shalt  }
0x62: {  	_ =	shalt  }
0x63: {  	_ =	shalt  }
0x64: {  	_ =	shalt  }
0x65: {  	_ =	shalt  }
0x66: {  	_ =	shalt  }
0x67: {  	_ =	shalt  }
0x68: {  	_ =	shalt  }
0x69: {  	_ =	shalt  }
0x6a: {  	_ =	shalt  }
0x6b: {  	_ =	shalt  }
0x6c: {  	_ =	shalt  }
0x6d: {  	_ =	shalt  }
0x6e: {  	_ =	shalt  }
0x6f: {  	_ =	shalt  }
0x70: {  	_ =	shalt  }
0x71: {  	_ =	shalt  }
0x72: {  	_ =	shalt  }
0x73: {  	_ =	shalt  }
0x74: {  	_ =	shalt  }
0x75: {  	_ =	shalt  }
0x76: {  	_ =	shalt  }
0x77: {  	_ =	shalt  }
0x78: {  	_ =	shalt  }
0x79: {  	_ =	shalt  }
0x7a: {  	_ =	shalt  }
0x7b: {  	_ =	shalt  }
0x7c: {  	_ =	shalt  }
0x7d: {  	_ =	shalt  }
0x7e: {  	_ =	shalt  }
0x7f: {  	_ =	shalt  }
0x80: {  	_ =	shalt  }
0x81: {  	_ =	shalt  }
0x82: {  	_ =	shalt  }
0x83: {  	_ =	shalt  }
0x84: {  	_ =	shalt  }
0x85: {  	_ =	shalt  }
0x86: {  	_ =	shalt  }
0x87: {  	_ =	shalt  }
.Lfunc_end0:
.L_simem_size_0:
called_computation.2_lowered:
.L_overlay_start_0:
0x88: {  	s2 =	sld [smem:$0x3FD9]  }
0x89: {  	s3 =	sld [smem:$0x3FFE];
	_ =	sdelay $0x1  }
0x8a: {  	s1 =	srdreg.scid  }
0x8b: {  	s0 =	sand.u32 $0x1, s1  }
0x8c: {  	s17 =	sshll.u32 s0, $0xA;
	s2 =	sadd.s32 s3, s2  }
0x8d: {  	s2 =	sadd.s32 s2, s17  }
0x8e: {  	[smem:$0x3FC2] =	sst s2  }
0x8f: {  	_ = 	snop  }
0x90: {  	s2 =	sld [smem:$0x3FD0];
	(tm) =	ssettm $0x1  }
0x91: {  	s18 =	sld [smem:$0x3FFB];
	_ =	sdelay $0x3  }
0x92: {  	_ =	strace s18  }
0x93: {  	s3 =	sld [smem:$0x3FFC];
	_ =	sdelay $0x3  }
0x94: {  	_ =	strace s3  }
0x95: {  	s3 =	sld [smem:$0x3FFD];
	_ =	sdelay $0x3  }
0x96: {  	_ =	strace s3  }
0x97: {  	_ =	strace $0x8FFFFFFF  }
0x98: {  	s19 =	sld [smem:$0x3FDB];
	_ =	sdelay $0x1  }
0x99: {  	s4 =	simm.s32 $_scs_section_size  }
0x9a: {  	s5 =	simm.s32 $_size__tile_overlayer_lowered;
	s6 =	simm.s32 $_tile_overlayer_lowered  }
0x9b: {  	s22 =	simm.s32 $0x1BFF;
	s21 =	sshll.u32 s6, $0x1;
	s3 =	sadd.s32 s4, s19  }
0x9c: {  	s7 =	simm.s32 $0x0;
	s20 =	sshll.u32 s5, $0x1;
	s5 =	sadd.s32 s21, s3  }
0x9d: {  	[timem:s7], [sflag:s22] =	dma.local [hbm:s5], s20  }
0x9e: {  	_ =	swait.ge [sflag:s22], s20  }
0x9f: {  	s4 =	ssub.s32 $0x0, s20;
	[sflag:s22] =	ssyncset.done $0x0  }
0xa0: {  	[sflag:s22] =	ssyncadd.s32 s4;
	_ =	sdelay $0x1  }
0xa1: {  	s23 =	simm.s32 $0x1B8B  }
0xa2: {  	_ =	swait.ge [sflag:s23], $0x1  }
0xa3: {  	[sflag:s23] =	ssyncset.done $0x0  }
0xa4: {  	s25 =	simm.s32 $0x1B8E;
	s24 =	sld [smem:$0x3FFE];
	[sflag:s23] =	ssyncadd.s32 $0xFFFFFFFF  }
0xa5: {  	s26 =	simm.s32 $execute0_lowered;
	[smem:$0x3FD2] =	sst s25  }
0xa6: {  	s5 =	sshll.u32 s26, $0x1;
	_ =	strace $0x8000004C;
	[dreg:$0x1] =	wrdreg $0xFFFFFFFF  }
0xa7: {  	s28 =	simm.s32 $_size_execute0_lowered;
	s3 =	sadd.s32 s3, s5;
	[dreg:$0x0] =	wrdreg $0x0  }
0xa8: {  	s5 =	sshll.u32 s28, $0x1;
	[dreg:$0x2] =	wrdreg s3  }
0xa9: {  	[dreg:$0x3] =	wrdreg s5  }
0xaa: {  	[dreg:$0x4] =	wrdreg $0xC0  }
0xab: {  	_ =	task [dreg:s7], $0x5FFFF  }
0xac: {  	[dreg:$0x1] =	wrdreg $0xFFFFFFFF  }
0xad: {  	[dreg:$0x0] =	wrdreg $0x60  }
0xae: {  	[dreg:$0x2] =	wrdreg s2  }
0xaf: {  	[dreg:$0x3] =	wrdreg s24  }
0xb0: {  	[dreg:$0x4] =	wrdreg $0xB7800  }
0xb1: {  	[dreg:$0x5] =	wrdreg $0x9  }
0xb2: {  	_ =	task.clear_ibuf [dreg:s7], $0x6FFFF;
	_ =	strace $0x9000004C  }
0xb3: {  	s29 =	simm.s32 $0x9;
	_ =	strace $0x8000004E  }
0xb4: {  	_ =	swait.ge [sflag:s29], $0x1  }
0xb5: {  	[sflag:s29] =	ssyncadd.s32 $0xFFFFFFFF  }
0xb6: {  	_ =	strace $0x9000004E  }
0xb7: {  	_ =	sfence  }
0xb8: {  	s30 =	sld [smem:$0x0];
	_ =	sdelay $0x2  }
0xb9: {  	s31 =	sshll.u32 s1, $0xD;
	s1 =	sshrl.u32 s1, $0x2  }
0xba: {  	s3 =	sand.u32 $0x4000, s31;
	s1 =	sadd.s32 s1, s30  }
0xbb: {  	s0 =	sor.u32 s3, s0;
	s1 =	sshll.u32 s1, $0x11  }
0xbc: {  	s0 =	sor.u32 s1, s0  }
0xbd: {  	s0 =	sadd.s32 $0x8F2B, s0  }
0xbe: {  	[sflag:s0] =	ssyncadd.remote.s32 $0x1  }
0xbf: {  	_ =	sfence.sel $0xFFFF  }
0xc0: {  	[dreg:$0x0] =	wrdreg $0xFFFFFFFF;
	(pc) =	sbr.abs _section_cstart, $3  }
0xc1: {  	[dreg:$0x1] =	wrdreg $0xFFFFFFFF  }
0xc2: {  	_ =	task.clear_ibuf [dreg:s7], $0x2FFFF;
	_ =	strace $0x9FFFFFFF  }
0xc3: {  	(tm) =	ssettm $0x7FFFFFFF  }
tec
execute0_lowered:
.L_overlay_start_1:
0x0: {  	(tag) =	ssettag $0x1  }
0x1: {  	s1 =	rddreg [dreg:$0x0]  }
0x2: {  	s2 =	srdreg.scid;
	s6 =	rddreg [dreg:$0x1]  }
0x3: {  	s0 =	stileid.u32;
	s3 =	rddreg [dreg:$0x2];
	s15 =	simm.s32 $0x2780  }
0x4: {  	s16 =	simm.s32 $0x50;
	s17 =	simm.s32 $0x6780;
	s18 =	simm.s32 $0x8F80  }
0x5: {  	s19 =	simm.s32 $0x1;
	s20 =	simm.s32 $0x2;
	s21 =	simm.s32 $0x6480  }
0x6: {  	s22 =	simm.s32 $0x26C0;
	s5 =	sand.u32 $0x1, s2;
	s24 =	smul.u32 $0x13C00, s0  }
0x7: {  	s23 =	sshll.u32 s0, $0x1;
	s4 =	sshrl.u32 s0, $0x2;
	s28 =	smul.u32 $0x4F000, s0  }
0x8: {  	s2 =	rddreg [dreg:$0x3];
	s31 =	sshll.u32 s0, $0x6;
	s8 =	smul.u32 $0x13C00, s4  }
0x9: {  	s7 =	sor.u32 s5, s23;
	s4 =	simm.s32 $0x0;
	s10 =	smul.u32 $0x13C000, s5  }
0xa: {  	s26 =	ssub.s32 $0x2, s5;
	s5 =	sadd.s32 $0x2600, s6;
	s23 =	simm.s32 $0x6500  }
0xb: {  	s9 =	sshll.u32 s7, $0x7;
	[smem:$0x7FF] =	sst s4;
	s7 =	sshll.u32 s7, $0xB  }
0xc: {  	s29 =	sshrl.u32 s26, $0x1;
	s30 =	sshrl.u32 s28, $0x2;
	s9 =	sand.u32 $0x380, s9  }
0xd: {  	_ =	strace $0x8000004D;
	s11 =	sadd.s32 s7, s6;
	s25 =	sadd.s32 s24, s10  }
0xe: {  	s13 =	ssub.s32 s26, s29;
	s14 =	sadd.s32 s30, s3;
	s24 =	simm.s32 $0x6580  }
0xf: {  	s8 =	sor.u32 s8, s9;
	s7 =	sshrl.u32 s25, $0x3;
	s10 =	smax.u32 s13, $0x1  }
0x10: {  	s13 =	simm.s32 $0x80;
	s25 =	simm.s32 $0x0;
	s8 =	sshrl.u32 s8, $0x3  }
0x11: {  	s12 =	sadd.s32 s7, s6;
	s8 =	sadd.s32 s8, s6;
	s6 =	sor.u32 $0x1C03, s31  }
0x12: {  	s9 =	sadd.s32 $0x6DC00, s12;
	s12 =	simm.s32 $0x3;
	s7 =	sadd.s32 $0x63E00, s8  }
0x13: {  	s8 =	sadd.s32 $0x53E00, s11;
	s11 =	sshrl.u32 s14, $0x3;
	s14 =	simm.s32 $0x400  }
.LBB2_1:
0x14: {  	[spmem:s11], [sflag:s6] =	dma.local [hbm:s5], $0x2780  }
0x15: {  	_ =	swait.ge [sflag:s12], $0x2780  }
0x16: {  	[sflag:s12] =	ssyncset.done $0x0  }
0x17: {  	[sflag:s12] =	ssyncadd.s32 $0xFFFFD880  }
0x18: {  	[tilespmem:s4], [sflag:$0x3] =	stream.strided.gather [hbm4b:s7+s13], $0x2780, s14, s13, $0x38;
	[tilespmem:$0x1F380] =	vst v63  }
0x19: {  	_ =	swait.ge [sflag:s12], $0x2780  }
0x1a: {  	[sflag:s12] =	ssyncset.done $0x0  }
0x1b: {  	[sflag:s12] =	ssyncadd.s32 $0xFFFFD880  }
0x1c: {  	[tilespmem:s15], [sflag:$0x3] =	stream.linear.gather [hbm4b:s8+s4], $0x3E80, $0x38;
	[tilespmem:$0x1F380] =	vst v63  }
0x1d: {  	_ =	swait.ge [sflag:s12], $0x3E80  }
0x1e: {  	[sflag:s12] =	ssyncset.done $0x0  }
0x1f: {  	[sflag:s12] =	ssyncadd.s32 $0xFFFFC180  }
0x20: {  	[bflag:$0x0] =	sbarrier.arrive $0xFFFF  }
0x21: {  	[tilespmem:s17], [sflag:$0x1] =	stream.indirect.gather [hbm4b:s1+s16], $0x80, s4, s16, $0xb8;
	[tilespmem:$0x1F380] =	vst v63  }
0x22: {  	_ = 	snop  }
0x23: {  	[tilespmem:s18], [sflag:$0x2] =	stream.indirect.gather [hbm4b:s1+s16], $0x80, s16, s16, $0xb8;
	[tilespmem:$0x1F380] =	vst v63  }
0x24: {  	_ =	swait.ge [sflag:s19], $0x2800  }
0x25: {  	[sflag:s19] =	ssyncset.done $0x0  }
0x26: {  	s26 =	simm.s32 $0x2780;
	[sflag:s19] =	ssyncadd.s32 $0xFFFFD800  }
0x27: {  	[spmem:s3] =	stream.indirect.scatter.add.f32 [tilespmem:s17], [sflag:$0x3], $0x80, s26, s16, $0xb8;
	[tilespmem:$0x1F380] =	vst v63  }
0x28: {  	_ =	swait.ge [sflag:s12], $0x2800  }
0x29: {  	[sflag:s12] =	ssyncset.done $0x0  }
0x2a: {  	s30 =	simm.s32 $0xA0;
	[sflag:s12] =	ssyncadd.s32 $0xFFFFD800  }
0x2b: {  	[tilespmem:s17], [sflag:$0x1] =	stream.indirect.gather [hbm4b:s1+s16], $0x80, s30, s16, $0xb8;
	[tilespmem:$0x1F380] =	vst v63  }
0x2c: {  	_ =	swait.ge [sflag:s20], $0x2800  }
0x2d: {  	[sflag:s20] =	ssyncset.done $0x0  }
0x2e: {  	s31 =	simm.s32 $0x2800;
	[sflag:s20] =	ssyncadd.s32 $0xFFFFD800  }
0x2f: {  	[spmem:s3] =	stream.indirect.scatter.add.f32 [tilespmem:s18], [sflag:$0x3], $0x80, s31, s16, $0xb8;
	[tilespmem:$0x1F380] =	vst v63  }
0x30: {  	_ =	swait.ge [sflag:s12], $0x2800  }
0x31: {  	s28 =	simm.s32 $0x400;
	[sflag:s12] =	ssyncset.done $0x0  }
0x32: {  	s29 =	simm.s32 $0x190;
	s26 =	simm.s32 $0xF0;
	[sflag:s12] =	ssyncadd.s32 $0xFFFFD800  }
.LBB2_2:
0x33: {  	[tilespmem:s18], [sflag:$0x2] =	stream.indirect.gather [hbm4b:s1+s16], $0x80, s26, s16, $0xb8;
	[tilespmem:$0x1F380] =	vst v63  }
0x34: {  	s30 =	smov.u32 s28;
	s26 =	smov.u32 s29  }
0x35: {  	p0 =	sne.s32 s28, $0xF000;
	s28 =	sadd.s32 $0x400, s28;
	_ =	swait.ge [sflag:s19], $0x2800  }
0x36: {  	s30 =	sshra.s32 s30, $0x2;
	[sflag:s19] =	ssyncset.done $0x0  }
0x37: {  	s31 =	sadd.s32 $0x2780, s30;
	[sflag:s19] =	ssyncadd.s32 $0xFFFFD800  }
0x38: {  	[spmem:s3] =	stream.indirect.scatter.add.f32 [tilespmem:s17], [sflag:$0x3], $0x80, s31, s16, $0xb8;
	[tilespmem:$0x1F380] =	vst v63  }
0x39: {  	_ =	swait.ge [sflag:s12], $0x2800  }
0x3a: {  	[sflag:s12] =	ssyncset.done $0x0  }
0x3b: {  	s31 =	sadd.s32 $0xFFFFFFB0, s29;
	[sflag:s12] =	ssyncadd.s32 $0xFFFFD800  }
0x3c: {  	[tilespmem:s17], [sflag:$0x1] =	stream.indirect.gather [hbm4b:s1+s16], $0x80, s31, s16, $0xb8;
	[tilespmem:$0x1F380] =	vst v63  }
0x3d: {  	_ =	swait.ge [sflag:s20], $0x2800  }
0x3e: {  	[sflag:s20] =	ssyncset.done $0x0  }
.Ltmp0:
0x3f: {  	s30 =	sadd.s32 $0x2800, s30;
	[sflag:s20] =	ssyncadd.s32 $0xFFFFD800;
	(pc) =	sbr.rel @p0 .LBB2_2-.Ltmp0, $4  }
0x40: {  	[spmem:s3] =	stream.indirect.scatter.add.f32 [tilespmem:s18], [sflag:$0x3], $0x80, s30, s16, $0xb8;
	[tilespmem:$0x1F380] =	vst v63  }
0x41: {  	_ =	swait.ge [sflag:s12], $0x2800  }
0x42: {  	[sflag:s12] =	ssyncset.done $0x0  }
0x43: {  	s29 =	sadd.s32 $0xA0, s29;
	[sflag:s12] =	ssyncadd.s32 $0xFFFFD800  }
0x44: {  	[tilespmem:s18], [sflag:$0x2] =	stream.indirect.gather [hbm4b:s1+s16], $0x80, s26, s16, $0xb8;
	[tilespmem:$0x1F380] =	vst v63  }
0x45: {  	_ =	swait.ge [sflag:s19], $0x2800  }
0x46: {  	[sflag:s19] =	ssyncset.done $0x0  }
0x47: {  	[sflag:s19] =	ssyncadd.s32 $0xFFFFD800  }
0x48: {  	[spmem:s3] =	stream.indirect.scatter.add.f32 [tilespmem:s17], [sflag:$0x3], $0x80, s21, s16, $0xb8;
	[tilespmem:$0x1F380] =	vst v63  }
0x49: {  	_ =	swait.ge [sflag:s12], $0x2800  }
0x4a: {  	[sflag:s12] =	ssyncset.done $0x0  }
0x4b: {  	[sflag:s12] =	ssyncadd.s32 $0xFFFFD800  }
0x4c: {  	[tilespmem:s17], [sflag:$0x1] =	stream.indirect.gather [hbm4b:s1+s16], $0x80, s22, s16, $0xb8;
	[tilespmem:$0x1F380] =	vst v63  }
0x4d: {  	_ =	swait.ge [sflag:s20], $0x2800  }
0x4e: {  	[sflag:s20] =	ssyncset.done $0x0  }
0x4f: {  	[sflag:s20] =	ssyncadd.s32 $0xFFFFD800  }
0x50: {  	[spmem:s3] =	stream.indirect.scatter.add.f32 [tilespmem:s18], [sflag:$0x3], $0x80, s23, s16, $0xb8;
	[tilespmem:$0x1F380] =	vst v63  }
0x51: {  	_ =	swait.ge [sflag:s12], $0x2800  }
0x52: {  	[sflag:s12] =	ssyncset.done $0x0  }
0x53: {  	[sflag:s12] =	ssyncadd.s32 $0xFFFFD800  }
0x54: {  	_ =	swait.ge [sflag:s19], $0x2800  }
0x55: {  	[sflag:s19] =	ssyncset.done $0x0  }
0x56: {  	[sflag:s19] =	ssyncadd.s32 $0xFFFFD800  }
0x57: {  	[spmem:s3] =	stream.indirect.scatter.add.f32 [tilespmem:s17], [sflag:$0x3], $0x80, s24, s16, $0xb8;
	[tilespmem:$0x1F380] =	vst v63  }
0x58: {  	_ =	swait.ge [sflag:s12], $0x2800  }
0x59: {  	s25 =	sadd.s32 $0x1, s25;
	[sflag:s12] =	ssyncset.done $0x0  }
0x5a: {  	p0 =	sne.s32 s25, s10;
	[sflag:s12] =	ssyncadd.s32 $0xFFFFD800  }
.Ltmp1:
0x5b: {  	[bflag:$0x0] =	sbarrier.arrive $0xFFFF;
	(pc) =	sbr.rel @p0 .LBB2_1-.Ltmp1, $4  }
0x5c: {  	[hbm:s9], [sflag:s6] =	dma.local [spmem:s11], $0x2780  }
0x5d: {  	_ =	swait.ge [sflag:s12], $0x2780  }
0x5e: {  	[sflag:s12] =	ssyncset.done $0x0  }
0x5f: {  	[sflag:s12] =	ssyncadd.s32 $0xFFFFD880  }
0x60: {  	_ =	sfence.sel $0x180000  }
0x61: {  	[bflag:$0x0] =	sbarrier.arrive $0xFFFF  }
0x62: {  	p0 =	sne.s32 s0, $0x0;
	_ =	strace $0x9000004D  }
0x63: {  	s0 =	sadd.s32 @!p0 $0x100000, s2;
	[bflag:$0x2] =	sbarrier.arrive $0xFFFF  }
0x64: {  	[sflag:s0] =	ssyncadd.tile.s32 @!p0 $0x1;
	_ =	shalt  }
.Lfunc_end2:
_tile_overlayer_lowered:
.L_overlay_start_2:
0x65: {  	(tag) =	ssettag $0x2  }
0x66: {  	s0 =	rddreg [dreg:$0x0];
	s2 =	stileid.u32  }
0x67: {  	s1 =	rddreg [dreg:$0x1];
	p0 =	sne.s32 s2, $0x0  }
0x68: {  	s3 =	rddreg [dreg:$0x2];
	[bflag:$0x3] =	sbarrier.arrive $0xFFFF;
	s2 =	simm.s32 @!p0 $0x1C03  }
0x69: {  	[timem:s3], [sflag:s2] =	dma.local @!p0 [hbm:s0], s1  }
0x6a: {  	s0 =	simm.s32 @!p0 $0x3  }
0x6b: {  	_ =	swait.ge @!p0 [sflag:s0], s1  }
0x6c: {  	s1 =	ssub.s32 @!p0 $0x0, s1;
	[sflag:s0] =	ssyncset.done @!p0 $0x0  }
0x6d: {  	[sflag:s0] =	ssyncadd.s32 @!p0 s1  }
0x6e: {  	[bflag:$0x3] =	sbarrier.arrive $0xFFFF  }
0x6f: {  	_ =	shalt  }

// kernel: kernel.7.cloned.1.call-start
scs
__scs_entry_jumppad:
0x0: {  	(pc) =	sbr.rel $0x88, $3  }
0x1: {  	(tag) =	ssettag $0x0;
	lr =	simm.s32 $0x1  }
0x2: {  	[smem:$0x3F9B] =	sst lr;
	_ =	strace $0xD0000000  }
0x3: {  	_ = 	snop  }
0x4: {  	_ = 	snop  }
0x5: {  	_ = 	snop  }
0x6: {  	_ = 	snop  }
0x7: {  	_ = 	snop  }
__scs_overlays_trampoline_lowered:
0x8: {  	[smem:$0x3FAA] =	sst s0  }
0x9: {  	[smem:$0x3FAB] =	sst s1  }
0xa: {  	[smem:$0x3FAC] =	sst s2  }
0xb: {  	[smem:$0x3FAD] =	sst s3  }
0xc: {  	[smem:$0x3FAE] =	sst s4  }
0xd: {  	[smem:$0x3FAF] =	sst s5  }
0xe: {  	[smem:$0x3FB0] =	sst s6  }
0xf: {  	[smem:$0x3FB1] =	sst s7  }
0x10: {  	[smem:$0x3FB2] =	sst s8  }
0x11: {  	[smem:$0x3FB3] =	sst s9;
	s0 =	simm.s32 @!p0 $0x0  }
0x12: {  	s1 =	sld [smem:$0x3F99];
	s0 =	simm.s32 @p0 $0x1  }
0x13: {  	[smem:$0x3FB4] =	sst s0;
	s0 =	simm.s32 @!p1 $0x0  }
0x14: {  	s2 =	sld [smem:$0x3F98];
	s0 =	simm.s32 @p1 $0x1  }
0x15: {  	[smem:$0x3FB5] =	sst s0;
	s0 =	simm.s32 @!p2 $0x0  }
0x16: {  	s3 =	sld [smem:$0x3FDB];
	s0 =	simm.s32 @p2 $0x1  }
0x17: {  	s4 =	simm.s32 $0x1BF5;
	[smem:$0x3FB7] =	sst s0  }
0x18: {  	s0 =	sld [smem:$0x3F9A];
	_ =	swait.ge [sflag:s4], $0x0  }
0x19: {  	s7 =	sld [smem:$0x3F9B]  }
0x1a: {  	s8 =	sadd.s32 $0xFFFFE003, lr  }
0x1b: {  	s9 =	sadd.s32 $0xFFFFFEF7, lr;
	s5 =	simm.s32 $0xFFFFFFFF;
	p2 =	slt.u32 s8, $0xFFFFF086  }
0x1c: {  	p1 =	slt.u32 s9, $0xF7A;
	s5 =	simm.s32 @!p2 $0x0  }
0x1d: {  	s5 =	simm.s32 @p1 $0x1;
	p0 =	seq.s32 s7, s2  }
0x1e: {  	s7 =	smul.u32 @!p0 $0xF7A, s2;
	p2 =	seq.s32 @!p0 s5, $0x0  }
0x1f: {  	s9 =	smul.u32 $0xF7A, s1;
	s8 =	simm.s32 @!p0 $0x1BF5;
	p2 =	por !p2, p0  }
0x20: {  	[sflag:s8] =	ssyncset.s32 @!p0 $0xFFFFF086;
	s6 =	sadd.s32 @!p0 s3, s7;
	s7 =	simm.s32 @!p0 $0x108  }
0x21: {  	s3 =	sadd.s32 s3, s9;
	s6 =	sadd.s32 @!p0 $0x88, s6;
	s7 =	simm.s32 @p2 $0x1082  }
0x22: {  	[simem:s7], [sflag:s8] =	dma.local @!p0 [hbm:s6], $0xF7A  }
0x23: {  	s9 =	sor.u32 $0xD0000000, s2;
	s6 =	simm.s32 $0x108;
	_ =	swait.ge @!p0 [sflag:s8], $0x0  }
0x24: {  	s3 =	sadd.s32 $0x88, s3;
	s6 =	simm.s32 @!p1 $0x1082;
	[sflag:s4] =	ssyncset.s32 $0xFFFFF086  }
0x25: {  	[simem:s6], [sflag:s4] =	dma.local [hbm:s3], $0xF7A  }
0x26: {  	[smem:$0x3F9B] =	sst s1;
	(tag) =	ssettag s2;
	_ =	strace s9  }
0x27: {  	s1 =	sld [smem:$0x3FAB]  }
0x28: {  	s2 =	sld [smem:$0x3FAC]  }
0x29: {  	s4 =	sld [smem:$0x3FAE]  }
0x2a: {  	p0 =	seq.s32 s5, $0x0;
	s5 =	sld [smem:$0x3FAF]  }
0x2b: {  	s6 =	sld [smem:$0x3FB0]  }
0x2c: {  	s7 =	sld [smem:$0x3FB1]  }
0x2d: {  	s3 =	simm.s32 $0x108;
	s8 =	sld [smem:$0x3FB2]  }
0x2e: {  	s3 =	simm.s32 @!p0 $0x1082;
	s9 =	sld [smem:$0x3FB3]  }
0x2f: {  	lr =	sadd.s32 s0, s3;
	s0 =	sld [smem:$0x3FAA]  }
0x30: {  	s3 =	sld [smem:$0x3FAD]  }
0x31: {  	[smem:$0x3FB6] =	sst s10  }
0x32: {  	s10 =	sld [smem:$0x3FB4];
	_ =	sdelay $0x3  }
0x33: {  	p0 =	seq.s32 s10, $0x1;
	s10 =	sld [smem:$0x3FB6];
	_ =	sdelay $0x3  }
0x34: {  	[smem:$0x3FB6] =	sst s10  }
0x35: {  	s10 =	sld [smem:$0x3FB5];
	_ =	sdelay $0x3  }
0x36: {  	p1 =	seq.s32 s10, $0x1;
	s10 =	sld [smem:$0x3FB6];
	_ =	sdelay $0x3  }
0x37: {  	[smem:$0x3FB6] =	sst s10  }
0x38: {  	s10 =	sld [smem:$0x3FB7]  }
0x39: {  	_ = 	snop;
	(pc) =	sbr.ind lr, $3  }
0x3a: {  	_ = 	snop  }
0x3b: {  	_ = 	snop  }
0x3c: {  	p2 =	seq.s32 s10, $0x1;
	s10 =	sld [smem:$0x3FB6]  }
0x3d: {  	_ =	shalt  }
0x3e: {  	_ =	shalt  }
0x3f: {  	_ =	shalt  }
0x40: {  	_ =	shalt  }
0x41: {  	_ =	shalt  }
0x42: {  	_ =	shalt  }
0x43: {  	_ =	shalt  }
0x44: {  	_ =	shalt  }
0x45: {  	_ =	shalt  }
0x46: {  	_ =	shalt  }
0x47: {  	_ =	shalt  }
0x48: {  	_ =	shalt  }
0x49: {  	_ =	shalt  }
0x4a: {  	_ =	shalt  }
0x4b: {  	_ =	shalt  }
0x4c: {  	_ =	shalt  }
0x4d: {  	_ =	shalt  }
0x4e: {  	_ =	shalt  }
0x4f: {  	_ =	shalt  }
0x50: {  	_ =	shalt  }
0x51: {  	_ =	shalt  }
0x52: {  	_ =	shalt  }
0x53: {  	_ =	shalt  }
0x54: {  	_ =	shalt  }
0x55: {  	_ =	shalt  }
0x56: {  	_ =	shalt  }
0x57: {  	_ =	shalt  }
0x58: {  	_ =	shalt  }
0x59: {  	_ =	shalt  }
0x5a: {  	_ =	shalt  }
0x5b: {  	_ =	shalt  }
0x5c: {  	_ =	shalt  }
0x5d: {  	_ =	shalt  }
0x5e: {  	_ =	shalt  }
0x5f: {  	_ =	shalt  }
0x60: {  	_ =	shalt  }
0x61: {  	_ =	shalt  }
0x62: {  	_ =	shalt  }
0x63: {  	_ =	shalt  }
0x64: {  	_ =	shalt  }
0x65: {  	_ =	shalt  }
0x66: {  	_ =	shalt  }
0x67: {  	_ =	shalt  }
0x68: {  	_ =	shalt  }
0x69: {  	_ =	shalt  }
0x6a: {  	_ =	shalt  }
0x6b: {  	_ =	shalt  }
0x6c: {  	_ =	shalt  }
0x6d: {  	_ =	shalt  }
0x6e: {  	_ =	shalt  }
0x6f: {  	_ =	shalt  }
0x70: {  	_ =	shalt  }
0x71: {  	_ =	shalt  }
0x72: {  	_ =	shalt  }
0x73: {  	_ =	shalt  }
0x74: {  	_ =	shalt  }
0x75: {  	_ =	shalt  }
0x76: {  	_ =	shalt  }
0x77: {  	_ =	shalt  }
0x78: {  	_ =	shalt  }
0x79: {  	_ =	shalt  }
0x7a: {  	_ =	shalt  }
0x7b: {  	_ =	shalt  }
0x7c: {  	_ =	shalt  }
0x7d: {  	_ =	shalt  }
0x7e: {  	_ =	shalt  }
0x7f: {  	_ =	shalt  }
0x80: {  	_ =	shalt  }
0x81: {  	_ =	shalt  }
0x82: {  	_ =	shalt  }
0x83: {  	_ =	shalt  }
0x84: {  	_ =	shalt  }
0x85: {  	_ =	shalt  }
0x86: {  	_ =	shalt  }
0x87: {  	_ =	shalt  }
.Lfunc_end0:
.L_simem_size_0:
called_computation_lowered:
.L_overlay_start_0:
0x88: {  	s2 =	sld [smem:$0x3FD9]  }
0x89: {  	s3 =	sld [smem:$0x3FFE];
	_ =	sdelay $0x1  }
0x8a: {  	s1 =	srdreg.scid  }
0x8b: {  	s0 =	sand.u32 $0x1, s1  }
0x8c: {  	s17 =	sshll.u32 s0, $0xA;
	s2 =	sadd.s32 s3, s2  }
0x8d: {  	s2 =	sadd.s32 s2, s17  }
0x8e: {  	[smem:$0x3FC2] =	sst s2  }
0x8f: {  	_ = 	snop  }
0x90: {  	s2 =	sld [smem:$0x3FD0];
	(tm) =	ssettm $0x1  }
0x91: {  	s18 =	sld [smem:$0x3FFB];
	_ =	sdelay $0x3  }
0x92: {  	_ =	strace s18  }
0x93: {  	s3 =	sld [smem:$0x3FFC];
	_ =	sdelay $0x3  }
0x94: {  	_ =	strace s3  }
0x95: {  	s3 =	sld [smem:$0x3FFD];
	_ =	sdelay $0x3  }
0x96: {  	_ =	strace s3  }
0x97: {  	_ =	strace $0x8FFFFFFF  }
0x98: {  	s19 =	sld [smem:$0x3FDB];
	_ =	sdelay $0x1  }
0x99: {  	s4 =	simm.s32 $_scs_section_size  }
0x9a: {  	s5 =	simm.s32 $_size__tile_overlayer_lowered;
	s6 =	simm.s32 $_tile_overlayer_lowered  }
0x9b: {  	s22 =	simm.s32 $0x1BFF;
	s21 =	sshll.u32 s6, $0x1;
	s3 =	sadd.s32 s4, s19  }
0x9c: {  	s7 =	simm.s32 $0x0;
	s20 =	sshll.u32 s5, $0x1;
	s5 =	sadd.s32 s21, s3  }
0x9d: {  	[timem:s7], [sflag:s22] =	dma.local [hbm:s5], s20  }
0x9e: {  	_ =	swait.ge [sflag:s22], s20  }
0x9f: {  	s4 =	ssub.s32 $0x0, s20;
	[sflag:s22] =	ssyncset.done $0x0  }
0xa0: {  	[sflag:s22] =	ssyncadd.s32 s4;
	_ =	sdelay $0x1  }
0xa1: {  	s23 =	simm.s32 $0x1B8B  }
0xa2: {  	_ =	swait.ge [sflag:s23], $0x1  }
0xa3: {  	[sflag:s23] =	ssyncset.done $0x0  }
0xa4: {  	s25 =	simm.s32 $0x1B8E;
	s24 =	sld [smem:$0x3FFE];
	[sflag:s23] =	ssyncadd.s32 $0xFFFFFFFF  }
0xa5: {  	s26 =	simm.s32 $execute0_lowered;
	[smem:$0x3FD2] =	sst s25  }
0xa6: {  	s5 =	sshll.u32 s26, $0x1;
	_ =	strace $0x80000046;
	[dreg:$0x1] =	wrdreg $0xFFFFFFFF  }
0xa7: {  	s28 =	simm.s32 $_size_execute0_lowered;
	s3 =	sadd.s32 s3, s5;
	[dreg:$0x0] =	wrdreg $0x0  }
0xa8: {  	s5 =	sshll.u32 s28, $0x1;
	[dreg:$0x2] =	wrdreg s3  }
0xa9: {  	[dreg:$0x3] =	wrdreg s5  }
0xaa: {  	[dreg:$0x4] =	wrdreg $0xC0  }
0xab: {  	_ =	task [dreg:s7], $0x5FFFF  }
0xac: {  	[dreg:$0x1] =	wrdreg $0xFFFFFFFF  }
0xad: {  	[dreg:$0x0] =	wrdreg $0x60  }
0xae: {  	[dreg:$0x2] =	wrdreg s2  }
0xaf: {  	[dreg:$0x3] =	wrdreg s24  }
0xb0: {  	[dreg:$0x4] =	wrdreg $0x68000  }
0xb1: {  	[dreg:$0x5] =	wrdreg $0x9  }
0xb2: {  	_ =	task.clear_ibuf [dreg:s7], $0x6FFFF;
	_ =	strace $0x90000046  }
0xb3: {  	s29 =	simm.s32 $0x9;
	_ =	strace $0x80000048  }
0xb4: {  	_ =	swait.ge [sflag:s29], $0x1  }
0xb5: {  	[sflag:s29] =	ssyncadd.s32 $0xFFFFFFFF  }
0xb6: {  	_ =	strace $0x90000048  }
0xb7: {  	_ =	sfence  }
0xb8: {  	s30 =	sld [smem:$0x0];
	_ =	sdelay $0x2  }
0xb9: {  	s31 =	sshll.u32 s1, $0xD;
	s1 =	sshrl.u32 s1, $0x2  }
0xba: {  	s3 =	sand.u32 $0x4000, s31;
	s1 =	sadd.s32 s1, s30  }
0xbb: {  	s0 =	sor.u32 s3, s0;
	s1 =	sshll.u32 s1, $0x11  }
0xbc: {  	s0 =	sor.u32 s1, s0  }
0xbd: {  	s0 =	sadd.s32 $0x8F2B, s0  }
0xbe: {  	[sflag:s0] =	ssyncadd.remote.s32 $0x1  }
0xbf: {  	_ =	sfence.sel $0xFFFF  }
0xc0: {  	[dreg:$0x0] =	wrdreg $0xFFFFFFFF;
	(pc) =	sbr.abs _section_cstart, $3  }
0xc1: {  	[dreg:$0x1] =	wrdreg $0xFFFFFFFF  }
0xc2: {  	_ =	task.clear_ibuf [dreg:s7], $0x2FFFF;
	_ =	strace $0x9FFFFFFF  }
0xc3: {  	(tm) =	ssettm $0x7FFFFFFF  }
tec
execute0_lowered:
.L_overlay_start_1:
0x0: {  	(tag) =	ssettag $0x1  }
0x1: {  	s6 =	rddreg [dreg:$0x0]  }
0x2: {  	s7 =	rddreg [dreg:$0x1];
	s0 =	srdreg.scid  }
0x3: {  	s2 =	rddreg [dreg:$0x2];
	s1 =	stileid.u32  }
0x4: {  	s3 =	simm.s32 $0x0;
	s14 =	simm.s32 $0x1;
	s15 =	simm.s32 $0x0  }
0x5: {  	s8 =	sand.u32 $0x1, s0;
	s0 =	rddreg [dreg:$0x3];
	s9 =	smul.u32 $0x13C00, s1  }
0x6: {  	[smem:$0x7FF] =	sst s3;
	s4 =	sadd.s32 $0x2000, s7;
	s11 =	smul.u32 $0x4F000, s1  }
0x7: {  	s30 =	sshll.u32 s1, $0x6;
	s12 =	sshll.u32 s1, $0xC;
	s5 =	smul.u32 $0x13C000, s8  }
0x8: {  	_ =	strace $0x80000047;
	s10 =	ssub.s32 $0x2, s8;
	s8 =	sshll.u32 s8, $0xB  }
0x9: {  	s28 =	sshrl.u32 s10, $0x1;
	s29 =	sshrl.u32 s11, $0x2;
	s8 =	sadd.s32 s8, s6  }
0xa: {  	s6 =	sor.u32 $0x1C02, s30;
	s11 =	simm.s32 $0x2;
	s5 =	sadd.s32 s9, s5  }
0xb: {  	s10 =	ssub.s32 s10, s28;
	s13 =	sadd.s32 s29, s2;
	s9 =	sshrl.u32 s5, $0x3  }
0xc: {  	s31 =	sadd.s32 s12, s8;
	s12 =	simm.s32 $0x4000;
	s9 =	sadd.s32 s9, s7  }
0xd: {  	s5 =	sadd.s32 $0x2600, s7;
	s7 =	sadd.s32 $0x10000, s31;
	s8 =	sadd.s32 $0x4E00, s9  }
0xe: {  	s9 =	smax.u32 s10, $0x1;
	s10 =	sshrl.u32 s13, $0x3;
	s13 =	simm.s32 $0x50  }
.LBB2_1:
0xf: {  	[spmem:s10], [sflag:s6] =	dma.local [hbm:s5], $0x2780  }
0x10: {  	_ =	swait.ge [sflag:s11], $0x2780  }
0x11: {  	[sflag:s11] =	ssyncset.done $0x0  }
0x12: {  	[sflag:s11] =	ssyncadd.s32 $0xFFFFD880  }
0x13: {  	[tilespmem:s3], [sflag:$0x2] =	stream.linear.gather [hbm4b:s7+s3], $0x3E80, $0x38;
	[tilespmem:$0x1A400] =	vst v63  }
0x14: {  	_ =	swait.ge [sflag:s11], $0x3E80  }
0x15: {  	[sflag:s11] =	ssyncset.done $0x0  }
0x16: {  	[sflag:s11] =	ssyncadd.s32 $0xFFFFC180  }
0x17: {  	[tilespmem:s12], [sflag:$0x2] =	stream.linear.gather [hbm4b:s4+s3], $0x2800, $0x38;
	[tilespmem:$0x1A400] =	vst v63  }
0x18: {  	_ =	swait.ge [sflag:s11], $0x2800  }
0x19: {  	[sflag:s11] =	ssyncset.done $0x0  }
0x1a: {  	[sflag:s11] =	ssyncadd.s32 $0xFFFFD800  }
0x1b: {  	s16 =	simm.s32 $0x0;
	[bflag:$0x0] =	sbarrier.arrive $0xFFFF  }
0x1c: {  	[spmem:s2] =	stream.indirect.scatter.add.f32 [tilespmem:s12], [sflag:$0x1], $0x80, s16, s13, $0xb8;
	[tilespmem:$0x1A400] =	vst v63  }
0x1d: {  	s21 =	simm.s32 $0x80  }
0x1e: {  	[spmem:s2] =	stream.indirect.scatter.add.f32 [tilespmem:s12], [sflag:$0x1], $0x80, s21, s13, $0xb8;
	[tilespmem:$0x1A400] =	vst v63  }
0x1f: {  	s22 =	simm.s32 $0x100  }
0x20: {  	[spmem:s2] =	stream.indirect.scatter.add.f32 [tilespmem:s12], [sflag:$0x1], $0x80, s22, s13, $0xb8;
	[tilespmem:$0x1A400] =	vst v63  }
0x21: {  	s23 =	simm.s32 $0x180  }
0x22: {  	[spmem:s2] =	stream.indirect.scatter.add.f32 [tilespmem:s12], [sflag:$0x1], $0x80, s23, s13, $0xb8;
	[tilespmem:$0x1A400] =	vst v63  }
0x23: {  	s24 =	simm.s32 $0x200  }
0x24: {  	[spmem:s2] =	stream.indirect.scatter.add.f32 [tilespmem:s12], [sflag:$0x1], $0x80, s24, s13, $0xb8;
	[tilespmem:$0x1A400] =	vst v63  }
0x25: {  	s25 =	simm.s32 $0x280  }
0x26: {  	[spmem:s2] =	stream.indirect.scatter.add.f32 [tilespmem:s12], [sflag:$0x1], $0x80, s25, s13, $0xb8;
	[tilespmem:$0x1A400] =	vst v63  }
0x27: {  	s26 =	simm.s32 $0x300  }
0x28: {  	[spmem:s2] =	stream.indirect.scatter.add.f32 [tilespmem:s12], [sflag:$0x1], $0x80, s26, s13, $0xb8;
	[tilespmem:$0x1A400] =	vst v63  }
0x29: {  	s28 =	simm.s32 $0x380  }
0x2a: {  	[spmem:s2] =	stream.indirect.scatter.add.f32 [tilespmem:s12], [sflag:$0x1], $0x80, s28, s13, $0xb8;
	[tilespmem:$0x1A400] =	vst v63  }
0x2b: {  	s29 =	simm.s32 $0x400  }
0x2c: {  	[spmem:s2] =	stream.indirect.scatter.add.f32 [tilespmem:s12], [sflag:$0x1], $0x80, s29, s13, $0xb8;
	[tilespmem:$0x1A400] =	vst v63  }
0x2d: {  	s30 =	simm.s32 $0x480  }
0x2e: {  	[spmem:s2] =	stream.indirect.scatter.add.f32 [tilespmem:s12], [sflag:$0x1], $0x80, s30, s13, $0xb8;
	[tilespmem:$0x1A400] =	vst v63  }
0x2f: {  	s31 =	simm.s32 $0x500  }
0x30: {  	[spmem:s2] =	stream.indirect.scatter.add.f32 [tilespmem:s12], [sflag:$0x1], $0x80, s31, s13, $0xb8;
	[tilespmem:$0x1A400] =	vst v63  }
0x31: {  	s17 =	simm.s32 $0x580  }
0x32: {  	[spmem:s2] =	stream.indirect.scatter.add.f32 [tilespmem:s12], [sflag:$0x1], $0x80, s17, s13, $0xb8;
	[tilespmem:$0x1A400] =	vst v63  }
0x33: {  	s18 =	simm.s32 $0x600  }
0x34: {  	[spmem:s2] =	stream.indirect.scatter.add.f32 [tilespmem:s12], [sflag:$0x1], $0x80, s18, s13, $0xb8;
	[tilespmem:$0x1A400] =	vst v63  }
0x35: {  	s19 =	simm.s32 $0x680  }
0x36: {  	[spmem:s2] =	stream.indirect.scatter.add.f32 [tilespmem:s12], [sflag:$0x1], $0x80, s19, s13, $0xb8;
	[tilespmem:$0x1A400] =	vst v63  }
0x37: {  	s20 =	simm.s32 $0x700  }
0x38: {  	[spmem:s2] =	stream.indirect.scatter.add.f32 [tilespmem:s12], [sflag:$0x1], $0x80, s20, s13, $0xb8;
	[tilespmem:$0x1A400] =	vst v63  }
0x39: {  	s21 =	simm.s32 $0x780  }
0x3a: {  	[spmem:s2] =	stream.indirect.scatter.add.f32 [tilespmem:s12], [sflag:$0x1], $0x80, s21, s13, $0xb8;
	[tilespmem:$0x1A400] =	vst v63  }
0x3b: {  	s22 =	simm.s32 $0x800  }
0x3c: {  	[spmem:s2] =	stream.indirect.scatter.add.f32 [tilespmem:s12], [sflag:$0x1], $0x80, s22, s13, $0xb8;
	[tilespmem:$0x1A400] =	vst v63  }
0x3d: {  	s23 =	simm.s32 $0x880  }
0x3e: {  	[spmem:s2] =	stream.indirect.scatter.add.f32 [tilespmem:s12], [sflag:$0x1], $0x80, s23, s13, $0xb8;
	[tilespmem:$0x1A400] =	vst v63  }
0x3f: {  	s24 =	simm.s32 $0x900  }
0x40: {  	[spmem:s2] =	stream.indirect.scatter.add.f32 [tilespmem:s12], [sflag:$0x1], $0x80, s24, s13, $0xb8;
	[tilespmem:$0x1A400] =	vst v63  }
0x41: {  	s25 =	simm.s32 $0x980  }
0x42: {  	[spmem:s2] =	stream.indirect.scatter.add.f32 [tilespmem:s12], [sflag:$0x1], $0x80, s25, s13, $0xb8;
	[tilespmem:$0x1A400] =	vst v63  }
0x43: {  	s26 =	simm.s32 $0xA00  }
0x44: {  	[spmem:s2] =	stream.indirect.scatter.add.f32 [tilespmem:s12], [sflag:$0x1], $0x80, s26, s13, $0xb8;
	[tilespmem:$0x1A400] =	vst v63  }
0x45: {  	s28 =	simm.s32 $0xA80  }
0x46: {  	[spmem:s2] =	stream.indirect.scatter.add.f32 [tilespmem:s12], [sflag:$0x1], $0x80, s28, s13, $0xb8;
	[tilespmem:$0x1A400] =	vst v63  }
0x47: {  	s29 =	simm.s32 $0xB00  }
0x48: {  	[spmem:s2] =	stream.indirect.scatter.add.f32 [tilespmem:s12], [sflag:$0x1], $0x80, s29, s13, $0xb8;
	[tilespmem:$0x1A400] =	vst v63  }
0x49: {  	s30 =	simm.s32 $0xB80  }
0x4a: {  	[spmem:s2] =	stream.indirect.scatter.add.f32 [tilespmem:s12], [sflag:$0x1], $0x80, s30, s13, $0xb8;
	[tilespmem:$0x1A400] =	vst v63  }
0x4b: {  	s31 =	simm.s32 $0xC00  }
0x4c: {  	[spmem:s2] =	stream.indirect.scatter.add.f32 [tilespmem:s12], [sflag:$0x1], $0x80, s31, s13, $0xb8;
	[tilespmem:$0x1A400] =	vst v63  }
0x4d: {  	_ =	swait.ge [sflag:s14], $0x2800  }
0x4e: {  	[sflag:s14] =	ssyncset.done $0x0  }
0x4f: {  	[sflag:s14] =	ssyncadd.s32 $0xFFFFD800  }
0x50: {  	_ =	swait.ge [sflag:s14], $0x2800  }
0x51: {  	[sflag:s14] =	ssyncset.done $0x0  }
0x52: {  	[sflag:s14] =	ssyncadd.s32 $0xFFFFD800  }
0x53: {  	_ =	swait.ge [sflag:s14], $0x2800  }
0x54: {  	[sflag:s14] =	ssyncset.done $0x0  }
0x55: {  	[sflag:s14] =	ssyncadd.s32 $0xFFFFD800  }
0x56: {  	_ =	swait.ge [sflag:s14], $0x2800  }
0x57: {  	[sflag:s14] =	ssyncset.done $0x0  }
0x58: {  	[sflag:s14] =	ssyncadd.s32 $0xFFFFD800  }
0x59: {  	_ =	swait.ge [sflag:s14], $0x2800  }
0x5a: {  	[sflag:s14] =	ssyncset.done $0x0  }
0x5b: {  	[sflag:s14] =	ssyncadd.s32 $0xFFFFD800  }
0x5c: {  	_ =	swait.ge [sflag:s14], $0x2800  }
0x5d: {  	[sflag:s14] =	ssyncset.done $0x0  }
0x5e: {  	[sflag:s14] =	ssyncadd.s32 $0xFFFFD800  }
0x5f: {  	_ =	swait.ge [sflag:s14], $0x2800  }
0x60: {  	[sflag:s14] =	ssyncset.done $0x0  }
0x61: {  	[sflag:s14] =	ssyncadd.s32 $0xFFFFD800  }
0x62: {  	_ =	swait.ge [sflag:s14], $0x2800  }
0x63: {  	[sflag:s14] =	ssyncset.done $0x0  }
0x64: {  	[sflag:s14] =	ssyncadd.s32 $0xFFFFD800  }
0x65: {  	_ =	swait.ge [sflag:s14], $0x2800  }
0x66: {  	[sflag:s14] =	ssyncset.done $0x0  }
0x67: {  	[sflag:s14] =	ssyncadd.s32 $0xFFFFD800  }
0x68: {  	_ =	swait.ge [sflag:s14], $0x2800  }
0x69: {  	[sflag:s14] =	ssyncset.done $0x0  }
0x6a: {  	[sflag:s14] =	ssyncadd.s32 $0xFFFFD800  }
0x6b: {  	_ =	swait.ge [sflag:s14], $0x2800  }
0x6c: {  	[sflag:s14] =	ssyncset.done $0x0  }
0x6d: {  	[sflag:s14] =	ssyncadd.s32 $0xFFFFD800  }
0x6e: {  	_ =	swait.ge [sflag:s14], $0x2800  }
0x6f: {  	[sflag:s14] =	ssyncset.done $0x0  }
0x70: {  	[sflag:s14] =	ssyncadd.s32 $0xFFFFD800  }
0x71: {  	_ =	swait.ge [sflag:s14], $0x2800  }
0x72: {  	[sflag:s14] =	ssyncset.done $0x0  }
0x73: {  	[sflag:s14] =	ssyncadd.s32 $0xFFFFD800  }
0x74: {  	_ =	swait.ge [sflag:s14], $0x2800  }
0x75: {  	[sflag:s14] =	ssyncset.done $0x0  }
0x76: {  	[sflag:s14] =	ssyncadd.s32 $0xFFFFD800  }
0x77: {  	_ =	swait.ge [sflag:s14], $0x2800  }
0x78: {  	[sflag:s14] =	ssyncset.done $0x0  }
0x79: {  	[sflag:s14] =	ssyncadd.s32 $0xFFFFD800  }
0x7a: {  	_ =	swait.ge [sflag:s14], $0x2800  }
0x7b: {  	[sflag:s14] =	ssyncset.done $0x0  }
0x7c: {  	[sflag:s14] =	ssyncadd.s32 $0xFFFFD800  }
0x7d: {  	_ =	swait.ge [sflag:s14], $0x2800  }
0x7e: {  	[sflag:s14] =	ssyncset.done $0x0  }
0x7f: {  	[sflag:s14] =	ssyncadd.s32 $0xFFFFD800  }
0x80: {  	_ =	swait.ge [sflag:s14], $0x2800  }
0x81: {  	[sflag:s14] =	ssyncset.done $0x0  }
0x82: {  	[sflag:s14] =	ssyncadd.s32 $0xFFFFD800  }
0x83: {  	_ =	swait.ge [sflag:s14], $0x2800  }
0x84: {  	[sflag:s14] =	ssyncset.done $0x0  }
0x85: {  	[sflag:s14] =	ssyncadd.s32 $0xFFFFD800  }
0x86: {  	_ =	swait.ge [sflag:s14], $0x2800  }
0x87: {  	[sflag:s14] =	ssyncset.done $0x0  }
0x88: {  	[sflag:s14] =	ssyncadd.s32 $0xFFFFD800  }
0x89: {  	_ =	swait.ge [sflag:s14], $0x2800  }
0x8a: {  	[sflag:s14] =	ssyncset.done $0x0  }
0x8b: {  	[sflag:s14] =	ssyncadd.s32 $0xFFFFD800  }
0x8c: {  	_ =	swait.ge [sflag:s14], $0x2800  }
0x8d: {  	[sflag:s14] =	ssyncset.done $0x0  }
0x8e: {  	[sflag:s14] =	ssyncadd.s32 $0xFFFFD800  }
0x8f: {  	_ =	swait.ge [sflag:s14], $0x2800  }
0x90: {  	[sflag:s14] =	ssyncset.done $0x0  }
0x91: {  	[sflag:s14] =	ssyncadd.s32 $0xFFFFD800  }
0x92: {  	_ =	swait.ge [sflag:s14], $0x2800  }
0x93: {  	[sflag:s14] =	ssyncset.done $0x0  }
0x94: {  	[sflag:s14] =	ssyncadd.s32 $0xFFFFD800  }
0x95: {  	_ =	swait.ge [sflag:s14], $0x2800  }
0x96: {  	s16 =	simm.s32 $0x3200;
	s19 =	simm.s32 $0x6400;
	[sflag:s14] =	ssyncset.done $0x0  }
.LBB2_2:
0x97: {  	s18 =	sshra.s32 s16, $0x2  }
0x98: {  	[sflag:s14] =	ssyncadd.s32 $0xFFFFD800;
	s16 =	smov.u32 s19;
	s17 =	sadd.s32 $0x3200, s19  }
0x99: {  	[spmem:s2] =	stream.indirect.scatter.add.f32 [tilespmem:s12], [sflag:$0x1], $0x80, s18, s13, $0xb8;
	[tilespmem:$0x1A400] =	vst v63  }
0x9a: {  	p0 =	sne.s32 s19, $0xC800;
	s19 =	sadd.s32 $0x80, s18  }
0x9b: {  	[spmem:s2] =	stream.indirect.scatter.add.f32 [tilespmem:s12], [sflag:$0x1], $0x80, s19, s13, $0xb8;
	[tilespmem:$0x1A400] =	vst v63  }
0x9c: {  	s19 =	sadd.s32 $0x100, s18  }
0x9d: {  	[spmem:s2] =	stream.indirect.scatter.add.f32 [tilespmem:s12], [sflag:$0x1], $0x80, s19, s13, $0xb8;
	[tilespmem:$0x1A400] =	vst v63  }
0x9e: {  	s19 =	sadd.s32 $0x180, s18  }
0x9f: {  	[spmem:s2] =	stream.indirect.scatter.add.f32 [tilespmem:s12], [sflag:$0x1], $0x80, s19, s13, $0xb8;
	[tilespmem:$0x1A400] =	vst v63  }
0xa0: {  	s19 =	sadd.s32 $0x200, s18  }
0xa1: {  	[spmem:s2] =	stream.indirect.scatter.add.f32 [tilespmem:s12], [sflag:$0x1], $0x80, s19, s13, $0xb8;
	[tilespmem:$0x1A400] =	vst v63  }
0xa2: {  	s19 =	sadd.s32 $0x280, s18  }
0xa3: {  	[spmem:s2] =	stream.indirect.scatter.add.f32 [tilespmem:s12], [sflag:$0x1], $0x80, s19, s13, $0xb8;
	[tilespmem:$0x1A400] =	vst v63  }
0xa4: {  	s19 =	sadd.s32 $0x300, s18  }
0xa5: {  	[spmem:s2] =	stream.indirect.scatter.add.f32 [tilespmem:s12], [sflag:$0x1], $0x80, s19, s13, $0xb8;
	[tilespmem:$0x1A400] =	vst v63  }
0xa6: {  	s19 =	sadd.s32 $0x380, s18  }
0xa7: {  	[spmem:s2] =	stream.indirect.scatter.add.f32 [tilespmem:s12], [sflag:$0x1], $0x80, s19, s13, $0xb8;
	[tilespmem:$0x1A400] =	vst v63  }
0xa8: {  	s19 =	sadd.s32 $0x400, s18  }
0xa9: {  	[spmem:s2] =	stream.indirect.scatter.add.f32 [tilespmem:s12], [sflag:$0x1], $0x80, s19, s13, $0xb8;
	[tilespmem:$0x1A400] =	vst v63  }
0xaa: {  	s19 =	sadd.s32 $0x480, s18  }
0xab: {  	[spmem:s2] =	stream.indirect.scatter.add.f32 [tilespmem:s12], [sflag:$0x1], $0x80, s19, s13, $0xb8;
	[tilespmem:$0x1A400] =	vst v63  }
0xac: {  	s19 =	sadd.s32 $0x500, s18  }
0xad: {  	[spmem:s2] =	stream.indirect.scatter.add.f32 [tilespmem:s12], [sflag:$0x1], $0x80, s19, s13, $0xb8;
	[tilespmem:$0x1A400] =	vst v63  }
0xae: {  	s19 =	sadd.s32 $0x580, s18  }
0xaf: {  	[spmem:s2] =	stream.indirect.scatter.add.f32 [tilespmem:s12], [sflag:$0x1], $0x80, s19, s13, $0xb8;
	[tilespmem:$0x1A400] =	vst v63  }
0xb0: {  	s19 =	sadd.s32 $0x600, s18  }
0xb1: {  	[spmem:s2] =	stream.indirect.scatter.add.f32 [tilespmem:s12], [sflag:$0x1], $0x80, s19, s13, $0xb8;
	[tilespmem:$0x1A400] =	vst v63  }
0xb2: {  	s19 =	sadd.s32 $0x680, s18  }
0xb3: {  	[spmem:s2] =	stream.indirect.scatter.add.f32 [tilespmem:s12], [sflag:$0x1], $0x80, s19, s13, $0xb8;
	[tilespmem:$0x1A400] =	vst v63  }
0xb4: {  	s19 =	sadd.s32 $0x700, s18  }
0xb5: {  	[spmem:s2] =	stream.indirect.scatter.add.f32 [tilespmem:s12], [sflag:$0x1], $0x80, s19, s13, $0xb8;
	[tilespmem:$0x1A400] =	vst v63  }
0xb6: {  	s19 =	sadd.s32 $0x780, s18  }
0xb7: {  	[spmem:s2] =	stream.indirect.scatter.add.f32 [tilespmem:s12], [sflag:$0x1], $0x80, s19, s13, $0xb8;
	[tilespmem:$0x1A400] =	vst v63  }
0xb8: {  	s19 =	sadd.s32 $0x800, s18  }
0xb9: {  	[spmem:s2] =	stream.indirect.scatter.add.f32 [tilespmem:s12], [sflag:$0x1], $0x80, s19, s13, $0xb8;
	[tilespmem:$0x1A400] =	vst v63  }
0xba: {  	s19 =	sadd.s32 $0x880, s18  }
0xbb: {  	[spmem:s2] =	stream.indirect.scatter.add.f32 [tilespmem:s12], [sflag:$0x1], $0x80, s19, s13, $0xb8;
	[tilespmem:$0x1A400] =	vst v63  }
0xbc: {  	s19 =	sadd.s32 $0x900, s18  }
0xbd: {  	[spmem:s2] =	stream.indirect.scatter.add.f32 [tilespmem:s12], [sflag:$0x1], $0x80, s19, s13, $0xb8;
	[tilespmem:$0x1A400] =	vst v63  }
0xbe: {  	s19 =	sadd.s32 $0x980, s18  }
0xbf: {  	[spmem:s2] =	stream.indirect.scatter.add.f32 [tilespmem:s12], [sflag:$0x1], $0x80, s19, s13, $0xb8;
	[tilespmem:$0x1A400] =	vst v63  }
0xc0: {  	s19 =	sadd.s32 $0xA00, s18  }
0xc1: {  	[spmem:s2] =	stream.indirect.scatter.add.f32 [tilespmem:s12], [sflag:$0x1], $0x80, s19, s13, $0xb8;
	[tilespmem:$0x1A400] =	vst v63  }
0xc2: {  	s19 =	sadd.s32 $0xA80, s18  }
0xc3: {  	[spmem:s2] =	stream.indirect.scatter.add.f32 [tilespmem:s12], [sflag:$0x1], $0x80, s19, s13, $0xb8;
	[tilespmem:$0x1A400] =	vst v63  }
0xc4: {  	s19 =	sadd.s32 $0xB00, s18  }
0xc5: {  	[spmem:s2] =	stream.indirect.scatter.add.f32 [tilespmem:s12], [sflag:$0x1], $0x80, s19, s13, $0xb8;
	[tilespmem:$0x1A400] =	vst v63  }
0xc6: {  	s19 =	sadd.s32 $0xB80, s18  }
0xc7: {  	[spmem:s2] =	stream.indirect.scatter.add.f32 [tilespmem:s12], [sflag:$0x1], $0x80, s19, s13, $0xb8;
	[tilespmem:$0x1A400] =	vst v63  }
0xc8: {  	s18 =	sadd.s32 $0xC00, s18  }
0xc9: {  	[spmem:s2] =	stream.indirect.scatter.add.f32 [tilespmem:s12], [sflag:$0x1], $0x80, s18, s13, $0xb8;
	[tilespmem:$0x1A400] =	vst v63  }
0xca: {  	_ =	swait.ge [sflag:s14], $0x2800  }
0xcb: {  	[sflag:s14] =	ssyncset.done $0x0  }
0xcc: {  	[sflag:s14] =	ssyncadd.s32 $0xFFFFD800  }
0xcd: {  	_ =	swait.ge [sflag:s14], $0x2800  }
0xce: {  	[sflag:s14] =	ssyncset.done $0x0  }
0xcf: {  	[sflag:s14] =	ssyncadd.s32 $0xFFFFD800  }
0xd0: {  	_ =	swait.ge [sflag:s14], $0x2800  }
0xd1: {  	[sflag:s14] =	ssyncset.done $0x0  }
0xd2: {  	[sflag:s14] =	ssyncadd.s32 $0xFFFFD800  }
0xd3: {  	_ =	swait.ge [sflag:s14], $0x2800  }
0xd4: {  	[sflag:s14] =	ssyncset.done $0x0  }
0xd5: {  	[sflag:s14] =	ssyncadd.s32 $0xFFFFD800  }
0xd6: {  	_ =	swait.ge [sflag:s14], $0x2800  }
0xd7: {  	[sflag:s14] =	ssyncset.done $0x0  }
0xd8: {  	[sflag:s14] =	ssyncadd.s32 $0xFFFFD800  }
0xd9: {  	_ =	swait.ge [sflag:s14], $0x2800  }
0xda: {  	[sflag:s14] =	ssyncset.done $0x0  }
0xdb: {  	[sflag:s14] =	ssyncadd.s32 $0xFFFFD800  }
0xdc: {  	_ =	swait.ge [sflag:s14], $0x2800  }
0xdd: {  	[sflag:s14] =	ssyncset.done $0x0  }
0xde: {  	[sflag:s14] =	ssyncadd.s32 $0xFFFFD800  }
0xdf: {  	_ =	swait.ge [sflag:s14], $0x2800  }
0xe0: {  	[sflag:s14] =	ssyncset.done $0x0  }
0xe1: {  	[sflag:s14] =	ssyncadd.s32 $0xFFFFD800  }
0xe2: {  	_ =	swait.ge [sflag:s14], $0x2800  }
0xe3: {  	[sflag:s14] =	ssyncset.done $0x0  }
0xe4: {  	[sflag:s14] =	ssyncadd.s32 $0xFFFFD800  }
0xe5: {  	_ =	swait.ge [sflag:s14], $0x2800  }
0xe6: {  	[sflag:s14] =	ssyncset.done $0x0  }
0xe7: {  	[sflag:s14] =	ssyncadd.s32 $0xFFFFD800  }
0xe8: {  	_ =	swait.ge [sflag:s14], $0x2800  }
0xe9: {  	[sflag:s14] =	ssyncset.done $0x0  }
0xea: {  	[sflag:s14] =	ssyncadd.s32 $0xFFFFD800  }
0xeb: {  	_ =	swait.ge [sflag:s14], $0x2800  }
0xec: {  	[sflag:s14] =	ssyncset.done $0x0  }
0xed: {  	[sflag:s14] =	ssyncadd.s32 $0xFFFFD800  }
0xee: {  	_ =	swait.ge [sflag:s14], $0x2800  }
0xef: {  	[sflag:s14] =	ssyncset.done $0x0  }
0xf0: {  	[sflag:s14] =	ssyncadd.s32 $0xFFFFD800  }
0xf1: {  	_ =	swait.ge [sflag:s14], $0x2800  }
0xf2: {  	[sflag:s14] =	ssyncset.done $0x0  }
0xf3: {  	[sflag:s14] =	ssyncadd.s32 $0xFFFFD800  }
0xf4: {  	_ =	swait.ge [sflag:s14], $0x2800  }
0xf5: {  	[sflag:s14] =	ssyncset.done $0x0  }
0xf6: {  	[sflag:s14] =	ssyncadd.s32 $0xFFFFD800  }
0xf7: {  	_ =	swait.ge [sflag:s14], $0x2800  }
0xf8: {  	[sflag:s14] =	ssyncset.done $0x0  }
0xf9: {  	[sflag:s14] =	ssyncadd.s32 $0xFFFFD800  }
0xfa: {  	_ =	swait.ge [sflag:s14], $0x2800  }
0xfb: {  	[sflag:s14] =	ssyncset.done $0x0  }
0xfc: {  	[sflag:s14] =	ssyncadd.s32 $0xFFFFD800  }
0xfd: {  	_ =	swait.ge [sflag:s14], $0x2800  }
0xfe: {  	[sflag:s14] =	ssyncset.done $0x0  }
0xff: {  	[sflag:s14] =	ssyncadd.s32 $0xFFFFD800  }
0x100: {  	_ =	swait.ge [sflag:s14], $0x2800  }
0x101: {  	[sflag:s14] =	ssyncset.done $0x0  }
0x102: {  	[sflag:s14] =	ssyncadd.s32 $0xFFFFD800  }
0x103: {  	_ =	swait.ge [sflag:s14], $0x2800  }
0x104: {  	[sflag:s14] =	ssyncset.done $0x0  }
0x105: {  	[sflag:s14] =	ssyncadd.s32 $0xFFFFD800  }
0x106: {  	_ =	swait.ge [sflag:s14], $0x2800  }
0x107: {  	[sflag:s14] =	ssyncset.done $0x0  }
0x108: {  	[sflag:s14] =	ssyncadd.s32 $0xFFFFD800  }
0x109: {  	_ =	swait.ge [sflag:s14], $0x2800  }
0x10a: {  	[sflag:s14] =	ssyncset.done $0x0  }
0x10b: {  	[sflag:s14] =	ssyncadd.s32 $0xFFFFD800  }
0x10c: {  	_ =	swait.ge [sflag:s14], $0x2800  }
0x10d: {  	[sflag:s14] =	ssyncset.done $0x0  }
0x10e: {  	[sflag:s14] =	ssyncadd.s32 $0xFFFFD800  }
.Ltmp0:
0x10f: {  	_ =	swait.ge [sflag:s14], $0x2800;
	(pc) =	sbr.rel @p0 .LBB2_2-.Ltmp0, $4  }
0x110: {  	[sflag:s14] =	ssyncset.done $0x0  }
0x111: {  	[sflag:s14] =	ssyncadd.s32 $0xFFFFD800  }
0x112: {  	_ =	swait.ge [sflag:s14], $0x2800  }
0x113: {  	s19 =	smov.u32 s17;
	[sflag:s14] =	ssyncset.done $0x0  }
0x114: {  	s16 =	sshra.s32 s16, $0x2;
	[sflag:s14] =	ssyncadd.s32 $0xFFFFD800  }
0x115: {  	[spmem:s2] =	stream.indirect.scatter.add.f32 [tilespmem:s12], [sflag:$0x1], $0x80, s16, s13, $0xb8;
	[tilespmem:$0x1A400] =	vst v63  }
0x116: {  	s17 =	sadd.s32 $0x80, s16  }
0x117: {  	[spmem:s2] =	stream.indirect.scatter.add.f32 [tilespmem:s12], [sflag:$0x1], $0x80, s17, s13, $0xb8;
	[tilespmem:$0x1A400] =	vst v63  }
0x118: {  	s22 =	sadd.s32 $0x100, s16  }
0x119: {  	[spmem:s2] =	stream.indirect.scatter.add.f32 [tilespmem:s12], [sflag:$0x1], $0x80, s22, s13, $0xb8;
	[tilespmem:$0x1A400] =	vst v63  }
0x11a: {  	s23 =	sadd.s32 $0x180, s16  }
0x11b: {  	[spmem:s2] =	stream.indirect.scatter.add.f32 [tilespmem:s12], [sflag:$0x1], $0x80, s23, s13, $0xb8;
	[tilespmem:$0x1A400] =	vst v63  }
0x11c: {  	s24 =	sadd.s32 $0x200, s16  }
0x11d: {  	[spmem:s2] =	stream.indirect.scatter.add.f32 [tilespmem:s12], [sflag:$0x1], $0x80, s24, s13, $0xb8;
	[tilespmem:$0x1A400] =	vst v63  }
0x11e: {  	s25 =	sadd.s32 $0x280, s16  }
0x11f: {  	[spmem:s2] =	stream.indirect.scatter.add.f32 [tilespmem:s12], [sflag:$0x1], $0x80, s25, s13, $0xb8;
	[tilespmem:$0x1A400] =	vst v63  }
0x120: {  	s26 =	sadd.s32 $0x300, s16  }
0x121: {  	[spmem:s2] =	stream.indirect.scatter.add.f32 [tilespmem:s12], [sflag:$0x1], $0x80, s26, s13, $0xb8;
	[tilespmem:$0x1A400] =	vst v63  }
0x122: {  	s28 =	sadd.s32 $0x380, s16  }
0x123: {  	[spmem:s2] =	stream.indirect.scatter.add.f32 [tilespmem:s12], [sflag:$0x1], $0x80, s28, s13, $0xb8;
	[tilespmem:$0x1A400] =	vst v63  }
0x124: {  	s29 =	sadd.s32 $0x400, s16  }
0x125: {  	[spmem:s2] =	stream.indirect.scatter.add.f32 [tilespmem:s12], [sflag:$0x1], $0x80, s29, s13, $0xb8;
	[tilespmem:$0x1A400] =	vst v63  }
0x126: {  	s30 =	sadd.s32 $0x480, s16  }
0x127: {  	[spmem:s2] =	stream.indirect.scatter.add.f32 [tilespmem:s12], [sflag:$0x1], $0x80, s30, s13, $0xb8;
	[tilespmem:$0x1A400] =	vst v63  }
0x128: {  	s31 =	sadd.s32 $0x500, s16  }
0x129: {  	[spmem:s2] =	stream.indirect.scatter.add.f32 [tilespmem:s12], [sflag:$0x1], $0x80, s31, s13, $0xb8;
	[tilespmem:$0x1A400] =	vst v63  }
0x12a: {  	s18 =	sadd.s32 $0x580, s16  }
0x12b: {  	[spmem:s2] =	stream.indirect.scatter.add.f32 [tilespmem:s12], [sflag:$0x1], $0x80, s18, s13, $0xb8;
	[tilespmem:$0x1A400] =	vst v63  }
0x12c: {  	s19 =	sadd.s32 $0x600, s16  }
0x12d: {  	[spmem:s2] =	stream.indirect.scatter.add.f32 [tilespmem:s12], [sflag:$0x1], $0x80, s19, s13, $0xb8;
	[tilespmem:$0x1A400] =	vst v63  }
0x12e: {  	s20 =	sadd.s32 $0x680, s16  }
0x12f: {  	[spmem:s2] =	stream.indirect.scatter.add.f32 [tilespmem:s12], [sflag:$0x1], $0x80, s20, s13, $0xb8;
	[tilespmem:$0x1A400] =	vst v63  }
0x130: {  	s21 =	sadd.s32 $0x700, s16  }
0x131: {  	[spmem:s2] =	stream.indirect.scatter.add.f32 [tilespmem:s12], [sflag:$0x1], $0x80, s21, s13, $0xb8;
	[tilespmem:$0x1A400] =	vst v63  }
0x132: {  	s22 =	sadd.s32 $0x780, s16  }
0x133: {  	[spmem:s2] =	stream.indirect.scatter.add.f32 [tilespmem:s12], [sflag:$0x1], $0x80, s22, s13, $0xb8;
	[tilespmem:$0x1A400] =	vst v63  }
0x134: {  	s23 =	sadd.s32 $0x800, s16  }
0x135: {  	[spmem:s2] =	stream.indirect.scatter.add.f32 [tilespmem:s12], [sflag:$0x1], $0x80, s23, s13, $0xb8;
	[tilespmem:$0x1A400] =	vst v63  }
0x136: {  	s24 =	sadd.s32 $0x880, s16  }
0x137: {  	[spmem:s2] =	stream.indirect.scatter.add.f32 [tilespmem:s12], [sflag:$0x1], $0x80, s24, s13, $0xb8;
	[tilespmem:$0x1A400] =	vst v63  }
0x138: {  	s25 =	sadd.s32 $0x900, s16  }
0x139: {  	[spmem:s2] =	stream.indirect.scatter.add.f32 [tilespmem:s12], [sflag:$0x1], $0x80, s25, s13, $0xb8;
	[tilespmem:$0x1A400] =	vst v63  }
0x13a: {  	s26 =	sadd.s32 $0x980, s16  }
0x13b: {  	[spmem:s2] =	stream.indirect.scatter.add.f32 [tilespmem:s12], [sflag:$0x1], $0x80, s26, s13, $0xb8;
	[tilespmem:$0x1A400] =	vst v63  }
0x13c: {  	s28 =	sadd.s32 $0xA00, s16  }
0x13d: {  	[spmem:s2] =	stream.indirect.scatter.add.f32 [tilespmem:s12], [sflag:$0x1], $0x80, s28, s13, $0xb8;
	[tilespmem:$0x1A400] =	vst v63  }
0x13e: {  	s29 =	sadd.s32 $0xA80, s16  }
0x13f: {  	[spmem:s2] =	stream.indirect.scatter.add.f32 [tilespmem:s12], [sflag:$0x1], $0x80, s29, s13, $0xb8;
	[tilespmem:$0x1A400] =	vst v63  }
0x140: {  	s30 =	sadd.s32 $0xB00, s16  }
0x141: {  	[spmem:s2] =	stream.indirect.scatter.add.f32 [tilespmem:s12], [sflag:$0x1], $0x80, s30, s13, $0xb8;
	[tilespmem:$0x1A400] =	vst v63  }
0x142: {  	s31 =	sadd.s32 $0xB80, s16  }
0x143: {  	[spmem:s2] =	stream.indirect.scatter.add.f32 [tilespmem:s12], [sflag:$0x1], $0x80, s31, s13, $0xb8;
	[tilespmem:$0x1A400] =	vst v63  }
0x144: {  	s16 =	sadd.s32 $0xC00, s16  }
0x145: {  	[spmem:s2] =	stream.indirect.scatter.add.f32 [tilespmem:s12], [sflag:$0x1], $0x80, s16, s13, $0xb8;
	[tilespmem:$0x1A400] =	vst v63  }
0x146: {  	_ =	swait.ge [sflag:s14], $0x2800  }
0x147: {  	[sflag:s14] =	ssyncset.done $0x0  }
0x148: {  	[sflag:s14] =	ssyncadd.s32 $0xFFFFD800  }
0x149: {  	_ =	swait.ge [sflag:s14], $0x2800  }
0x14a: {  	[sflag:s14] =	ssyncset.done $0x0  }
0x14b: {  	[sflag:s14] =	ssyncadd.s32 $0xFFFFD800  }
0x14c: {  	_ =	swait.ge [sflag:s14], $0x2800  }
0x14d: {  	[sflag:s14] =	ssyncset.done $0x0  }
0x14e: {  	[sflag:s14] =	ssyncadd.s32 $0xFFFFD800  }
0x14f: {  	_ =	swait.ge [sflag:s14], $0x2800  }
0x150: {  	[sflag:s14] =	ssyncset.done $0x0  }
0x151: {  	[sflag:s14] =	ssyncadd.s32 $0xFFFFD800  }
0x152: {  	_ =	swait.ge [sflag:s14], $0x2800  }
0x153: {  	[sflag:s14] =	ssyncset.done $0x0  }
0x154: {  	[sflag:s14] =	ssyncadd.s32 $0xFFFFD800  }
0x155: {  	_ =	swait.ge [sflag:s14], $0x2800  }
0x156: {  	[sflag:s14] =	ssyncset.done $0x0  }
0x157: {  	[sflag:s14] =	ssyncadd.s32 $0xFFFFD800  }
0x158: {  	_ =	swait.ge [sflag:s14], $0x2800  }
0x159: {  	[sflag:s14] =	ssyncset.done $0x0  }
0x15a: {  	[sflag:s14] =	ssyncadd.s32 $0xFFFFD800  }
0x15b: {  	_ =	swait.ge [sflag:s14], $0x2800  }
0x15c: {  	[sflag:s14] =	ssyncset.done $0x0  }
0x15d: {  	[sflag:s14] =	ssyncadd.s32 $0xFFFFD800  }
0x15e: {  	_ =	swait.ge [sflag:s14], $0x2800  }
0x15f: {  	[sflag:s14] =	ssyncset.done $0x0  }
0x160: {  	[sflag:s14] =	ssyncadd.s32 $0xFFFFD800  }
0x161: {  	_ =	swait.ge [sflag:s14], $0x2800  }
0x162: {  	[sflag:s14] =	ssyncset.done $0x0  }
0x163: {  	[sflag:s14] =	ssyncadd.s32 $0xFFFFD800  }
0x164: {  	_ =	swait.ge [sflag:s14], $0x2800  }
0x165: {  	[sflag:s14] =	ssyncset.done $0x0  }
0x166: {  	[sflag:s14] =	ssyncadd.s32 $0xFFFFD800  }
0x167: {  	_ =	swait.ge [sflag:s14], $0x2800  }
0x168: {  	[sflag:s14] =	ssyncset.done $0x0  }
0x169: {  	[sflag:s14] =	ssyncadd.s32 $0xFFFFD800  }
0x16a: {  	_ =	swait.ge [sflag:s14], $0x2800  }
0x16b: {  	[sflag:s14] =	ssyncset.done $0x0  }
0x16c: {  	[sflag:s14] =	ssyncadd.s32 $0xFFFFD800  }
0x16d: {  	_ =	swait.ge [sflag:s14], $0x2800  }
0x16e: {  	[sflag:s14] =	ssyncset.done $0x0  }
0x16f: {  	[sflag:s14] =	ssyncadd.s32 $0xFFFFD800  }
0x170: {  	_ =	swait.ge [sflag:s14], $0x2800  }
0x171: {  	[sflag:s14] =	ssyncset.done $0x0  }
0x172: {  	[sflag:s14] =	ssyncadd.s32 $0xFFFFD800  }
0x173: {  	_ =	swait.ge [sflag:s14], $0x2800  }
0x174: {  	[sflag:s14] =	ssyncset.done $0x0  }
0x175: {  	[sflag:s14] =	ssyncadd.s32 $0xFFFFD800  }
0x176: {  	_ =	swait.ge [sflag:s14], $0x2800  }
0x177: {  	[sflag:s14] =	ssyncset.done $0x0  }
0x178: {  	[sflag:s14] =	ssyncadd.s32 $0xFFFFD800  }
0x179: {  	_ =	swait.ge [sflag:s14], $0x2800  }
0x17a: {  	[sflag:s14] =	ssyncset.done $0x0  }
0x17b: {  	[sflag:s14] =	ssyncadd.s32 $0xFFFFD800  }
0x17c: {  	_ =	swait.ge [sflag:s14], $0x2800  }
0x17d: {  	[sflag:s14] =	ssyncset.done $0x0  }
0x17e: {  	[sflag:s14] =	ssyncadd.s32 $0xFFFFD800  }
0x17f: {  	_ =	swait.ge [sflag:s14], $0x2800  }
0x180: {  	[sflag:s14] =	ssyncset.done $0x0  }
0x181: {  	[sflag:s14] =	ssyncadd.s32 $0xFFFFD800  }
0x182: {  	_ =	swait.ge [sflag:s14], $0x2800  }
0x183: {  	[sflag:s14] =	ssyncset.done $0x0  }
0x184: {  	[sflag:s14] =	ssyncadd.s32 $0xFFFFD800  }
0x185: {  	_ =	swait.ge [sflag:s14], $0x2800  }
0x186: {  	[sflag:s14] =	ssyncset.done $0x0  }
0x187: {  	[sflag:s14] =	ssyncadd.s32 $0xFFFFD800  }
0x188: {  	_ =	swait.ge [sflag:s14], $0x2800  }
0x189: {  	[sflag:s14] =	ssyncset.done $0x0  }
0x18a: {  	[sflag:s14] =	ssyncadd.s32 $0xFFFFD800  }
0x18b: {  	_ =	swait.ge [sflag:s14], $0x2800  }
0x18c: {  	[sflag:s14] =	ssyncset.done $0x0  }
0x18d: {  	[sflag:s14] =	ssyncadd.s32 $0xFFFFD800  }
0x18e: {  	_ =	swait.ge [sflag:s14], $0x2800  }
0x18f: {  	s15 =	sadd.s32 $0x1, s15;
	[sflag:s14] =	ssyncset.done $0x0  }
0x190: {  	p0 =	sne.s32 s15, s9;
	[sflag:s14] =	ssyncadd.s32 $0xFFFFD800  }
.Ltmp1:
0x191: {  	[bflag:$0x0] =	sbarrier.arrive $0xFFFF;
	(pc) =	sbr.rel @p0 .LBB2_1-.Ltmp1, $4  }
0x192: {  	[hbm:s8], [sflag:s6] =	dma.local [spmem:s10], $0x2780  }
0x193: {  	_ =	swait.ge [sflag:s11], $0x2780  }
0x194: {  	[sflag:s11] =	ssyncset.done $0x0  }
0x195: {  	[sflag:s11] =	ssyncadd.s32 $0xFFFFD880  }
0x196: {  	_ =	sfence.sel $0x180000  }
0x197: {  	[bflag:$0x0] =	sbarrier.arrive $0xFFFF  }
0x198: {  	p0 =	sne.s32 s1, $0x0;
	_ =	strace $0x90000047  }
0x199: {  	s0 =	sadd.s32 @!p0 $0x100000, s0;
	[bflag:$0x2] =	sbarrier.arrive $0xFFFF  }
0x19a: {  	[sflag:s0] =	ssyncadd.tile.s32 @!p0 $0x1;
	_ =	shalt  }
.Lfunc_end2:
_tile_overlayer_lowered:
.L_overlay_start_2:
0x19b: {  	(tag) =	ssettag $0x2  }
0x19c: {  	s0 =	rddreg [dreg:$0x0];
	s2 =	stileid.u32  }
0x19d: {  	s1 =	rddreg [dreg:$0x1];
	p0 =	sne.s32 s2, $0x0  }
0x19e: {  	s3 =	rddreg [dreg:$0x2];
	[bflag:$0x3] =	sbarrier.arrive $0xFFFF;
	s2 =	simm.s32 @!p0 $0x1C02  }
0x19f: {  	[timem:s3], [sflag:s2] =	dma.local @!p0 [hbm:s0], s1  }
0x1a0: {  	s0 =	simm.s32 @!p0 $0x2  }
0x1a1: {  	_ =	swait.ge @!p0 [sflag:s0], s1  }
0x1a2: {  	s1 =	ssub.s32 @!p0 $0x0, s1;
	[sflag:s0] =	ssyncset.done @!p0 $0x0  }
0x1a3: {  	[sflag:s0] =	ssyncadd.s32 @!p0 s1  }
0x1a4: {  	[bflag:$0x3] =	sbarrier.arrive $0xFFFF  }
0x1a5: {  	_ =	shalt  }

</sc_bundles>
